<compile_context>
chip_gen: v7x
topology: tpu7x:2x2x1
jax: 0.10.2.dev20260603
libtpu: 0.0.44.dev20260713+nightly
codegen_flags: <defaults>
</compile_context>

<pallas_src>
import functools

import jax
import jax.numpy as jnp
import numpy as np
from jax import lax
from jax.experimental import pallas as pl
from jax.experimental.pallas import tpu as pltpu
from jax.experimental.pallas import tpu_sc as plsc

_F = 26
_E = 16
_B = 4096
_FE = _F * _E
_FIELD_DIM = 38462
_OFFS = np.arange(_F, dtype=np.int32) * _FIELD_DIM

_NC = 2
_NS = 16
_NW = _NC * _NS
_ROWS = _B * _F
_RPT = _ROWS // _NW
_CHUNK = 128
_NCH = _RPT // _CHUNK

@functools.cache
def _make_sc_gather():
    mesh = plsc.VectorSubcoreMesh(
        core_axis_name="c", subcore_axis_name="s", num_cores=_NC, num_subcores=_NS
    )

    @functools.partial(
        pl.kernel,
        mesh=mesh,
        out_type=jax.ShapeDtypeStruct((_ROWS, _E), jnp.float32),
        scratch_types=[
            pltpu.VMEM((_NCH, _CHUNK), jnp.int32),
            pltpu.VMEM((_RPT, _E), jnp.float32),
            pltpu.SemaphoreType.DMA,
            pltpu.SemaphoreType.DMA,
        ],
        compiler_params=pltpu.CompilerParams(use_tc_tiling_on_sc=False),
    )
    def _sc_gather(idx_hbm, table_hbm, out_hbm, idx_v, rows_v, gsem, wsem):
        wid = lax.axis_index("s") * _NC + lax.axis_index("c")
        pltpu.sync_copy(idx_hbm.at[wid], idx_v)
        gcps = [
            pltpu.async_copy(
                table_hbm.at[idx_v.at[c]],
                rows_v.at[pl.ds(c * _CHUNK, _CHUNK)],
                gsem,
            )
            for c in range(_NCH)
        ]
        wcps = []
        for c in range(_NCH):
            gcps[c].wait()
            wcps.append(
                pltpu.async_copy(
                    rows_v.at[pl.ds(c * _CHUNK, _CHUNK)],
                    out_hbm.at[pl.ds(wid * _RPT + c * _CHUNK, _CHUNK)],
                    wsem,
                )
            )
        for cp in wcps:
            cp.wait()

    return _sc_gather


_GRID = 8
_BB = _B // _GRID


def _tc_fm_body(a_ref, m_ref, w_ref, b_ref, o_ref):
    a = a_ref[...]
    am = jnp.dot(a, m_ref[...], preferred_element_type=jnp.float32)
    t = jnp.sum(a * (am + w_ref[...]), axis=1)[:, None] + b_ref[...]
    o_ref[...] = 1.0 / (1.0 + jnp.exp(-t))


_tc_fm = pl.pallas_call(
    _tc_fm_body,
    grid=(_GRID,),
    in_specs=[
        pl.BlockSpec((_BB, _FE), lambda i: (i, 0)),
        pl.BlockSpec((_FE, _FE), lambda i: (0, 0)),
        pl.BlockSpec((1, _FE), lambda i: (0, 0)),
        pl.BlockSpec((1, 1), lambda i: (0, 0)),
    ],
    out_specs=pl.BlockSpec((_BB, 1), lambda i: (i, 0)),
    out_shape=jax.ShapeDtypeStruct((_B, 1), jnp.float32),
)


def kernel(x, embed_table, field_cov_w, fwfm_linear_w, bias):
    x = x.astype(jnp.int32)
    idx = (x + jnp.asarray(_OFFS)[None, :]).reshape(_NW, _NCH, _CHUNK)
    rows = _make_sc_gather()(idx, embed_table)
    a = rows.reshape(_B, _FE)

    sym = 0.5 * (field_cov_w + field_cov_w.T)
    s0 = 0.5 * sym * (1.0 - jnp.eye(_F, dtype=jnp.float32))
    m = jnp.kron(s0, jnp.eye(_E, dtype=jnp.float32))
    wflat = fwfm_linear_w.reshape(1, _FE)

    out = _tc_fm(a, m, wflat, bias.reshape(1, 1))
    return out.reshape(_B)

# --- scband reference (transcript-rebuilt; emitter-appended) ---
"""Pipeline reference for scband-field-weighted-factorization-machine-model-60894046322762 (READ-ONLY COPY).

The authoritative reference and input builder live on the scoring server;
editing this copy changes nothing except your own understanding.
"""

import jax, jax.numpy as jnp
import numpy as np

FIELD_DIMS = [38462] * 26
NUM_FIELDS = len(FIELD_DIMS)
EMBED_DIM = 16
BATCH = 4096
TOTAL_VOCAB = int(np.sum(FIELD_DIMS))  # 1000012
OFFSETS = np.array((0, *np.cumsum(FIELD_DIMS)[:-1]), dtype=np.int32)


def setup_inputs(seed: int = 0) -> dict:
    key = jax.random.key(seed)
    k0, k1, k2, k3, k4 = jax.random.split(key, 5)
    x = jax.random.randint(k0, (BATCH, NUM_FIELDS), 0, 38462)
    embed_table = jax.random.normal(k1, (TOTAL_VOCAB, EMBED_DIM), dtype=jnp.float32) * 0.01
    field_cov_w = jax.random.normal(k2, (NUM_FIELDS, NUM_FIELDS), dtype=jnp.float32) * 0.1
    fwfm_linear_w = jax.random.normal(k3, (NUM_FIELDS, EMBED_DIM), dtype=jnp.float32) * 0.1
    bias = jnp.array([0.01], dtype=jnp.float32)
    return {"x": x, "embed_table": embed_table, "field_cov_w": field_cov_w,
            "fwfm_linear_w": fwfm_linear_w, "bias": bias}


def reference(x, embed_table, field_cov_w, fwfm_linear_w, bias):
    offsets = jnp.asarray(OFFSETS)
    idx = x + offsets[None, :]                      # (B, F), global row ids
    emb = jnp.take(embed_table, idx, axis=0)        # (B, F, E) embedding gather
    embed_x = jnp.transpose(emb, (1, 0, 2))         # (F, B, E), matches torch.transpose(.., 0, 1)

    # FieldWeightedFactorizationMachine: symmetric field-pair weights r_kl
    sym = 0.5 * (field_cov_w + field_cov_w.T)       # (F, F)
    # sum_{k,l} r_kl * x_k * x_l per (batch, embed_dim)
    cross = jnp.einsum('kij,kl,lij->ij', embed_x, sym, embed_x)   # (B, E)
    diag = jnp.einsum('kij,kij,k->ij', embed_x, embed_x, jnp.diagonal(sym))  # (B, E)
    second = 0.5 * (cross - diag)                   # (B, E) == fwfm(embed_x)
    fwfm_second_order = jnp.sum(second, axis=1, keepdims=True)    # (B, 1)

    # use_fwlw branch: field-weighted linear terms
    fwfm_linear = jnp.einsum('ijk,ik->ijk', embed_x, fwfm_linear_w)  # (F, B, E)
    fwfm_first_order = jnp.sum(jnp.einsum('ijk->ji', fwfm_linear), axis=1, keepdims=True)  # (B, 1)

    out = fwfm_first_order + fwfm_second_order + bias
    return jax.nn.sigmoid(jnp.squeeze(out, axis=1))  # (B,)

if __name__ == "__main__":
    import jax
    _d = setup_inputs()
    print(jax.jit(kernel)(*tuple(_d.values())))

</pallas_src>

<mosaic_0001>
#map = affine_map<(d0, d1) -> (0, 0, 0)>
#map1 = affine_map<(d0, d1) -> (0, 0)>
module attributes {stable_mosaic.version = 14 : i64} {
  func.func @_sc_gather(%arg0: i32, %arg1: i32, %arg2: memref<32x26x128xi32, #tpu.memory_space<hbm>>, %arg3: memref<1000012x16xf32, #tpu.memory_space<hbm>>, %arg4: memref<106496x16xf32, #tpu.memory_space<hbm>>, %arg5: memref<26x128xi32, #tpu.memory_space<vmem>>, %arg6: memref<3328x16xf32, #tpu.memory_space<vmem>>, %arg7: memref<!tpu.dma_semaphore, #tpu.memory_space<semaphore_mem>>, %arg8: memref<!tpu.dma_semaphore, #tpu.memory_space<semaphore_mem>>) attributes {dimension_semantics = [#tpu.dimension_semantics<core_parallel>, #tpu.dimension_semantics<subcore_parallel>], iteration_bounds = array<i64: 2, 16>, scalar_prefetch = 0 : i64, scratch_operands = 4 : i64, tpu.core_type = #tpu.core_type<sc_vector_subcore>, window_params = [{transform_indices = #map}, {transform_indices = #map1}, {transform_indices = #map1}]} {
    %mul3A = arith.constant 2 : i32
    %mul3A_0 = arith.muli %arg1, %mul3A : i32
    %add3A = arith.addi %mul3A_0, %arg0 : i32
    "tpu.region"() ({
      %run_scoped3A = tpu.sem_alloc : memref<!tpu.dma_semaphore, #tpu.memory_space<semaphore_mem>>
      %dma_start3A_1143 = arith.constant 0 : i32
      %dma_start3A_1144 = arith.constant 0 : i32
      %dma_start3A_1145 = tpu.memref_slice %arg2[%add3A, %dma_start3A_1143, %dma_start3A_1144] : memref<32x26x128xi32, #tpu.memory_space<hbm>> -> memref<1x26x128xi32, #tpu.memory_space<hbm>>
      %dma_start3A_1146 = tpu.memref_squeeze %dma_start3A_1145 : memref<1x26x128xi32, #tpu.memory_space<hbm>> -> memref<26x128xi32, #tpu.memory_space<hbm>>
      %dma_start3A_1147 = arith.constant 0 : i32
      %dma_start3A_1148 = arith.constant 0 : i32
      %dma_start3A_1149 = tpu.memref_slice %arg2[%add3A, %dma_start3A_1147, %dma_start3A_1148] : memref<32x26x128xi32, #tpu.memory_space<hbm>> -> memref<1x26x128xi32, #tpu.memory_space<hbm>>
      %dma_start3A_1150 = tpu.memref_squeeze %dma_start3A_1149 : memref<1x26x128xi32, #tpu.memory_space<hbm>> -> memref<26x128xi32, #tpu.memory_space<hbm>>
      tpu.enqueue_dma source(%dma_start3A_1150 : memref<26x128xi32, #tpu.memory_space<hbm>>) target(%arg5 : memref<26x128xi32, #tpu.memory_space<vmem>>) target_semaphore(%run_scoped3A : memref<!tpu.dma_semaphore, #tpu.memory_space<semaphore_mem>>)
      %dma_wait3A_1151 = arith.constant 0 : i32
      %dma_wait3A_1152 = arith.constant 0 : i32
      %dma_wait3A_1153 = tpu.memref_slice %arg2[%add3A, %dma_wait3A_1151, %dma_wait3A_1152] : memref<32x26x128xi32, #tpu.memory_space<hbm>> -> memref<1x26x128xi32, #tpu.memory_space<hbm>>
      %dma_wait3A_1154 = tpu.memref_squeeze %dma_wait3A_1153 : memref<1x26x128xi32, #tpu.memory_space<hbm>> -> memref<26x128xi32, #tpu.memory_space<hbm>>
      %dma_wait3A_1155 = arith.constant 0 : i32
      %dma_wait3A_1156 = arith.constant 0 : i32
      %dma_wait3A_1157 = tpu.memref_slice %arg2[%add3A, %dma_wait3A_1155, %dma_wait3A_1156] : memref<32x26x128xi32, #tpu.memory_space<hbm>> -> memref<1x26x128xi32, #tpu.memory_space<hbm>>
      %dma_wait3A_1158 = tpu.memref_squeeze %dma_wait3A_1157 : memref<1x26x128xi32, #tpu.memory_space<hbm>> -> memref<26x128xi32, #tpu.memory_space<hbm>>
      tpu.wait_dma2 semaphore(%run_scoped3A : memref<!tpu.dma_semaphore, #tpu.memory_space<semaphore_mem>>) src(%dma_wait3A_1158 : memref<26x128xi32, #tpu.memory_space<hbm>>) dst(%arg5 : memref<26x128xi32, #tpu.memory_space<vmem>>)
      tpu.yield
    }) : () -> ()
    %dma_start3A = arith.constant 0 : i32
    %dma_start3A_1 = arith.constant 0 : i32
    %dma_start3A_2 = arith.constant 0 : i32
    %dma_start3A_3 = tpu.memref_slice %arg6[%dma_start3A_1, %dma_start3A_2] : memref<3328x16xf32, #tpu.memory_space<vmem>> -> memref<128x16xf32, #tpu.memory_space<vmem>>
    %dma_start3A_4 = arith.constant 0 : i32
    %dma_start3A_5 = tpu.memref_slice %arg5[%dma_start3A, %dma_start3A_4] : memref<26x128xi32, #tpu.memory_space<vmem>> -> memref<1x128xi32, #tpu.memory_space<vmem>>
    %dma_start3A_6 = tpu.memref_squeeze %dma_start3A_5 : memref<1x128xi32, #tpu.memory_space<vmem>> -> memref<128xi32, #tpu.memory_space<vmem>>
    %dma_start3A_7 = arith.constant 0 : i32
    %dma_start3A_8 = arith.constant 0 : i32
    %dma_start3A_9 = tpu.memref_slice %arg3[%dma_start3A_7, %dma_start3A_8] : memref<1000012x16xf32, #tpu.memory_space<hbm>> -> memref<1000012x16xf32, #tpu.memory_space<hbm>>
    tpu.enqueue_indirect_dma source(%dma_start3A_9 : memref<1000012x16xf32, #tpu.memory_space<hbm>>) target(%dma_start3A_3 : memref<128x16xf32, #tpu.memory_space<vmem>>) offsets(%dma_start3A_6 : memref<128xi32, #tpu.memory_space<vmem>>) semaphore(%arg7 : memref<!tpu.dma_semaphore, #tpu.memory_space<semaphore_mem>>)
    %dma_start3A_10 = arith.constant 1 : i32
    %dma_start3A_11 = arith.constant 128 : i32
    %dma_start3A_12 = arith.constant 0 : i32
    %dma_start3A_13 = tpu.memref_slice %arg6[%dma_start3A_11, %dma_start3A_12] : memref<3328x16xf32, #tpu.memory_space<vmem>> -> memref<128x16xf32, #tpu.memory_space<vmem>>
    %dma_start3A_14 = arith.constant 0 : i32
    %dma_start3A_15 = tpu.memref_slice %arg5[%dma_start3A_10, %dma_start3A_14] : memref<26x128xi32, #tpu.memory_space<vmem>> -> memref<1x128xi32, #tpu.memory_space<vmem>>
    %dma_start3A_16 = tpu.memref_squeeze %dma_start3A_15 : memref<1x128xi32, #tpu.memory_space<vmem>> -> memref<128xi32, #tpu.memory_space<vmem>>
    %dma_start3A_17 = arith.constant 0 : i32
    %dma_start3A_18 = arith.constant 0 : i32
    %dma_start3A_19 = tpu.memref_slice %arg3[%dma_start3A_17, %dma_start3A_18] : memref<1000012x16xf32, #tpu.memory_space<hbm>> -> memref<1000012x16xf32, #tpu.memory_space<hbm>>
    tpu.enqueue_indirect_dma source(%dma_start3A_19 : memref<1000012x16xf32, #tpu.memory_space<hbm>>) target(%dma_start3A_13 : memref<128x16xf32, #tpu.memory_space<vmem>>) offsets(%dma_start3A_16 : memref<128xi32, #tpu.memory_space<vmem>>) semaphore(%arg7 : memref<!tpu.dma_semaphore, #tpu.memory_space<semaphore_mem>>)
    %dma_start3A_20 = arith.constant 2 : i32
    %dma_start3A_21 = arith.constant 256 : i32
    %dma_start3A_22 = arith.constant 0 : i32
    %dma_start3A_23 = tpu.memref_slice %arg6[%dma_start3A_21, %dma_start3A_22] : memref<3328x16xf32, #tpu.memory_space<vmem>> -> memref<128x16xf32, #tpu.memory_space<vmem>>
    %dma_start3A_24 = arith.constant 0 : i32
    %dma_start3A_25 = tpu.memref_slice %arg5[%dma_start3A_20, %dma_start3A_24] : memref<26x128xi32, #tpu.memory_space<vmem>> -> memref<1x128xi32, #tpu.memory_space<vmem>>
    %dma_start3A_26 = tpu.memref_squeeze %dma_start3A_25 : memref<1x128xi32, #tpu.memory_space<vmem>> -> memref<128xi32, #tpu.memory_space<vmem>>
    %dma_start3A_27 = arith.constant 0 : i32
    %dma_start3A_28 = arith.constant 0 : i32
    %dma_start3A_29 = tpu.memref_slice %arg3[%dma_start3A_27, %dma_start3A_28] : memref<1000012x16xf32, #tpu.memory_space<hbm>> -> memref<1000012x16xf32, #tpu.memory_space<hbm>>
    tpu.enqueue_indirect_dma source(%dma_start3A_29 : memref<1000012x16xf32, #tpu.memory_space<hbm>>) target(%dma_start3A_23 : memref<128x16xf32, #tpu.memory_space<vmem>>) offsets(%dma_start3A_26 : memref<128xi32, #tpu.memory_space<vmem>>) semaphore(%arg7 : memref<!tpu.dma_semaphore, #tpu.memory_space<semaphore_mem>>)
    %dma_start3A_30 = arith.constant 3 : i32
    %dma_start3A_31 = arith.constant 384 : i32
    %dma_start3A_32 = arith.constant 0 : i32
    %dma_start3A_33 = tpu.memref_slice %arg6[%dma_start3A_31, %dma_start3A_32] : memref<3328x16xf32, #tpu.memory_space<vmem>> -> memref<128x16xf32, #tpu.memory_space<vmem>>
    %dma_start3A_34 = arith.constant 0 : i32
    %dma_start3A_35 = tpu.memref_slice %arg5[%dma_start3A_30, %dma_start3A_34] : memref<26x128xi32, #tpu.memory_space<vmem>> -> memref<1x128xi32, #tpu.memory_space<vmem>>
    %dma_start3A_36 = tpu.memref_squeeze %dma_start3A_35 : memref<1x128xi32, #tpu.memory_space<vmem>> -> memref<128xi32, #tpu.memory_space<vmem>>
    %dma_start3A_37 = arith.constant 0 : i32
    %dma_start3A_38 = arith.constant 0 : i32
    %dma_start3A_39 = tpu.memref_slice %arg3[%dma_start3A_37, %dma_start3A_38] : memref<1000012x16xf32, #tpu.memory_space<hbm>> -> memref<1000012x16xf32, #tpu.memory_space<hbm>>
    tpu.enqueue_indirect_dma source(%dma_start3A_39 : memref<1000012x16xf32, #tpu.memory_space<hbm>>) target(%dma_start3A_33 : memref<128x16xf32, #tpu.memory_space<vmem>>) offsets(%dma_start3A_36 : memref<128xi32, #tpu.memory_space<vmem>>) semaphore(%arg7 : memref<!tpu.dma_semaphore, #tpu.memory_space<semaphore_mem>>)
    %dma_start3A_40 = arith.constant 4 : i32
    %dma_start3A_41 = arith.constant 512 : i32
    %dma_start3A_42 = arith.constant 0 : i32
    %dma_start3A_43 = tpu.memref_slice %arg6[%dma_start3A_41, %dma_start3A_42] : memref<3328x16xf32, #tpu.memory_space<vmem>> -> memref<128x16xf32, #tpu.memory_space<vmem>>
    %dma_start3A_44 = arith.constant 0 : i32
    %dma_start3A_45 = tpu.memref_slice %arg5[%dma_start3A_40, %dma_start3A_44] : memref<26x128xi32, #tpu.memory_space<vmem>> -> memref<1x128xi32, #tpu.memory_space<vmem>>
    %dma_start3A_46 = tpu.memref_squeeze %dma_start3A_45 : memref<1x128xi32, #tpu.memory_space<vmem>> -> memref<128xi32, #tpu.memory_space<vmem>>
    %dma_start3A_47 = arith.constant 0 : i32
    %dma_start3A_48 = arith.constant 0 : i32
    %dma_start3A_49 = tpu.memref_slice %arg3[%dma_start3A_47, %dma_start3A_48] : memref<1000012x16xf32, #tpu.memory_space<hbm>> -> memref<1000012x16xf32, #tpu.memory_space<hbm>>
    tpu.enqueue_indirect_dma source(%dma_start3A_49 : memref<1000012x16xf32, #tpu.memory_space<hbm>>) target(%dma_start3A_43 : memref<128x16xf32, #tpu.memory_space<vmem>>) offsets(%dma_start3A_46 : memref<128xi32, #tpu.memory_space<vmem>>) semaphore(%arg7 : memref<!tpu.dma_semaphore, #tpu.memory_space<semaphore_mem>>)
    %dma_start3A_50 = arith.constant 5 : i32
    %dma_start3A_51 = arith.constant 640 : i32
    %dma_start3A_52 = arith.constant 0 : i32
    %dma_start3A_53 = tpu.memref_slice %arg6[%dma_start3A_51, %dma_start3A_52] : memref<3328x16xf32, #tpu.memory_space<vmem>> -> memref<128x16xf32, #tpu.memory_space<vmem>>
    %dma_start3A_54 = arith.constant 0 : i32
    %dma_start3A_55 = tpu.memref_slice %arg5[%dma_start3A_50, %dma_start3A_54] : memref<26x128xi32, #tpu.memory_space<vmem>> -> memref<1x128xi32, #tpu.memory_space<vmem>>
    %dma_start3A_56 = tpu.memref_squeeze %dma_start3A_55 : memref<1x128xi32, #tpu.memory_space<vmem>> -> memref<128xi32, #tpu.memory_space<vmem>>
    %dma_start3A_57 = arith.constant 0 : i32
    %dma_start3A_58 = arith.constant 0 : i32
    %dma_start3A_59 = tpu.memref_slice %arg3[%dma_start3A_57, %dma_start3A_58] : memref<1000012x16xf32, #tpu.memory_space<hbm>> -> memref<1000012x16xf32, #tpu.memory_space<hbm>>
    tpu.enqueue_indirect_dma source(%dma_start3A_59 : memref<1000012x16xf32, #tpu.memory_space<hbm>>) target(%dma_start3A_53 : memref<128x16xf32, #tpu.memory_space<vmem>>) offsets(%dma_start3A_56 : memref<128xi32, #tpu.memory_space<vmem>>) semaphore(%arg7 : memref<!tpu.dma_semaphore, #tpu.memory_space<semaphore_mem>>)
    %dma_start3A_60 = arith.constant 6 : i32
    %dma_start3A_61 = arith.constant 768 : i32
    %dma_start3A_62 = arith.constant 0 : i32
    %dma_start3A_63 = tpu.memref_slice %arg6[%dma_start3A_61, %dma_start3A_62] : memref<3328x16xf32, #tpu.memory_space<vmem>> -> memref<128x16xf32, #tpu.memory_space<vmem>>
    %dma_start3A_64 = arith.constant 0 : i32
    %dma_start3A_65 = tpu.memref_slice %arg5[%dma_start3A_60, %dma_start3A_64] : memref<26x128xi32, #tpu.memory_space<vmem>> -> memref<1x128xi32, #tpu.memory_space<vmem>>
    %dma_start3A_66 = tpu.memref_squeeze %dma_start3A_65 : memref<1x128xi32, #tpu.memory_space<vmem>> -> memref<128xi32, #tpu.memory_space<vmem>>
    %dma_start3A_67 = arith.constant 0 : i32
    %dma_start3A_68 = arith.constant 0 : i32
    %dma_start3A_69 = tpu.memref_slice %arg3[%dma_start3A_67, %dma_start3A_68] : memref<1000012x16xf32, #tpu.memory_space<hbm>> -> memref<1000012x16xf32, #tpu.memory_space<hbm>>
    tpu.enqueue_indirect_dma source(%dma_start3A_69 : memref<1000012x16xf32, #tpu.memory_space<hbm>>) target(%dma_start3A_63 : memref<128x16xf32, #tpu.memory_space<vmem>>) offsets(%dma_start3A_66 : memref<128xi32, #tpu.memory_space<vmem>>) semaphore(%arg7 : memref<!tpu.dma_semaphore, #tpu.memory_space<semaphore_mem>>)
    %dma_start3A_70 = arith.constant 7 : i32
    %dma_start3A_71 = arith.constant 896 : i32
    %dma_start3A_72 = arith.constant 0 : i32
    %dma_start3A_73 = tpu.memref_slice %arg6[%dma_start3A_71, %dma_start3A_72] : memref<3328x16xf32, #tpu.memory_space<vmem>> -> memref<128x16xf32, #tpu.memory_space<vmem>>
    %dma_start3A_74 = arith.constant 0 : i32
    %dma_start3A_75 = tpu.memref_slice %arg5[%dma_start3A_70, %dma_start3A_74] : memref<26x128xi32, #tpu.memory_space<vmem>> -> memref<1x128xi32, #tpu.memory_space<vmem>>
    %dma_start3A_76 = tpu.memref_squeeze %dma_start3A_75 : memref<1x128xi32, #tpu.memory_space<vmem>> -> memref<128xi32, #tpu.memory_space<vmem>>
    %dma_start3A_77 = arith.constant 0 : i32
    %dma_start3A_78 = arith.constant 0 : i32
    %dma_start3A_79 = tpu.memref_slice %arg3[%dma_start3A_77, %dma_start3A_78] : memref<1000012x16xf32, #tpu.memory_space<hbm>> -> memref<1000012x16xf32, #tpu.memory_space<hbm>>
    tpu.enqueue_indirect_dma source(%dma_start3A_79 : memref<1000012x16xf32, #tpu.memory_space<hbm>>) target(%dma_start3A_73 : memref<128x16xf32, #tpu.memory_space<vmem>>) offsets(%dma_start3A_76 : memref<128xi32, #tpu.memory_space<vmem>>) semaphore(%arg7 : memref<!tpu.dma_semaphore, #tpu.memory_space<semaphore_mem>>)
    %dma_start3A_80 = arith.constant 8 : i32
    %dma_start3A_81 = arith.constant 1024 : i32
    %dma_start3A_82 = arith.constant 0 : i32
    %dma_start3A_83 = tpu.memref_slice %arg6[%dma_start3A_81, %dma_start3A_82] : memref<3328x16xf32, #tpu.memory_space<vmem>> -> memref<128x16xf32, #tpu.memory_space<vmem>>
    %dma_start3A_84 = arith.constant 0 : i32
    %dma_start3A_85 = tpu.memref_slice %arg5[%dma_start3A_80, %dma_start3A_84] : memref<26x128xi32, #tpu.memory_space<vmem>> -> memref<1x128xi32, #tpu.memory_space<vmem>>
    %dma_start3A_86 = tpu.memref_squeeze %dma_start3A_85 : memref<1x128xi32, #tpu.memory_space<vmem>> -> memref<128xi32, #tpu.memory_space<vmem>>
    %dma_start3A_87 = arith.constant 0 : i32
    %dma_start3A_88 = arith.constant 0 : i32
    %dma_start3A_89 = tpu.memref_slice %arg3[%dma_start3A_87, %dma_start3A_88] : memref<1000012x16xf32, #tpu.memory_space<hbm>> -> memref<1000012x16xf32, #tpu.memory_space<hbm>>
    tpu.enqueue_indirect_dma source(%dma_start3A_89 : memref<1000012x16xf32, #tpu.memory_space<hbm>>) target(%dma_start3A_83 : memref<128x16xf32, #tpu.memory_space<vmem>>) offsets(%dma_start3A_86 : memref<128xi32, #tpu.memory_space<vmem>>) semaphore(%arg7 : memref<!tpu.dma_semaphore, #tpu.memory_space<semaphore_mem>>)
    %dma_start3A_90 = arith.constant 9 : i32
    %dma_start3A_91 = arith.constant 1152 : i32
    %dma_start3A_92 = arith.constant 0 : i32
    %dma_start3A_93 = tpu.memref_slice %arg6[%dma_start3A_91, %dma_start3A_92] : memref<3328x16xf32, #tpu.memory_space<vmem>> -> memref<128x16xf32, #tpu.memory_space<vmem>>
    %dma_start3A_94 = arith.constant 0 : i32
    %dma_start3A_95 = tpu.memref_slice %arg5[%dma_start3A_90, %dma_start3A_94] : memref<26x128xi32, #tpu.memory_space<vmem>> -> memref<1x128xi32, #tpu.memory_space<vmem>>
    %dma_start3A_96 = tpu.memref_squeeze %dma_start3A_95 : memref<1x128xi32, #tpu.memory_space<vmem>> -> memref<128xi32, #tpu.memory_space<vmem>>
    %dma_start3A_97 = arith.constant 0 : i32
    %dma_start3A_98 = arith.constant 0 : i32
    %dma_start3A_99 = tpu.memref_slice %arg3[%dma_start3A_97, %dma_start3A_98] : memref<1000012x16xf32, #tpu.memory_space<hbm>> -> memref<1000012x16xf32, #tpu.memory_space<hbm>>
    tpu.enqueue_indirect_dma source(%dma_start3A_99 : memref<1000012x16xf32, #tpu.memory_space<hbm>>) target(%dma_start3A_93 : memref<128x16xf32, #tpu.memory_space<vmem>>) offsets(%dma_start3A_96 : memref<128xi32, #tpu.memory_space<vmem>>) semaphore(%arg7 : memref<!tpu.dma_semaphore, #tpu.memory_space<semaphore_mem>>)
    %dma_start3A_100 = arith.constant 10 : i32
    %dma_start3A_101 = arith.constant 1280 : i32
    %dma_start3A_102 = arith.constant 0 : i32
    %dma_start3A_103 = tpu.memref_slice %arg6[%dma_start3A_101, %dma_start3A_102] : memref<3328x16xf32, #tpu.memory_space<vmem>> -> memref<128x16xf32, #tpu.memory_space<vmem>>
    %dma_start3A_104 = arith.constant 0 : i32
    %dma_start3A_105 = tpu.memref_slice %arg5[%dma_start3A_100, %dma_start3A_104] : memref<26x128xi32, #tpu.memory_space<vmem>> -> memref<1x128xi32, #tpu.memory_space<vmem>>
    %dma_start3A_106 = tpu.memref_squeeze %dma_start3A_105 : memref<1x128xi32, #tpu.memory_space<vmem>> -> memref<128xi32, #tpu.memory_space<vmem>>
    %dma_start3A_107 = arith.constant 0 : i32
    %dma_start3A_108 = arith.constant 0 : i32
    %dma_start3A_109 = tpu.memref_slice %arg3[%dma_start3A_107, %dma_start3A_108] : memref<1000012x16xf32, #tpu.memory_space<hbm>> -> memref<1000012x16xf32, #tpu.memory_space<hbm>>
    tpu.enqueue_indirect_dma source(%dma_start3A_109 : memref<1000012x16xf32, #tpu.memory_space<hbm>>) target(%dma_start3A_103 : memref<128x16xf32, #tpu.memory_space<vmem>>) offsets(%dma_start3A_106 : memref<128xi32, #tpu.memory_space<vmem>>) semaphore(%arg7 : memref<!tpu.dma_semaphore, #tpu.memory_space<semaphore_mem>>)
    %dma_start3A_110 = arith.constant 11 : i32
    %dma_start3A_111 = arith.constant 1408 : i32
    %dma_start3A_112 = arith.constant 0 : i32
    %dma_start3A_113 = tpu.memref_slice %arg6[%dma_start3A_111, %dma_start3A_112] : memref<3328x16xf32, #tpu.memory_space<vmem>> -> memref<128x16xf32, #tpu.memory_space<vmem>>
    %dma_start3A_114 = arith.constant 0 : i32
    %dma_start3A_115 = tpu.memref_slice %arg5[%dma_start3A_110, %dma_start3A_114] : memref<26x128xi32, #tpu.memory_space<vmem>> -> memref<1x128xi32, #tpu.memory_space<vmem>>
    %dma_start3A_116 = tpu.memref_squeeze %dma_start3A_115 : memref<1x128xi32, #tpu.memory_space<vmem>> -> memref<128xi32, #tpu.memory_space<vmem>>
    %dma_start3A_117 = arith.constant 0 : i32
    %dma_start3A_118 = arith.constant 0 : i32
    %dma_start3A_119 = tpu.memref_slice %arg3[%dma_start3A_117, %dma_start3A_118] : memref<1000012x16xf32, #tpu.memory_space<hbm>> -> memref<1000012x16xf32, #tpu.memory_space<hbm>>
    tpu.enqueue_indirect_dma source(%dma_start3A_119 : memref<1000012x16xf32, #tpu.memory_space<hbm>>) target(%dma_start3A_113 : memref<128x16xf32, #tpu.memory_space<vmem>>) offsets(%dma_start3A_116 : memref<128xi32, #tpu.memory_space<vmem>>) semaphore(%arg7 : memref<!tpu.dma_semaphore, #tpu.memory_space<semaphore_mem>>)
    %dma_start3A_120 = arith.constant 12 : i32
    %dma_start3A_121 = arith.constant 1536 : i32
    %dma_start3A_122 = arith.constant 0 : i32
    %dma_start3A_123 = tpu.memref_slice %arg6[%dma_start3A_121, %dma_start3A_122] : memref<3328x16xf32, #tpu.memory_space<vmem>> -> memref<128x16xf32, #tpu.memory_space<vmem>>
    %dma_start3A_124 = arith.constant 0 : i32
    %dma_start3A_125 = tpu.memref_slice %arg5[%dma_start3A_120, %dma_start3A_124] : memref<26x128xi32, #tpu.memory_space<vmem>> -> memref<1x128xi32, #tpu.memory_space<vmem>>
    %dma_start3A_126 = tpu.memref_squeeze %dma_start3A_125 : memref<1x128xi32, #tpu.memory_space<vmem>> -> memref<128xi32, #tpu.memory_space<vmem>>
    %dma_start3A_127 = arith.constant 0 : i32
    %dma_start3A_128 = arith.constant 0 : i32
    %dma_start3A_129 = tpu.memref_slice %arg3[%dma_start3A_127, %dma_start3A_128] : memref<1000012x16xf32, #tpu.memory_space<hbm>> -> memref<1000012x16xf32, #tpu.memory_space<hbm>>
    tpu.enqueue_indirect_dma source(%dma_start3A_129 : memref<1000012x16xf32, #tpu.memory_space<hbm>>) target(%dma_start3A_123 : memref<128x16xf32, #tpu.memory_space<vmem>>) offsets(%dma_start3A_126 : memref<128xi32, #tpu.memory_space<vmem>>) semaphore(%arg7 : memref<!tpu.dma_semaphore, #tpu.memory_space<semaphore_mem>>)
    %dma_start3A_130 = arith.constant 13 : i32
    %dma_start3A_131 = arith.constant 1664 : i32
    %dma_start3A_132 = arith.constant 0 : i32
    %dma_start3A_133 = tpu.memref_slice %arg6[%dma_start3A_131, %dma_start3A_132] : memref<3328x16xf32, #tpu.memory_space<vmem>> -> memref<128x16xf32, #tpu.memory_space<vmem>>
    %dma_start3A_134 = arith.constant 0 : i32
    %dma_start3A_135 = tpu.memref_slice %arg5[%dma_start3A_130, %dma_start3A_134] : memref<26x128xi32, #tpu.memory_space<vmem>> -> memref<1x128xi32, #tpu.memory_space<vmem>>
    %dma_start3A_136 = tpu.memref_squeeze %dma_start3A_135 : memref<1x128xi32, #tpu.memory_space<vmem>> -> memref<128xi32, #tpu.memory_space<vmem>>
    %dma_start3A_137 = arith.constant 0 : i32
    %dma_start3A_138 = arith.constant 0 : i32
    %dma_start3A_139 = tpu.memref_slice %arg3[%dma_start3A_137, %dma_start3A_138] : memref<1000012x16xf32, #tpu.memory_space<hbm>> -> memref<1000012x16xf32, #tpu.memory_space<hbm>>
    tpu.enqueue_indirect_dma source(%dma_start3A_139 : memref<1000012x16xf32, #tpu.memory_space<hbm>>) target(%dma_start3A_133 : memref<128x16xf32, #tpu.memory_space<vmem>>) offsets(%dma_start3A_136 : memref<128xi32, #tpu.memory_space<vmem>>) semaphore(%arg7 : memref<!tpu.dma_semaphore, #tpu.memory_space<semaphore_mem>>)
    %dma_start3A_140 = arith.constant 14 : i32
    %dma_start3A_141 = arith.constant 1792 : i32
    %dma_start3A_142 = arith.constant 0 : i32
    %dma_start3A_143 = tpu.memref_slice %arg6[%dma_start3A_141, %dma_start3A_142] : memref<3328x16xf32, #tpu.memory_space<vmem>> -> memref<128x16xf32, #tpu.memory_space<vmem>>
    %dma_start3A_144 = arith.constant 0 : i32
    %dma_start3A_145 = tpu.memref_slice %arg5[%dma_start3A_140, %dma_start3A_144] : memref<26x128xi32, #tpu.memory_space<vmem>> -> memref<1x128xi32, #tpu.memory_space<vmem>>
    %dma_start3A_146 = tpu.memref_squeeze %dma_start3A_145 : memref<1x128xi32, #tpu.memory_space<vmem>> -> memref<128xi32, #tpu.memory_space<vmem>>
    %dma_start3A_147 = arith.constant 0 : i32
    %dma_start3A_148 = arith.constant 0 : i32
    %dma_start3A_149 = tpu.memref_slice %arg3[%dma_start3A_147, %dma_start3A_148] : memref<1000012x16xf32, #tpu.memory_space<hbm>> -> memref<1000012x16xf32, #tpu.memory_space<hbm>>
    tpu.enqueue_indirect_dma source(%dma_start3A_149 : memref<1000012x16xf32, #tpu.memory_space<hbm>>) target(%dma_start3A_143 : memref<128x16xf32, #tpu.memory_space<vmem>>) offsets(%dma_start3A_146 : memref<128xi32, #tpu.memory_space<vmem>>) semaphore(%arg7 : memref<!tpu.dma_semaphore, #tpu.memory_space<semaphore_mem>>)
    %dma_start3A_150 = arith.constant 15 : i32
    %dma_start3A_151 = arith.constant 1920 : i32
    %dma_start3A_152 = arith.constant 0 : i32
    %dma_start3A_153 = tpu.memref_slice %arg6[%dma_start3A_151, %dma_start3A_152] : memref<3328x16xf32, #tpu.memory_space<vmem>> -> memref<128x16xf32, #tpu.memory_space<vmem>>
    %dma_start3A_154 = arith.constant 0 : i32
    %dma_start3A_155 = tpu.memref_slice %arg5[%dma_start3A_150, %dma_start3A_154] : memref<26x128xi32, #tpu.memory_space<vmem>> -> memref<1x128xi32, #tpu.memory_space<vmem>>
    %dma_start3A_156 = tpu.memref_squeeze %dma_start3A_155 : memref<1x128xi32, #tpu.memory_space<vmem>> -> memref<128xi32, #tpu.memory_space<vmem>>
    %dma_start3A_157 = arith.constant 0 : i32
    %dma_start3A_158 = arith.constant 0 : i32
    %dma_start3A_159 = tpu.memref_slice %arg3[%dma_start3A_157, %dma_start3A_158] : memref<1000012x16xf32, #tpu.memory_space<hbm>> -> memref<1000012x16xf32, #tpu.memory_space<hbm>>
    tpu.enqueue_indirect_dma source(%dma_start3A_159 : memref<1000012x16xf32, #tpu.memory_space<hbm>>) target(%dma_start3A_153 : memref<128x16xf32, #tpu.memory_space<vmem>>) offsets(%dma_start3A_156 : memref<128xi32, #tpu.memory_space<vmem>>) semaphore(%arg7 : memref<!tpu.dma_semaphore, #tpu.memory_space<semaphore_mem>>)
    %dma_start3A_160 = arith.constant 16 : i32
    %dma_start3A_161 = arith.constant 2048 : i32
    %dma_start3A_162 = arith.constant 0 : i32
    %dma_start3A_163 = tpu.memref_slice %arg6[%dma_start3A_161, %dma_start3A_162] : memref<3328x16xf32, #tpu.memory_space<vmem>> -> memref<128x16xf32, #tpu.memory_space<vmem>>
    %dma_start3A_164 = arith.constant 0 : i32
    %dma_start3A_165 = tpu.memref_slice %arg5[%dma_start3A_160, %dma_start3A_164] : memref<26x128xi32, #tpu.memory_space<vmem>> -> memref<1x128xi32, #tpu.memory_space<vmem>>
    %dma_start3A_166 = tpu.memref_squeeze %dma_start3A_165 : memref<1x128xi32, #tpu.memory_space<vmem>> -> memref<128xi32, #tpu.memory_space<vmem>>
    %dma_start3A_167 = arith.constant 0 : i32
    %dma_start3A_168 = arith.constant 0 : i32
    %dma_start3A_169 = tpu.memref_slice %arg3[%dma_start3A_167, %dma_start3A_168] : memref<1000012x16xf32, #tpu.memory_space<hbm>> -> memref<1000012x16xf32, #tpu.memory_space<hbm>>
    tpu.enqueue_indirect_dma source(%dma_start3A_169 : memref<1000012x16xf32, #tpu.memory_space<hbm>>) target(%dma_start3A_163 : memref<128x16xf32, #tpu.memory_space<vmem>>) offsets(%dma_start3A_166 : memref<128xi32, #tpu.memory_space<vmem>>) semaphore(%arg7 : memref<!tpu.dma_semaphore, #tpu.memory_space<semaphore_mem>>)
    %dma_start3A_170 = arith.constant 17 : i32
    %dma_start3A_171 = arith.constant 2176 : i32
    %dma_start3A_172 = arith.constant 0 : i32
    %dma_start3A_173 = tpu.memref_slice %arg6[%dma_start3A_171, %dma_start3A_172] : memref<3328x16xf32, #tpu.memory_space<vmem>> -> memref<128x16xf32, #tpu.memory_space<vmem>>
    %dma_start3A_174 = arith.constant 0 : i32
    %dma_start3A_175 = tpu.memref_slice %arg5[%dma_start3A_170, %dma_start3A_174] : memref<26x128xi32, #tpu.memory_space<vmem>> -> memref<1x128xi32, #tpu.memory_space<vmem>>
    %dma_start3A_176 = tpu.memref_squeeze %dma_start3A_175 : memref<1x128xi32, #tpu.memory_space<vmem>> -> memref<128xi32, #tpu.memory_space<vmem>>
    %dma_start3A_177 = arith.constant 0 : i32
    %dma_start3A_178 = arith.constant 0 : i32
    %dma_start3A_179 = tpu.memref_slice %arg3[%dma_start3A_177, %dma_start3A_178] : memref<1000012x16xf32, #tpu.memory_space<hbm>> -> memref<1000012x16xf32, #tpu.memory_space<hbm>>
    tpu.enqueue_indirect_dma source(%dma_start3A_179 : memref<1000012x16xf32, #tpu.memory_space<hbm>>) target(%dma_start3A_173 : memref<128x16xf32, #tpu.memory_space<vmem>>) offsets(%dma_start3A_176 : memref<128xi32, #tpu.memory_space<vmem>>) semaphore(%arg7 : memref<!tpu.dma_semaphore, #tpu.memory_space<semaphore_mem>>)
    %dma_start3A_180 = arith.constant 18 : i32
    %dma_start3A_181 = arith.constant 2304 : i32
    %dma_start3A_182 = arith.constant 0 : i32
    %dma_start3A_183 = tpu.memref_slice %arg6[%dma_start3A_181, %dma_start3A_182] : memref<3328x16xf32, #tpu.memory_space<vmem>> -> memref<128x16xf32, #tpu.memory_space<vmem>>
    %dma_start3A_184 = arith.constant 0 : i32
    %dma_start3A_185 = tpu.memref_slice %arg5[%dma_start3A_180, %dma_start3A_184] : memref<26x128xi32, #tpu.memory_space<vmem>> -> memref<1x128xi32, #tpu.memory_space<vmem>>
    %dma_start3A_186 = tpu.memref_squeeze %dma_start3A_185 : memref<1x128xi32, #tpu.memory_space<vmem>> -> memref<128xi32, #tpu.memory_space<vmem>>
    %dma_start3A_187 = arith.constant 0 : i32
    %dma_start3A_188 = arith.constant 0 : i32
    %dma_start3A_189 = tpu.memref_slice %arg3[%dma_start3A_187, %dma_start3A_188] : memref<1000012x16xf32, #tpu.memory_space<hbm>> -> memref<1000012x16xf32, #tpu.memory_space<hbm>>
    tpu.enqueue_indirect_dma source(%dma_start3A_189 : memref<1000012x16xf32, #tpu.memory_space<hbm>>) target(%dma_start3A_183 : memref<128x16xf32, #tpu.memory_space<vmem>>) offsets(%dma_start3A_186 : memref<128xi32, #tpu.memory_space<vmem>>) semaphore(%arg7 : memref<!tpu.dma_semaphore, #tpu.memory_space<semaphore_mem>>)
    %dma_start3A_190 = arith.constant 19 : i32
    %dma_start3A_191 = arith.constant 2432 : i32
    %dma_start3A_192 = arith.constant 0 : i32
    %dma_start3A_193 = tpu.memref_slice %arg6[%dma_start3A_191, %dma_start3A_192] : memref<3328x16xf32, #tpu.memory_space<vmem>> -> memref<128x16xf32, #tpu.memory_space<vmem>>
    %dma_start3A_194 = arith.constant 0 : i32
    %dma_start3A_195 = tpu.memref_slice %arg5[%dma_start3A_190, %dma_start3A_194] : memref<26x128xi32, #tpu.memory_space<vmem>> -> memref<1x128xi32, #tpu.memory_space<vmem>>
    %dma_start3A_196 = tpu.memref_squeeze %dma_start3A_195 : memref<1x128xi32, #tpu.memory_space<vmem>> -> memref<128xi32, #tpu.memory_space<vmem>>
    %dma_start3A_197 = arith.constant 0 : i32
    %dma_start3A_198 = arith.constant 0 : i32
    %dma_start3A_199 = tpu.memref_slice %arg3[%dma_start3A_197, %dma_start3A_198] : memref<1000012x16xf32, #tpu.memory_space<hbm>> -> memref<1000012x16xf32, #tpu.memory_space<hbm>>
    tpu.enqueue_indirect_dma source(%dma_start3A_199 : memref<1000012x16xf32, #tpu.memory_space<hbm>>) target(%dma_start3A_193 : memref<128x16xf32, #tpu.memory_space<vmem>>) offsets(%dma_start3A_196 : memref<128xi32, #tpu.memory_space<vmem>>) semaphore(%arg7 : memref<!tpu.dma_semaphore, #tpu.memory_space<semaphore_mem>>)
    %dma_start3A_200 = arith.constant 20 : i32
    %dma_start3A_201 = arith.constant 2560 : i32
    %dma_start3A_202 = arith.constant 0 : i32
    %dma_start3A_203 = tpu.memref_slice %arg6[%dma_start3A_201, %dma_start3A_202] : memref<3328x16xf32, #tpu.memory_space<vmem>> -> memref<128x16xf32, #tpu.memory_space<vmem>>
    %dma_start3A_204 = arith.constant 0 : i32
    %dma_start3A_205 = tpu.memref_slice %arg5[%dma_start3A_200, %dma_start3A_204] : memref<26x128xi32, #tpu.memory_space<vmem>> -> memref<1x128xi32, #tpu.memory_space<vmem>>
    %dma_start3A_206 = tpu.memref_squeeze %dma_start3A_205 : memref<1x128xi32, #tpu.memory_space<vmem>> -> memref<128xi32, #tpu.memory_space<vmem>>
    %dma_start3A_207 = arith.constant 0 : i32
    %dma_start3A_208 = arith.constant 0 : i32
    %dma_start3A_209 = tpu.memref_slice %arg3[%dma_start3A_207, %dma_start3A_208] : memref<1000012x16xf32, #tpu.memory_space<hbm>> -> memref<1000012x16xf32, #tpu.memory_space<hbm>>
    tpu.enqueue_indirect_dma source(%dma_start3A_209 : memref<1000012x16xf32, #tpu.memory_space<hbm>>) target(%dma_start3A_203 : memref<128x16xf32, #tpu.memory_space<vmem>>) offsets(%dma_start3A_206 : memref<128xi32, #tpu.memory_space<vmem>>) semaphore(%arg7 : memref<!tpu.dma_semaphore, #tpu.memory_space<semaphore_mem>>)
    %dma_start3A_210 = arith.constant 21 : i32
    %dma_start3A_211 = arith.constant 2688 : i32
    %dma_start3A_212 = arith.constant 0 : i32
    %dma_start3A_213 = tpu.memref_slice %arg6[%dma_start3A_211, %dma_start3A_212] : memref<3328x16xf32, #tpu.memory_space<vmem>> -> memref<128x16xf32, #tpu.memory_space<vmem>>
    %dma_start3A_214 = arith.constant 0 : i32
    %dma_start3A_215 = tpu.memref_slice %arg5[%dma_start3A_210, %dma_start3A_214] : memref<26x128xi32, #tpu.memory_space<vmem>> -> memref<1x128xi32, #tpu.memory_space<vmem>>
    %dma_start3A_216 = tpu.memref_squeeze %dma_start3A_215 : memref<1x128xi32, #tpu.memory_space<vmem>> -> memref<128xi32, #tpu.memory_space<vmem>>
    %dma_start3A_217 = arith.constant 0 : i32
    %dma_start3A_218 = arith.constant 0 : i32
    %dma_start3A_219 = tpu.memref_slice %arg3[%dma_start3A_217, %dma_start3A_218] : memref<1000012x16xf32, #tpu.memory_space<hbm>> -> memref<1000012x16xf32, #tpu.memory_space<hbm>>
    tpu.enqueue_indirect_dma source(%dma_start3A_219 : memref<1000012x16xf32, #tpu.memory_space<hbm>>) target(%dma_start3A_213 : memref<128x16xf32, #tpu.memory_space<vmem>>) offsets(%dma_start3A_216 : memref<128xi32, #tpu.memory_space<vmem>>) semaphore(%arg7 : memref<!tpu.dma_semaphore, #tpu.memory_space<semaphore_mem>>)
    %dma_start3A_220 = arith.constant 22 : i32
    %dma_start3A_221 = arith.constant 2816 : i32
    %dma_start3A_222 = arith.constant 0 : i32
    %dma_start3A_223 = tpu.memref_slice %arg6[%dma_start3A_221, %dma_start3A_222] : memref<3328x16xf32, #tpu.memory_space<vmem>> -> memref<128x16xf32, #tpu.memory_space<vmem>>
    %dma_start3A_224 = arith.constant 0 : i32
    %dma_start3A_225 = tpu.memref_slice %arg5[%dma_start3A_220, %dma_start3A_224] : memref<26x128xi32, #tpu.memory_space<vmem>> -> memref<1x128xi32, #tpu.memory_space<vmem>>
    %dma_start3A_226 = tpu.memref_squeeze %dma_start3A_225 : memref<1x128xi32, #tpu.memory_space<vmem>> -> memref<128xi32, #tpu.memory_space<vmem>>
    %dma_start3A_227 = arith.constant 0 : i32
    %dma_start3A_228 = arith.constant 0 : i32
    %dma_start3A_229 = tpu.memref_slice %arg3[%dma_start3A_227, %dma_start3A_228] : memref<1000012x16xf32, #tpu.memory_space<hbm>> -> memref<1000012x16xf32, #tpu.memory_space<hbm>>
    tpu.enqueue_indirect_dma source(%dma_start3A_229 : memref<1000012x16xf32, #tpu.memory_space<hbm>>) target(%dma_start3A_223 : memref<128x16xf32, #tpu.memory_space<vmem>>) offsets(%dma_start3A_226 : memref<128xi32, #tpu.memory_space<vmem>>) semaphore(%arg7 : memref<!tpu.dma_semaphore, #tpu.memory_space<semaphore_mem>>)
    %dma_start3A_230 = arith.constant 23 : i32
    %dma_start3A_231 = arith.constant 2944 : i32
    %dma_start3A_232 = arith.constant 0 : i32
    %dma_start3A_233 = tpu.memref_slice %arg6[%dma_start3A_231, %dma_start3A_232] : memref<3328x16xf32, #tpu.memory_space<vmem>> -> memref<128x16xf32, #tpu.memory_space<vmem>>
    %dma_start3A_234 = arith.constant 0 : i32
    %dma_start3A_235 = tpu.memref_slice %arg5[%dma_start3A_230, %dma_start3A_234] : memref<26x128xi32, #tpu.memory_space<vmem>> -> memref<1x128xi32, #tpu.memory_space<vmem>>
    %dma_start3A_236 = tpu.memref_squeeze %dma_start3A_235 : memref<1x128xi32, #tpu.memory_space<vmem>> -> memref<128xi32, #tpu.memory_space<vmem>>
    %dma_start3A_237 = arith.constant 0 : i32
    %dma_start3A_238 = arith.constant 0 : i32
    %dma_start3A_239 = tpu.memref_slice %arg3[%dma_start3A_237, %dma_start3A_238] : memref<1000012x16xf32, #tpu.memory_space<hbm>> -> memref<1000012x16xf32, #tpu.memory_space<hbm>>
    tpu.enqueue_indirect_dma source(%dma_start3A_239 : memref<1000012x16xf32, #tpu.memory_space<hbm>>) target(%dma_start3A_233 : memref<128x16xf32, #tpu.memory_space<vmem>>) offsets(%dma_start3A_236 : memref<128xi32, #tpu.memory_space<vmem>>) semaphore(%arg7 : memref<!tpu.dma_semaphore, #tpu.memory_space<semaphore_mem>>)
    %dma_start3A_240 = arith.constant 24 : i32
    %dma_start3A_241 = arith.constant 3072 : i32
    %dma_start3A_242 = arith.constant 0 : i32
    %dma_start3A_243 = tpu.memref_slice %arg6[%dma_start3A_241, %dma_start3A_242] : memref<3328x16xf32, #tpu.memory_space<vmem>> -> memref<128x16xf32, #tpu.memory_space<vmem>>
    %dma_start3A_244 = arith.constant 0 : i32
    %dma_start3A_245 = tpu.memref_slice %arg5[%dma_start3A_240, %dma_start3A_244] : memref<26x128xi32, #tpu.memory_space<vmem>> -> memref<1x128xi32, #tpu.memory_space<vmem>>
    %dma_start3A_246 = tpu.memref_squeeze %dma_start3A_245 : memref<1x128xi32, #tpu.memory_space<vmem>> -> memref<128xi32, #tpu.memory_space<vmem>>
    %dma_start3A_247 = arith.constant 0 : i32
    %dma_start3A_248 = arith.constant 0 : i32
    %dma_start3A_249 = tpu.memref_slice %arg3[%dma_start3A_247, %dma_start3A_248] : memref<1000012x16xf32, #tpu.memory_space<hbm>> -> memref<1000012x16xf32, #tpu.memory_space<hbm>>
    tpu.enqueue_indirect_dma source(%dma_start3A_249 : memref<1000012x16xf32, #tpu.memory_space<hbm>>) target(%dma_start3A_243 : memref<128x16xf32, #tpu.memory_space<vmem>>) offsets(%dma_start3A_246 : memref<128xi32, #tpu.memory_space<vmem>>) semaphore(%arg7 : memref<!tpu.dma_semaphore, #tpu.memory_space<semaphore_mem>>)
    %dma_start3A_250 = arith.constant 25 : i32
    %dma_start3A_251 = arith.constant 3200 : i32
    %dma_start3A_252 = arith.constant 0 : i32
    %dma_start3A_253 = tpu.memref_slice %arg6[%dma_start3A_251, %dma_start3A_252] : memref<3328x16xf32, #tpu.memory_space<vmem>> -> memref<128x16xf32, #tpu.memory_space<vmem>>
    %dma_start3A_254 = arith.constant 0 : i32
    %dma_start3A_255 = tpu.memref_slice %arg5[%dma_start3A_250, %dma_start3A_254] : memref<26x128xi32, #tpu.memory_space<vmem>> -> memref<1x128xi32, #tpu.memory_space<vmem>>
    %dma_start3A_256 = tpu.memref_squeeze %dma_start3A_255 : memref<1x128xi32, #tpu.memory_space<vmem>> -> memref<128xi32, #tpu.memory_space<vmem>>
    %dma_start3A_257 = arith.constant 0 : i32
    %dma_start3A_258 = arith.constant 0 : i32
    %dma_start3A_259 = tpu.memref_slice %arg3[%dma_start3A_257, %dma_start3A_258] : memref<1000012x16xf32, #tpu.memory_space<hbm>> -> memref<1000012x16xf32, #tpu.memory_space<hbm>>
    tpu.enqueue_indirect_dma source(%dma_start3A_259 : memref<1000012x16xf32, #tpu.memory_space<hbm>>) target(%dma_start3A_253 : memref<128x16xf32, #tpu.memory_space<vmem>>) offsets(%dma_start3A_256 : memref<128xi32, #tpu.memory_space<vmem>>) semaphore(%arg7 : memref<!tpu.dma_semaphore, #tpu.memory_space<semaphore_mem>>)
    %dma_wait3A = arith.constant 0 : i32
    %dma_wait3A_260 = arith.constant 0 : i32
    %dma_wait3A_261 = arith.constant 0 : i32
    %dma_wait3A_262 = tpu.memref_slice %arg6[%dma_wait3A_260, %dma_wait3A_261] : memref<3328x16xf32, #tpu.memory_space<vmem>> -> memref<128x16xf32, #tpu.memory_space<vmem>>
    %dma_wait3A_263 = arith.constant 0 : i32
    %dma_wait3A_264 = tpu.memref_slice %arg5[%dma_wait3A, %dma_wait3A_263] : memref<26x128xi32, #tpu.memory_space<vmem>> -> memref<1x128xi32, #tpu.memory_space<vmem>>
    %dma_wait3A_265 = tpu.memref_squeeze %dma_wait3A_264 : memref<1x128xi32, #tpu.memory_space<vmem>> -> memref<128xi32, #tpu.memory_space<vmem>>
    %dma_wait3A_266 = arith.constant 0 : i32
    %dma_wait3A_267 = arith.constant 0 : i32
    %dma_wait3A_268 = tpu.memref_slice %arg3[%dma_wait3A_266, %dma_wait3A_267] : memref<1000012x16xf32, #tpu.memory_space<hbm>> -> memref<1000012x16xf32, #tpu.memory_space<hbm>>
    tpu.wait_indirect_dma semaphore(%arg7 : memref<!tpu.dma_semaphore, #tpu.memory_space<semaphore_mem>>) src(%dma_wait3A_268 : memref<1000012x16xf32, #tpu.memory_space<hbm>>) dst(%dma_wait3A_262 : memref<128x16xf32, #tpu.memory_space<vmem>>)
    %mul3A_269 = arith.constant 3328 : i32
    %mul3A_270 = arith.muli %add3A, %mul3A_269 : i32
    %add3A_271 = arith.constant 0 : i32
    %add3A_272 = arith.addi %mul3A_270, %add3A_271 : i32
    %dma_start3A_273 = arith.constant 0 : i32
    %dma_start3A_274 = arith.constant 0 : i32
    %dma_start3A_275 = tpu.memref_slice %arg6[%dma_start3A_273, %dma_start3A_274] : memref<3328x16xf32, #tpu.memory_space<vmem>> -> memref<128x16xf32, #tpu.memory_space<vmem>>
    %dma_start3A_276 = arith.constant 0 : i32
    %dma_start3A_277 = tpu.memref_slice %arg4[%add3A_272, %dma_start3A_276] : memref<106496x16xf32, #tpu.memory_space<hbm>> -> memref<128x16xf32, #tpu.memory_space<hbm>>
    %dma_start3A_278 = arith.constant 0 : i32
    %dma_start3A_279 = tpu.memref_slice %arg4[%add3A_272, %dma_start3A_278] : memref<106496x16xf32, #tpu.memory_space<hbm>> -> memref<128x16xf32, #tpu.memory_space<hbm>>
    %dma_start3A_280 = arith.constant 0 : i32
    %dma_start3A_281 = arith.constant 0 : i32
    %dma_start3A_282 = tpu.memref_slice %arg6[%dma_start3A_280, %dma_start3A_281] : memref<3328x16xf32, #tpu.memory_space<vmem>> -> memref<128x16xf32, #tpu.memory_space<vmem>>
    tpu.enqueue_dma source(%dma_start3A_282 : memref<128x16xf32, #tpu.memory_space<vmem>>) target(%dma_start3A_279 : memref<128x16xf32, #tpu.memory_space<hbm>>) target_semaphore(%arg8 : memref<!tpu.dma_semaphore, #tpu.memory_space<semaphore_mem>>)
    %dma_wait3A_283 = arith.constant 1 : i32
    %dma_wait3A_284 = arith.constant 128 : i32
    %dma_wait3A_285 = arith.constant 0 : i32
    %dma_wait3A_286 = tpu.memref_slice %arg6[%dma_wait3A_284, %dma_wait3A_285] : memref<3328x16xf32, #tpu.memory_space<vmem>> -> memref<128x16xf32, #tpu.memory_space<vmem>>
    %dma_wait3A_287 = arith.constant 0 : i32
    %dma_wait3A_288 = tpu.memref_slice %arg5[%dma_wait3A_283, %dma_wait3A_287] : memref<26x128xi32, #tpu.memory_space<vmem>> -> memref<1x128xi32, #tpu.memory_space<vmem>>
    %dma_wait3A_289 = tpu.memref_squeeze %dma_wait3A_288 : memref<1x128xi32, #tpu.memory_space<vmem>> -> memref<128xi32, #tpu.memory_space<vmem>>
    %dma_wait3A_290 = arith.constant 0 : i32
    %dma_wait3A_291 = arith.constant 0 : i32
    %dma_wait3A_292 = tpu.memref_slice %arg3[%dma_wait3A_290, %dma_wait3A_291] : memref<1000012x16xf32, #tpu.memory_space<hbm>> -> memref<1000012x16xf32, #tpu.memory_space<hbm>>
    tpu.wait_indirect_dma semaphore(%arg7 : memref<!tpu.dma_semaphore, #tpu.memory_space<semaphore_mem>>) src(%dma_wait3A_292 : memref<1000012x16xf32, #tpu.memory_space<hbm>>) dst(%dma_wait3A_286 : memref<128x16xf32, #tpu.memory_space<vmem>>)
    %mul3A_293 = arith.constant 3328 : i32
    %mul3A_294 = arith.muli %add3A, %mul3A_293 : i32
    %add3A_295 = arith.constant 128 : i32
    %add3A_296 = arith.addi %mul3A_294, %add3A_295 : i32
    %dma_start3A_297 = arith.constant 128 : i32
    %dma_start3A_298 = arith.constant 0 : i32
    %dma_start3A_299 = tpu.memref_slice %arg6[%dma_start3A_297, %dma_start3A_298] : memref<3328x16xf32, #tpu.memory_space<vmem>> -> memref<128x16xf32, #tpu.memory_space<vmem>>
    %dma_start3A_300 = arith.constant 0 : i32
    %dma_start3A_301 = tpu.memref_slice %arg4[%add3A_296, %dma_start3A_300] : memref<106496x16xf32, #tpu.memory_space<hbm>> -> memref<128x16xf32, #tpu.memory_space<hbm>>
    %dma_start3A_302 = arith.constant 0 : i32
    %dma_start3A_303 = tpu.memref_slice %arg4[%add3A_296, %dma_start3A_302] : memref<106496x16xf32, #tpu.memory_space<hbm>> -> memref<128x16xf32, #tpu.memory_space<hbm>>
    %dma_start3A_304 = arith.constant 128 : i32
    %dma_start3A_305 = arith.constant 0 : i32
    %dma_start3A_306 = tpu.memref_slice %arg6[%dma_start3A_304, %dma_start3A_305] : memref<3328x16xf32, #tpu.memory_space<vmem>> -> memref<128x16xf32, #tpu.memory_space<vmem>>
    tpu.enqueue_dma source(%dma_start3A_306 : memref<128x16xf32, #tpu.memory_space<vmem>>) target(%dma_start3A_303 : memref<128x16xf32, #tpu.memory_space<hbm>>) target_semaphore(%arg8 : memref<!tpu.dma_semaphore, #tpu.memory_space<semaphore_mem>>)
    %dma_wait3A_307 = arith.constant 2 : i32
    %dma_wait3A_308 = arith.constant 256 : i32
    %dma_wait3A_309 = arith.constant 0 : i32
    %dma_wait3A_310 = tpu.memref_slice %arg6[%dma_wait3A_308, %dma_wait3A_309] : memref<3328x16xf32, #tpu.memory_space<vmem>> -> memref<128x16xf32, #tpu.memory_space<vmem>>
    %dma_wait3A_311 = arith.constant 0 : i32
    %dma_wait3A_312 = tpu.memref_slice %arg5[%dma_wait3A_307, %dma_wait3A_311] : memref<26x128xi32, #tpu.memory_space<vmem>> -> memref<1x128xi32, #tpu.memory_space<vmem>>
    %dma_wait3A_313 = tpu.memref_squeeze %dma_wait3A_312 : memref<1x128xi32, #tpu.memory_space<vmem>> -> memref<128xi32, #tpu.memory_space<vmem>>
    %dma_wait3A_314 = arith.constant 0 : i32
    %dma_wait3A_315 = arith.constant 0 : i32
    %dma_wait3A_316 = tpu.memref_slice %arg3[%dma_wait3A_314, %dma_wait3A_315] : memref<1000012x16xf32, #tpu.memory_space<hbm>> -> memref<1000012x16xf32, #tpu.memory_space<hbm>>
    tpu.wait_indirect_dma semaphore(%arg7 : memref<!tpu.dma_semaphore, #tpu.memory_space<semaphore_mem>>) src(%dma_wait3A_316 : memref<1000012x16xf32, #tpu.memory_space<hbm>>) dst(%dma_wait3A_310 : memref<128x16xf32, #tpu.memory_space<vmem>>)
    %mul3A_317 = arith.constant 3328 : i32
    %mul3A_318 = arith.muli %add3A, %mul3A_317 : i32
    %add3A_319 = arith.constant 256 : i32
    %add3A_320 = arith.addi %mul3A_318, %add3A_319 : i32
    %dma_start3A_321 = arith.constant 256 : i32
    %dma_start3A_322 = arith.constant 0 : i32
    %dma_start3A_323 = tpu.memref_slice %arg6[%dma_start3A_321, %dma_start3A_322] : memref<3328x16xf32, #tpu.memory_space<vmem>> -> memref<128x16xf32, #tpu.memory_space<vmem>>
    %dma_start3A_324 = arith.constant 0 : i32
    %dma_start3A_325 = tpu.memref_slice %arg4[%add3A_320, %dma_start3A_324] : memref<106496x16xf32, #tpu.memory_space<hbm>> -> memref<128x16xf32, #tpu.memory_space<hbm>>
    %dma_start3A_326 = arith.constant 0 : i32
    %dma_start3A_327 = tpu.memref_slice %arg4[%add3A_320, %dma_start3A_326] : memref<106496x16xf32, #tpu.memory_space<hbm>> -> memref<128x16xf32, #tpu.memory_space<hbm>>
    %dma_start3A_328 = arith.constant 256 : i32
    %dma_start3A_329 = arith.constant 0 : i32
    %dma_start3A_330 = tpu.memref_slice %arg6[%dma_start3A_328, %dma_start3A_329] : memref<3328x16xf32, #tpu.memory_space<vmem>> -> memref<128x16xf32, #tpu.memory_space<vmem>>
    tpu.enqueue_dma source(%dma_start3A_330 : memref<128x16xf32, #tpu.memory_space<vmem>>) target(%dma_start3A_327 : memref<128x16xf32, #tpu.memory_space<hbm>>) target_semaphore(%arg8 : memref<!tpu.dma_semaphore, #tpu.memory_space<semaphore_mem>>)
    %dma_wait3A_331 = arith.constant 3 : i32
    %dma_wait3A_332 = arith.constant 384 : i32
    %dma_wait3A_333 = arith.constant 0 : i32
    %dma_wait3A_334 = tpu.memref_slice %arg6[%dma_wait3A_332, %dma_wait3A_333] : memref<3328x16xf32, #tpu.memory_space<vmem>> -> memref<128x16xf32, #tpu.memory_space<vmem>>
    %dma_wait3A_335 = arith.constant 0 : i32
    %dma_wait3A_336 = tpu.memref_slice %arg5[%dma_wait3A_331, %dma_wait3A_335] : memref<26x128xi32, #tpu.memory_space<vmem>> -> memref<1x128xi32, #tpu.memory_space<vmem>>
    %dma_wait3A_337 = tpu.memref_squeeze %dma_wait3A_336 : memref<1x128xi32, #tpu.memory_space<vmem>> -> memref<128xi32, #tpu.memory_space<vmem>>
    %dma_wait3A_338 = arith.constant 0 : i32
    %dma_wait3A_339 = arith.constant 0 : i32
    %dma_wait3A_340 = tpu.memref_slice %arg3[%dma_wait3A_338, %dma_wait3A_339] : memref<1000012x16xf32, #tpu.memory_space<hbm>> -> memref<1000012x16xf32, #tpu.memory_space<hbm>>
    tpu.wait_indirect_dma semaphore(%arg7 : memref<!tpu.dma_semaphore, #tpu.memory_space<semaphore_mem>>) src(%dma_wait3A_340 : memref<1000012x16xf32, #tpu.memory_space<hbm>>) dst(%dma_wait3A_334 : memref<128x16xf32, #tpu.memory_space<vmem>>)
    %mul3A_341 = arith.constant 3328 : i32
    %mul3A_342 = arith.muli %add3A, %mul3A_341 : i32
    %add3A_343 = arith.constant 384 : i32
    %add3A_344 = arith.addi %mul3A_342, %add3A_343 : i32
    %dma_start3A_345 = arith.constant 384 : i32
    %dma_start3A_346 = arith.constant 0 : i32
    %dma_start3A_347 = tpu.memref_slice %arg6[%dma_start3A_345, %dma_start3A_346] : memref<3328x16xf32, #tpu.memory_space<vmem>> -> memref<128x16xf32, #tpu.memory_space<vmem>>
    %dma_start3A_348 = arith.constant 0 : i32
    %dma_start3A_349 = tpu.memref_slice %arg4[%add3A_344, %dma_start3A_348] : memref<106496x16xf32, #tpu.memory_space<hbm>> -> memref<128x16xf32, #tpu.memory_space<hbm>>
    %dma_start3A_350 = arith.constant 0 : i32
    %dma_start3A_351 = tpu.memref_slice %arg4[%add3A_344, %dma_start3A_350] : memref<106496x16xf32, #tpu.memory_space<hbm>> -> memref<128x16xf32, #tpu.memory_space<hbm>>
    %dma_start3A_352 = arith.constant 384 : i32
    %dma_start3A_353 = arith.constant 0 : i32
    %dma_start3A_354 = tpu.memref_slice %arg6[%dma_start3A_352, %dma_start3A_353] : memref<3328x16xf32, #tpu.memory_space<vmem>> -> memref<128x16xf32, #tpu.memory_space<vmem>>
    tpu.enqueue_dma source(%dma_start3A_354 : memref<128x16xf32, #tpu.memory_space<vmem>>) target(%dma_start3A_351 : memref<128x16xf32, #tpu.memory_space<hbm>>) target_semaphore(%arg8 : memref<!tpu.dma_semaphore, #tpu.memory_space<semaphore_mem>>)
    %dma_wait3A_355 = arith.constant 4 : i32
    %dma_wait3A_356 = arith.constant 512 : i32
    %dma_wait3A_357 = arith.constant 0 : i32
    %dma_wait3A_358 = tpu.memref_slice %arg6[%dma_wait3A_356, %dma_wait3A_357] : memref<3328x16xf32, #tpu.memory_space<vmem>> -> memref<128x16xf32, #tpu.memory_space<vmem>>
    %dma_wait3A_359 = arith.constant 0 : i32
    %dma_wait3A_360 = tpu.memref_slice %arg5[%dma_wait3A_355, %dma_wait3A_359] : memref<26x128xi32, #tpu.memory_space<vmem>> -> memref<1x128xi32, #tpu.memory_space<vmem>>
    %dma_wait3A_361 = tpu.memref_squeeze %dma_wait3A_360 : memref<1x128xi32, #tpu.memory_space<vmem>> -> memref<128xi32, #tpu.memory_space<vmem>>
    %dma_wait3A_362 = arith.constant 0 : i32
    %dma_wait3A_363 = arith.constant 0 : i32
    %dma_wait3A_364 = tpu.memref_slice %arg3[%dma_wait3A_362, %dma_wait3A_363] : memref<1000012x16xf32, #tpu.memory_space<hbm>> -> memref<1000012x16xf32, #tpu.memory_space<hbm>>
    tpu.wait_indirect_dma semaphore(%arg7 : memref<!tpu.dma_semaphore, #tpu.memory_space<semaphore_mem>>) src(%dma_wait3A_364 : memref<1000012x16xf32, #tpu.memory_space<hbm>>) dst(%dma_wait3A_358 : memref<128x16xf32, #tpu.memory_space<vmem>>)
    %mul3A_365 = arith.constant 3328 : i32
    %mul3A_366 = arith.muli %add3A, %mul3A_365 : i32
    %add3A_367 = arith.constant 512 : i32
    %add3A_368 = arith.addi %mul3A_366, %add3A_367 : i32
    %dma_start3A_369 = arith.constant 512 : i32
    %dma_start3A_370 = arith.constant 0 : i32
    %dma_start3A_371 = tpu.memref_slice %arg6[%dma_start3A_369, %dma_start3A_370] : memref<3328x16xf32, #tpu.memory_space<vmem>> -> memref<128x16xf32, #tpu.memory_space<vmem>>
    %dma_start3A_372 = arith.constant 0 : i32
    %dma_start3A_373 = tpu.memref_slice %arg4[%add3A_368, %dma_start3A_372] : memref<106496x16xf32, #tpu.memory_space<hbm>> -> memref<128x16xf32, #tpu.memory_space<hbm>>
    %dma_start3A_374 = arith.constant 0 : i32
    %dma_start3A_375 = tpu.memref_slice %arg4[%add3A_368, %dma_start3A_374] : memref<106496x16xf32, #tpu.memory_space<hbm>> -> memref<128x16xf32, #tpu.memory_space<hbm>>
    %dma_start3A_376 = arith.constant 512 : i32
    %dma_start3A_377 = arith.constant 0 : i32
    %dma_start3A_378 = tpu.memref_slice %arg6[%dma_start3A_376, %dma_start3A_377] : memref<3328x16xf32, #tpu.memory_space<vmem>> -> memref<128x16xf32, #tpu.memory_space<vmem>>
    tpu.enqueue_dma source(%dma_start3A_378 : memref<128x16xf32, #tpu.memory_space<vmem>>) target(%dma_start3A_375 : memref<128x16xf32, #tpu.memory_space<hbm>>) target_semaphore(%arg8 : memref<!tpu.dma_semaphore, #tpu.memory_space<semaphore_mem>>)
    %dma_wait3A_379 = arith.constant 5 : i32
    %dma_wait3A_380 = arith.constant 640 : i32
    %dma_wait3A_381 = arith.constant 0 : i32
    %dma_wait3A_382 = tpu.memref_slice %arg6[%dma_wait3A_380, %dma_wait3A_381] : memref<3328x16xf32, #tpu.memory_space<vmem>> -> memref<128x16xf32, #tpu.memory_space<vmem>>
    %dma_wait3A_383 = arith.constant 0 : i32
    %dma_wait3A_384 = tpu.memref_slice %arg5[%dma_wait3A_379, %dma_wait3A_383] : memref<26x128xi32, #tpu.memory_space<vmem>> -> memref<1x128xi32, #tpu.memory_space<vmem>>
    %dma_wait3A_385 = tpu.memref_squeeze %dma_wait3A_384 : memref<1x128xi32, #tpu.memory_space<vmem>> -> memref<128xi32, #tpu.memory_space<vmem>>
    %dma_wait3A_386 = arith.constant 0 : i32
    %dma_wait3A_387 = arith.constant 0 : i32
    %dma_wait3A_388 = tpu.memref_slice %arg3[%dma_wait3A_386, %dma_wait3A_387] : memref<1000012x16xf32, #tpu.memory_space<hbm>> -> memref<1000012x16xf32, #tpu.memory_space<hbm>>
    tpu.wait_indirect_dma semaphore(%arg7 : memref<!tpu.dma_semaphore, #tpu.memory_space<semaphore_mem>>) src(%dma_wait3A_388 : memref<1000012x16xf32, #tpu.memory_space<hbm>>) dst(%dma_wait3A_382 : memref<128x16xf32, #tpu.memory_space<vmem>>)
    %mul3A_389 = arith.constant 3328 : i32
    %mul3A_390 = arith.muli %add3A, %mul3A_389 : i32
    %add3A_391 = arith.constant 640 : i32
    %add3A_392 = arith.addi %mul3A_390, %add3A_391 : i32
    %dma_start3A_393 = arith.constant 640 : i32
    %dma_start3A_394 = arith.constant 0 : i32
    %dma_start3A_395 = tpu.memref_slice %arg6[%dma_start3A_393, %dma_start3A_394] : memref<3328x16xf32, #tpu.memory_space<vmem>> -> memref<128x16xf32, #tpu.memory_space<vmem>>
    %dma_start3A_396 = arith.constant 0 : i32
    %dma_start3A_397 = tpu.memref_slice %arg4[%add3A_392, %dma_start3A_396] : memref<106496x16xf32, #tpu.memory_space<hbm>> -> memref<128x16xf32, #tpu.memory_space<hbm>>
    %dma_start3A_398 = arith.constant 0 : i32
    %dma_start3A_399 = tpu.memref_slice %arg4[%add3A_392, %dma_start3A_398] : memref<106496x16xf32, #tpu.memory_space<hbm>> -> memref<128x16xf32, #tpu.memory_space<hbm>>
    %dma_start3A_400 = arith.constant 640 : i32
    %dma_start3A_401 = arith.constant 0 : i32
    %dma_start3A_402 = tpu.memref_slice %arg6[%dma_start3A_400, %dma_start3A_401] : memref<3328x16xf32, #tpu.memory_space<vmem>> -> memref<128x16xf32, #tpu.memory_space<vmem>>
    tpu.enqueue_dma source(%dma_start3A_402 : memref<128x16xf32, #tpu.memory_space<vmem>>) target(%dma_start3A_399 : memref<128x16xf32, #tpu.memory_space<hbm>>) target_semaphore(%arg8 : memref<!tpu.dma_semaphore, #tpu.memory_space<semaphore_mem>>)
    %dma_wait3A_403 = arith.constant 6 : i32
    %dma_wait3A_404 = arith.constant 768 : i32
    %dma_wait3A_405 = arith.constant 0 : i32
    %dma_wait3A_406 = tpu.memref_slice %arg6[%dma_wait3A_404, %dma_wait3A_405] : memref<3328x16xf32, #tpu.memory_space<vmem>> -> memref<128x16xf32, #tpu.memory_space<vmem>>
    %dma_wait3A_407 = arith.constant 0 : i32
    %dma_wait3A_408 = tpu.memref_slice %arg5[%dma_wait3A_403, %dma_wait3A_407] : memref<26x128xi32, #tpu.memory_space<vmem>> -> memref<1x128xi32, #tpu.memory_space<vmem>>
    %dma_wait3A_409 = tpu.memref_squeeze %dma_wait3A_408 : memref<1x128xi32, #tpu.memory_space<vmem>> -> memref<128xi32, #tpu.memory_space<vmem>>
    %dma_wait3A_410 = arith.constant 0 : i32
    %dma_wait3A_411 = arith.constant 0 : i32
    %dma_wait3A_412 = tpu.memref_slice %arg3[%dma_wait3A_410, %dma_wait3A_411] : memref<1000012x16xf32, #tpu.memory_space<hbm>> -> memref<1000012x16xf32, #tpu.memory_space<hbm>>
    tpu.wait_indirect_dma semaphore(%arg7 : memref<!tpu.dma_semaphore, #tpu.memory_space<semaphore_mem>>) src(%dma_wait3A_412 : memref<1000012x16xf32, #tpu.memory_space<hbm>>) dst(%dma_wait3A_406 : memref<128x16xf32, #tpu.memory_space<vmem>>)
    %mul3A_413 = arith.constant 3328 : i32
    %mul3A_414 = arith.muli %add3A, %mul3A_413 : i32
    %add3A_415 = arith.constant 768 : i32
    %add3A_416 = arith.addi %mul3A_414, %add3A_415 : i32
    %dma_start3A_417 = arith.constant 768 : i32
    %dma_start3A_418 = arith.constant 0 : i32
    %dma_start3A_419 = tpu.memref_slice %arg6[%dma_start3A_417, %dma_start3A_418] : memref<3328x16xf32, #tpu.memory_space<vmem>> -> memref<128x16xf32, #tpu.memory_space<vmem>>
    %dma_start3A_420 = arith.constant 0 : i32
    %dma_start3A_421 = tpu.memref_slice %arg4[%add3A_416, %dma_start3A_420] : memref<106496x16xf32, #tpu.memory_space<hbm>> -> memref<128x16xf32, #tpu.memory_space<hbm>>
    %dma_start3A_422 = arith.constant 0 : i32
    %dma_start3A_423 = tpu.memref_slice %arg4[%add3A_416, %dma_start3A_422] : memref<106496x16xf32, #tpu.memory_space<hbm>> -> memref<128x16xf32, #tpu.memory_space<hbm>>
    %dma_start3A_424 = arith.constant 768 : i32
    %dma_start3A_425 = arith.constant 0 : i32
    %dma_start3A_426 = tpu.memref_slice %arg6[%dma_start3A_424, %dma_start3A_425] : memref<3328x16xf32, #tpu.memory_space<vmem>> -> memref<128x16xf32, #tpu.memory_space<vmem>>
    tpu.enqueue_dma source(%dma_start3A_426 : memref<128x16xf32, #tpu.memory_space<vmem>>) target(%dma_start3A_423 : memref<128x16xf32, #tpu.memory_space<hbm>>) target_semaphore(%arg8 : memref<!tpu.dma_semaphore, #tpu.memory_space<semaphore_mem>>)
    %dma_wait3A_427 = arith.constant 7 : i32
    %dma_wait3A_428 = arith.constant 896 : i32
    %dma_wait3A_429 = arith.constant 0 : i32
    %dma_wait3A_430 = tpu.memref_slice %arg6[%dma_wait3A_428, %dma_wait3A_429] : memref<3328x16xf32, #tpu.memory_space<vmem>> -> memref<128x16xf32, #tpu.memory_space<vmem>>
    %dma_wait3A_431 = arith.constant 0 : i32
    %dma_wait3A_432 = tpu.memref_slice %arg5[%dma_wait3A_427, %dma_wait3A_431] : memref<26x128xi32, #tpu.memory_space<vmem>> -> memref<1x128xi32, #tpu.memory_space<vmem>>
    %dma_wait3A_433 = tpu.memref_squeeze %dma_wait3A_432 : memref<1x128xi32, #tpu.memory_space<vmem>> -> memref<128xi32, #tpu.memory_space<vmem>>
    %dma_wait3A_434 = arith.constant 0 : i32
    %dma_wait3A_435 = arith.constant 0 : i32
    %dma_wait3A_436 = tpu.memref_slice %arg3[%dma_wait3A_434, %dma_wait3A_435] : memref<1000012x16xf32, #tpu.memory_space<hbm>> -> memref<1000012x16xf32, #tpu.memory_space<hbm>>
    tpu.wait_indirect_dma semaphore(%arg7 : memref<!tpu.dma_semaphore, #tpu.memory_space<semaphore_mem>>) src(%dma_wait3A_436 : memref<1000012x16xf32, #tpu.memory_space<hbm>>) dst(%dma_wait3A_430 : memref<128x16xf32, #tpu.memory_space<vmem>>)
    %mul3A_437 = arith.constant 3328 : i32
    %mul3A_438 = arith.muli %add3A, %mul3A_437 : i32
    %add3A_439 = arith.constant 896 : i32
    %add3A_440 = arith.addi %mul3A_438, %add3A_439 : i32
    %dma_start3A_441 = arith.constant 896 : i32
    %dma_start3A_442 = arith.constant 0 : i32
    %dma_start3A_443 = tpu.memref_slice %arg6[%dma_start3A_441, %dma_start3A_442] : memref<3328x16xf32, #tpu.memory_space<vmem>> -> memref<128x16xf32, #tpu.memory_space<vmem>>
    %dma_start3A_444 = arith.constant 0 : i32
    %dma_start3A_445 = tpu.memref_slice %arg4[%add3A_440, %dma_start3A_444] : memref<106496x16xf32, #tpu.memory_space<hbm>> -> memref<128x16xf32, #tpu.memory_space<hbm>>
    %dma_start3A_446 = arith.constant 0 : i32
    %dma_start3A_447 = tpu.memref_slice %arg4[%add3A_440, %dma_start3A_446] : memref<106496x16xf32, #tpu.memory_space<hbm>> -> memref<128x16xf32, #tpu.memory_space<hbm>>
    %dma_start3A_448 = arith.constant 896 : i32
    %dma_start3A_449 = arith.constant 0 : i32
    %dma_start3A_450 = tpu.memref_slice %arg6[%dma_start3A_448, %dma_start3A_449] : memref<3328x16xf32, #tpu.memory_space<vmem>> -> memref<128x16xf32, #tpu.memory_space<vmem>>
    tpu.enqueue_dma source(%dma_start3A_450 : memref<128x16xf32, #tpu.memory_space<vmem>>) target(%dma_start3A_447 : memref<128x16xf32, #tpu.memory_space<hbm>>) target_semaphore(%arg8 : memref<!tpu.dma_semaphore, #tpu.memory_space<semaphore_mem>>)
    %dma_wait3A_451 = arith.constant 8 : i32
    %dma_wait3A_452 = arith.constant 1024 : i32
    %dma_wait3A_453 = arith.constant 0 : i32
    %dma_wait3A_454 = tpu.memref_slice %arg6[%dma_wait3A_452, %dma_wait3A_453] : memref<3328x16xf32, #tpu.memory_space<vmem>> -> memref<128x16xf32, #tpu.memory_space<vmem>>
    %dma_wait3A_455 = arith.constant 0 : i32
    %dma_wait3A_456 = tpu.memref_slice %arg5[%dma_wait3A_451, %dma_wait3A_455] : memref<26x128xi32, #tpu.memory_space<vmem>> -> memref<1x128xi32, #tpu.memory_space<vmem>>
    %dma_wait3A_457 = tpu.memref_squeeze %dma_wait3A_456 : memref<1x128xi32, #tpu.memory_space<vmem>> -> memref<128xi32, #tpu.memory_space<vmem>>
    %dma_wait3A_458 = arith.constant 0 : i32
    %dma_wait3A_459 = arith.constant 0 : i32
    %dma_wait3A_460 = tpu.memref_slice %arg3[%dma_wait3A_458, %dma_wait3A_459] : memref<1000012x16xf32, #tpu.memory_space<hbm>> -> memref<1000012x16xf32, #tpu.memory_space<hbm>>
    tpu.wait_indirect_dma semaphore(%arg7 : memref<!tpu.dma_semaphore, #tpu.memory_space<semaphore_mem>>) src(%dma_wait3A_460 : memref<1000012x16xf32, #tpu.memory_space<hbm>>) dst(%dma_wait3A_454 : memref<128x16xf32, #tpu.memory_space<vmem>>)
    %mul3A_461 = arith.constant 3328 : i32
    %mul3A_462 = arith.muli %add3A, %mul3A_461 : i32
    %add3A_463 = arith.constant 1024 : i32
    %add3A_464 = arith.addi %mul3A_462, %add3A_463 : i32
    %dma_start3A_465 = arith.constant 1024 : i32
    %dma_start3A_466 = arith.constant 0 : i32
    %dma_start3A_467 = tpu.memref_slice %arg6[%dma_start3A_465, %dma_start3A_466] : memref<3328x16xf32, #tpu.memory_space<vmem>> -> memref<128x16xf32, #tpu.memory_space<vmem>>
    %dma_start3A_468 = arith.constant 0 : i32
    %dma_start3A_469 = tpu.memref_slice %arg4[%add3A_464, %dma_start3A_468] : memref<106496x16xf32, #tpu.memory_space<hbm>> -> memref<128x16xf32, #tpu.memory_space<hbm>>
    %dma_start3A_470 = arith.constant 0 : i32
    %dma_start3A_471 = tpu.memref_slice %arg4[%add3A_464, %dma_start3A_470] : memref<106496x16xf32, #tpu.memory_space<hbm>> -> memref<128x16xf32, #tpu.memory_space<hbm>>
    %dma_start3A_472 = arith.constant 1024 : i32
    %dma_start3A_473 = arith.constant 0 : i32
    %dma_start3A_474 = tpu.memref_slice %arg6[%dma_start3A_472, %dma_start3A_473] : memref<3328x16xf32, #tpu.memory_space<vmem>> -> memref<128x16xf32, #tpu.memory_space<vmem>>
    tpu.enqueue_dma source(%dma_start3A_474 : memref<128x16xf32, #tpu.memory_space<vmem>>) target(%dma_start3A_471 : memref<128x16xf32, #tpu.memory_space<hbm>>) target_semaphore(%arg8 : memref<!tpu.dma_semaphore, #tpu.memory_space<semaphore_mem>>)
    %dma_wait3A_475 = arith.constant 9 : i32
    %dma_wait3A_476 = arith.constant 1152 : i32
    %dma_wait3A_477 = arith.constant 0 : i32
    %dma_wait3A_478 = tpu.memref_slice %arg6[%dma_wait3A_476, %dma_wait3A_477] : memref<3328x16xf32, #tpu.memory_space<vmem>> -> memref<128x16xf32, #tpu.memory_space<vmem>>
    %dma_wait3A_479 = arith.constant 0 : i32
    %dma_wait3A_480 = tpu.memref_slice %arg5[%dma_wait3A_475, %dma_wait3A_479] : memref<26x128xi32, #tpu.memory_space<vmem>> -> memref<1x128xi32, #tpu.memory_space<vmem>>
    %dma_wait3A_481 = tpu.memref_squeeze %dma_wait3A_480 : memref<1x128xi32, #tpu.memory_space<vmem>> -> memref<128xi32, #tpu.memory_space<vmem>>
    %dma_wait3A_482 = arith.constant 0 : i32
    %dma_wait3A_483 = arith.constant 0 : i32
    %dma_wait3A_484 = tpu.memref_slice %arg3[%dma_wait3A_482, %dma_wait3A_483] : memref<1000012x16xf32, #tpu.memory_space<hbm>> -> memref<1000012x16xf32, #tpu.memory_space<hbm>>
    tpu.wait_indirect_dma semaphore(%arg7 : memref<!tpu.dma_semaphore, #tpu.memory_space<semaphore_mem>>) src(%dma_wait3A_484 : memref<1000012x16xf32, #tpu.memory_space<hbm>>) dst(%dma_wait3A_478 : memref<128x16xf32, #tpu.memory_space<vmem>>)
    %mul3A_485 = arith.constant 3328 : i32
    %mul3A_486 = arith.muli %add3A, %mul3A_485 : i32
    %add3A_487 = arith.constant 1152 : i32
    %add3A_488 = arith.addi %mul3A_486, %add3A_487 : i32
    %dma_start3A_489 = arith.constant 1152 : i32
    %dma_start3A_490 = arith.constant 0 : i32
    %dma_start3A_491 = tpu.memref_slice %arg6[%dma_start3A_489, %dma_start3A_490] : memref<3328x16xf32, #tpu.memory_space<vmem>> -> memref<128x16xf32, #tpu.memory_space<vmem>>
    %dma_start3A_492 = arith.constant 0 : i32
    %dma_start3A_493 = tpu.memref_slice %arg4[%add3A_488, %dma_start3A_492] : memref<106496x16xf32, #tpu.memory_space<hbm>> -> memref<128x16xf32, #tpu.memory_space<hbm>>
    %dma_start3A_494 = arith.constant 0 : i32
    %dma_start3A_495 = tpu.memref_slice %arg4[%add3A_488, %dma_start3A_494] : memref<106496x16xf32, #tpu.memory_space<hbm>> -> memref<128x16xf32, #tpu.memory_space<hbm>>
    %dma_start3A_496 = arith.constant 1152 : i32
    %dma_start3A_497 = arith.constant 0 : i32
    %dma_start3A_498 = tpu.memref_slice %arg6[%dma_start3A_496, %dma_start3A_497] : memref<3328x16xf32, #tpu.memory_space<vmem>> -> memref<128x16xf32, #tpu.memory_space<vmem>>
    tpu.enqueue_dma source(%dma_start3A_498 : memref<128x16xf32, #tpu.memory_space<vmem>>) target(%dma_start3A_495 : memref<128x16xf32, #tpu.memory_space<hbm>>) target_semaphore(%arg8 : memref<!tpu.dma_semaphore, #tpu.memory_space<semaphore_mem>>)
    %dma_wait3A_499 = arith.constant 10 : i32
    %dma_wait3A_500 = arith.constant 1280 : i32
    %dma_wait3A_501 = arith.constant 0 : i32
    %dma_wait3A_502 = tpu.memref_slice %arg6[%dma_wait3A_500, %dma_wait3A_501] : memref<3328x16xf32, #tpu.memory_space<vmem>> -> memref<128x16xf32, #tpu.memory_space<vmem>>
    %dma_wait3A_503 = arith.constant 0 : i32
    %dma_wait3A_504 = tpu.memref_slice %arg5[%dma_wait3A_499, %dma_wait3A_503] : memref<26x128xi32, #tpu.memory_space<vmem>> -> memref<1x128xi32, #tpu.memory_space<vmem>>
    %dma_wait3A_505 = tpu.memref_squeeze %dma_wait3A_504 : memref<1x128xi32, #tpu.memory_space<vmem>> -> memref<128xi32, #tpu.memory_space<vmem>>
    %dma_wait3A_506 = arith.constant 0 : i32
    %dma_wait3A_507 = arith.constant 0 : i32
    %dma_wait3A_508 = tpu.memref_slice %arg3[%dma_wait3A_506, %dma_wait3A_507] : memref<1000012x16xf32, #tpu.memory_space<hbm>> -> memref<1000012x16xf32, #tpu.memory_space<hbm>>
    tpu.wait_indirect_dma semaphore(%arg7 : memref<!tpu.dma_semaphore, #tpu.memory_space<semaphore_mem>>) src(%dma_wait3A_508 : memref<1000012x16xf32, #tpu.memory_space<hbm>>) dst(%dma_wait3A_502 : memref<128x16xf32, #tpu.memory_space<vmem>>)
    %mul3A_509 = arith.constant 3328 : i32
    %mul3A_510 = arith.muli %add3A, %mul3A_509 : i32
    %add3A_511 = arith.constant 1280 : i32
    %add3A_512 = arith.addi %mul3A_510, %add3A_511 : i32
    %dma_start3A_513 = arith.constant 1280 : i32
    %dma_start3A_514 = arith.constant 0 : i32
    %dma_start3A_515 = tpu.memref_slice %arg6[%dma_start3A_513, %dma_start3A_514] : memref<3328x16xf32, #tpu.memory_space<vmem>> -> memref<128x16xf32, #tpu.memory_space<vmem>>
    %dma_start3A_516 = arith.constant 0 : i32
    %dma_start3A_517 = tpu.memref_slice %arg4[%add3A_512, %dma_start3A_516] : memref<106496x16xf32, #tpu.memory_space<hbm>> -> memref<128x16xf32, #tpu.memory_space<hbm>>
    %dma_start3A_518 = arith.constant 0 : i32
    %dma_start3A_519 = tpu.memref_slice %arg4[%add3A_512, %dma_start3A_518] : memref<106496x16xf32, #tpu.memory_space<hbm>> -> memref<128x16xf32, #tpu.memory_space<hbm>>
    %dma_start3A_520 = arith.constant 1280 : i32
    %dma_start3A_521 = arith.constant 0 : i32
    %dma_start3A_522 = tpu.memref_slice %arg6[%dma_start3A_520, %dma_start3A_521] : memref<3328x16xf32, #tpu.memory_space<vmem>> -> memref<128x16xf32, #tpu.memory_space<vmem>>
    tpu.enqueue_dma source(%dma_start3A_522 : memref<128x16xf32, #tpu.memory_space<vmem>>) target(%dma_start3A_519 : memref<128x16xf32, #tpu.memory_space<hbm>>) target_semaphore(%arg8 : memref<!tpu.dma_semaphore, #tpu.memory_space<semaphore_mem>>)
    %dma_wait3A_523 = arith.constant 11 : i32
    %dma_wait3A_524 = arith.constant 1408 : i32
    %dma_wait3A_525 = arith.constant 0 : i32
    %dma_wait3A_526 = tpu.memref_slice %arg6[%dma_wait3A_524, %dma_wait3A_525] : memref<3328x16xf32, #tpu.memory_space<vmem>> -> memref<128x16xf32, #tpu.memory_space<vmem>>
    %dma_wait3A_527 = arith.constant 0 : i32
    %dma_wait3A_528 = tpu.memref_slice %arg5[%dma_wait3A_523, %dma_wait3A_527] : memref<26x128xi32, #tpu.memory_space<vmem>> -> memref<1x128xi32, #tpu.memory_space<vmem>>
    %dma_wait3A_529 = tpu.memref_squeeze %dma_wait3A_528 : memref<1x128xi32, #tpu.memory_space<vmem>> -> memref<128xi32, #tpu.memory_space<vmem>>
    %dma_wait3A_530 = arith.constant 0 : i32
    %dma_wait3A_531 = arith.constant 0 : i32
    %dma_wait3A_532 = tpu.memref_slice %arg3[%dma_wait3A_530, %dma_wait3A_531] : memref<1000012x16xf32, #tpu.memory_space<hbm>> -> memref<1000012x16xf32, #tpu.memory_space<hbm>>
    tpu.wait_indirect_dma semaphore(%arg7 : memref<!tpu.dma_semaphore, #tpu.memory_space<semaphore_mem>>) src(%dma_wait3A_532 : memref<1000012x16xf32, #tpu.memory_space<hbm>>) dst(%dma_wait3A_526 : memref<128x16xf32, #tpu.memory_space<vmem>>)
    %mul3A_533 = arith.constant 3328 : i32
    %mul3A_534 = arith.muli %add3A, %mul3A_533 : i32
    %add3A_535 = arith.constant 1408 : i32
    %add3A_536 = arith.addi %mul3A_534, %add3A_535 : i32
    %dma_start3A_537 = arith.constant 1408 : i32
    %dma_start3A_538 = arith.constant 0 : i32
    %dma_start3A_539 = tpu.memref_slice %arg6[%dma_start3A_537, %dma_start3A_538] : memref<3328x16xf32, #tpu.memory_space<vmem>> -> memref<128x16xf32, #tpu.memory_space<vmem>>
    %dma_start3A_540 = arith.constant 0 : i32
    %dma_start3A_541 = tpu.memref_slice %arg4[%add3A_536, %dma_start3A_540] : memref<106496x16xf32, #tpu.memory_space<hbm>> -> memref<128x16xf32, #tpu.memory_space<hbm>>
    %dma_start3A_542 = arith.constant 0 : i32
    %dma_start3A_543 = tpu.memref_slice %arg4[%add3A_536, %dma_start3A_542] : memref<106496x16xf32, #tpu.memory_space<hbm>> -> memref<128x16xf32, #tpu.memory_space<hbm>>
    %dma_start3A_544 = arith.constant 1408 : i32
    %dma_start3A_545 = arith.constant 0 : i32
    %dma_start3A_546 = tpu.memref_slice %arg6[%dma_start3A_544, %dma_start3A_545] : memref<3328x16xf32, #tpu.memory_space<vmem>> -> memref<128x16xf32, #tpu.memory_space<vmem>>
    tpu.enqueue_dma source(%dma_start3A_546 : memref<128x16xf32, #tpu.memory_space<vmem>>) target(%dma_start3A_543 : memref<128x16xf32, #tpu.memory_space<hbm>>) target_semaphore(%arg8 : memref<!tpu.dma_semaphore, #tpu.memory_space<semaphore_mem>>)
    %dma_wait3A_547 = arith.constant 12 : i32
    %dma_wait3A_548 = arith.constant 1536 : i32
    %dma_wait3A_549 = arith.constant 0 : i32
    %dma_wait3A_550 = tpu.memref_slice %arg6[%dma_wait3A_548, %dma_wait3A_549] : memref<3328x16xf32, #tpu.memory_space<vmem>> -> memref<128x16xf32, #tpu.memory_space<vmem>>
    %dma_wait3A_551 = arith.constant 0 : i32
    %dma_wait3A_552 = tpu.memref_slice %arg5[%dma_wait3A_547, %dma_wait3A_551] : memref<26x128xi32, #tpu.memory_space<vmem>> -> memref<1x128xi32, #tpu.memory_space<vmem>>
    %dma_wait3A_553 = tpu.memref_squeeze %dma_wait3A_552 : memref<1x128xi32, #tpu.memory_space<vmem>> -> memref<128xi32, #tpu.memory_space<vmem>>
    %dma_wait3A_554 = arith.constant 0 : i32
    %dma_wait3A_555 = arith.constant 0 : i32
    %dma_wait3A_556 = tpu.memref_slice %arg3[%dma_wait3A_554, %dma_wait3A_555] : memref<1000012x16xf32, #tpu.memory_space<hbm>> -> memref<1000012x16xf32, #tpu.memory_space<hbm>>
    tpu.wait_indirect_dma semaphore(%arg7 : memref<!tpu.dma_semaphore, #tpu.memory_space<semaphore_mem>>) src(%dma_wait3A_556 : memref<1000012x16xf32, #tpu.memory_space<hbm>>) dst(%dma_wait3A_550 : memref<128x16xf32, #tpu.memory_space<vmem>>)
    %mul3A_557 = arith.constant 3328 : i32
    %mul3A_558 = arith.muli %add3A, %mul3A_557 : i32
    %add3A_559 = arith.constant 1536 : i32
    %add3A_560 = arith.addi %mul3A_558, %add3A_559 : i32
    %dma_start3A_561 = arith.constant 1536 : i32
    %dma_start3A_562 = arith.constant 0 : i32
    %dma_start3A_563 = tpu.memref_slice %arg6[%dma_start3A_561, %dma_start3A_562] : memref<3328x16xf32, #tpu.memory_space<vmem>> -> memref<128x16xf32, #tpu.memory_space<vmem>>
    %dma_start3A_564 = arith.constant 0 : i32
    %dma_start3A_565 = tpu.memref_slice %arg4[%add3A_560, %dma_start3A_564] : memref<106496x16xf32, #tpu.memory_space<hbm>> -> memref<128x16xf32, #tpu.memory_space<hbm>>
    %dma_start3A_566 = arith.constant 0 : i32
    %dma_start3A_567 = tpu.memref_slice %arg4[%add3A_560, %dma_start3A_566] : memref<106496x16xf32, #tpu.memory_space<hbm>> -> memref<128x16xf32, #tpu.memory_space<hbm>>
    %dma_start3A_568 = arith.constant 1536 : i32
    %dma_start3A_569 = arith.constant 0 : i32
    %dma_start3A_570 = tpu.memref_slice %arg6[%dma_start3A_568, %dma_start3A_569] : memref<3328x16xf32, #tpu.memory_space<vmem>> -> memref<128x16xf32, #tpu.memory_space<vmem>>
    tpu.enqueue_dma source(%dma_start3A_570 : memref<128x16xf32, #tpu.memory_space<vmem>>) target(%dma_start3A_567 : memref<128x16xf32, #tpu.memory_space<hbm>>) target_semaphore(%arg8 : memref<!tpu.dma_semaphore, #tpu.memory_space<semaphore_mem>>)
    %dma_wait3A_571 = arith.constant 13 : i32
    %dma_wait3A_572 = arith.constant 1664 : i32
    %dma_wait3A_573 = arith.constant 0 : i32
    %dma_wait3A_574 = tpu.memref_slice %arg6[%dma_wait3A_572, %dma_wait3A_573] : memref<3328x16xf32, #tpu.memory_space<vmem>> -> memref<128x16xf32, #tpu.memory_space<vmem>>
    %dma_wait3A_575 = arith.constant 0 : i32
    %dma_wait3A_576 = tpu.memref_slice %arg5[%dma_wait3A_571, %dma_wait3A_575] : memref<26x128xi32, #tpu.memory_space<vmem>> -> memref<1x128xi32, #tpu.memory_space<vmem>>
    %dma_wait3A_577 = tpu.memref_squeeze %dma_wait3A_576 : memref<1x128xi32, #tpu.memory_space<vmem>> -> memref<128xi32, #tpu.memory_space<vmem>>
    %dma_wait3A_578 = arith.constant 0 : i32
    %dma_wait3A_579 = arith.constant 0 : i32
    %dma_wait3A_580 = tpu.memref_slice %arg3[%dma_wait3A_578, %dma_wait3A_579] : memref<1000012x16xf32, #tpu.memory_space<hbm>> -> memref<1000012x16xf32, #tpu.memory_space<hbm>>
    tpu.wait_indirect_dma semaphore(%arg7 : memref<!tpu.dma_semaphore, #tpu.memory_space<semaphore_mem>>) src(%dma_wait3A_580 : memref<1000012x16xf32, #tpu.memory_space<hbm>>) dst(%dma_wait3A_574 : memref<128x16xf32, #tpu.memory_space<vmem>>)
    %mul3A_581 = arith.constant 3328 : i32
    %mul3A_582 = arith.muli %add3A, %mul3A_581 : i32
    %add3A_583 = arith.constant 1664 : i32
    %add3A_584 = arith.addi %mul3A_582, %add3A_583 : i32
    %dma_start3A_585 = arith.constant 1664 : i32
    %dma_start3A_586 = arith.constant 0 : i32
    %dma_start3A_587 = tpu.memref_slice %arg6[%dma_start3A_585, %dma_start3A_586] : memref<3328x16xf32, #tpu.memory_space<vmem>> -> memref<128x16xf32, #tpu.memory_space<vmem>>
    %dma_start3A_588 = arith.constant 0 : i32
    %dma_start3A_589 = tpu.memref_slice %arg4[%add3A_584, %dma_start3A_588] : memref<106496x16xf32, #tpu.memory_space<hbm>> -> memref<128x16xf32, #tpu.memory_space<hbm>>
    %dma_start3A_590 = arith.constant 0 : i32
    %dma_start3A_591 = tpu.memref_slice %arg4[%add3A_584, %dma_start3A_590] : memref<106496x16xf32, #tpu.memory_space<hbm>> -> memref<128x16xf32, #tpu.memory_space<hbm>>
    %dma_start3A_592 = arith.constant 1664 : i32
    %dma_start3A_593 = arith.constant 0 : i32
    %dma_start3A_594 = tpu.memref_slice %arg6[%dma_start3A_592, %dma_start3A_593] : memref<3328x16xf32, #tpu.memory_space<vmem>> -> memref<128x16xf32, #tpu.memory_space<vmem>>
    tpu.enqueue_dma source(%dma_start3A_594 : memref<128x16xf32, #tpu.memory_space<vmem>>) target(%dma_start3A_591 : memref<128x16xf32, #tpu.memory_space<hbm>>) target_semaphore(%arg8 : memref<!tpu.dma_semaphore, #tpu.memory_space<semaphore_mem>>)
    %dma_wait3A_595 = arith.constant 14 : i32
    %dma_wait3A_596 = arith.constant 1792 : i32
    %dma_wait3A_597 = arith.constant 0 : i32
    %dma_wait3A_598 = tpu.memref_slice %arg6[%dma_wait3A_596, %dma_wait3A_597] : memref<3328x16xf32, #tpu.memory_space<vmem>> -> memref<128x16xf32, #tpu.memory_space<vmem>>
    %dma_wait3A_599 = arith.constant 0 : i32
    %dma_wait3A_600 = tpu.memref_slice %arg5[%dma_wait3A_595, %dma_wait3A_599] : memref<26x128xi32, #tpu.memory_space<vmem>> -> memref<1x128xi32, #tpu.memory_space<vmem>>
    %dma_wait3A_601 = tpu.memref_squeeze %dma_wait3A_600 : memref<1x128xi32, #tpu.memory_space<vmem>> -> memref<128xi32, #tpu.memory_space<vmem>>
    %dma_wait3A_602 = arith.constant 0 : i32
    %dma_wait3A_603 = arith.constant 0 : i32
    %dma_wait3A_604 = tpu.memref_slice %arg3[%dma_wait3A_602, %dma_wait3A_603] : memref<1000012x16xf32, #tpu.memory_space<hbm>> -> memref<1000012x16xf32, #tpu.memory_space<hbm>>
    tpu.wait_indirect_dma semaphore(%arg7 : memref<!tpu.dma_semaphore, #tpu.memory_space<semaphore_mem>>) src(%dma_wait3A_604 : memref<1000012x16xf32, #tpu.memory_space<hbm>>) dst(%dma_wait3A_598 : memref<128x16xf32, #tpu.memory_space<vmem>>)
    %mul3A_605 = arith.constant 3328 : i32
    %mul3A_606 = arith.muli %add3A, %mul3A_605 : i32
    %add3A_607 = arith.constant 1792 : i32
    %add3A_608 = arith.addi %mul3A_606, %add3A_607 : i32
    %dma_start3A_609 = arith.constant 1792 : i32
    %dma_start3A_610 = arith.constant 0 : i32
    %dma_start3A_611 = tpu.memref_slice %arg6[%dma_start3A_609, %dma_start3A_610] : memref<3328x16xf32, #tpu.memory_space<vmem>> -> memref<128x16xf32, #tpu.memory_space<vmem>>
    %dma_start3A_612 = arith.constant 0 : i32
    %dma_start3A_613 = tpu.memref_slice %arg4[%add3A_608, %dma_start3A_612] : memref<106496x16xf32, #tpu.memory_space<hbm>> -> memref<128x16xf32, #tpu.memory_space<hbm>>
    %dma_start3A_614 = arith.constant 0 : i32
    %dma_start3A_615 = tpu.memref_slice %arg4[%add3A_608, %dma_start3A_614] : memref<106496x16xf32, #tpu.memory_space<hbm>> -> memref<128x16xf32, #tpu.memory_space<hbm>>
    %dma_start3A_616 = arith.constant 1792 : i32
    %dma_start3A_617 = arith.constant 0 : i32
    %dma_start3A_618 = tpu.memref_slice %arg6[%dma_start3A_616, %dma_start3A_617] : memref<3328x16xf32, #tpu.memory_space<vmem>> -> memref<128x16xf32, #tpu.memory_space<vmem>>
    tpu.enqueue_dma source(%dma_start3A_618 : memref<128x16xf32, #tpu.memory_space<vmem>>) target(%dma_start3A_615 : memref<128x16xf32, #tpu.memory_space<hbm>>) target_semaphore(%arg8 : memref<!tpu.dma_semaphore, #tpu.memory_space<semaphore_mem>>)
    %dma_wait3A_619 = arith.constant 15 : i32
    %dma_wait3A_620 = arith.constant 1920 : i32
    %dma_wait3A_621 = arith.constant 0 : i32
    %dma_wait3A_622 = tpu.memref_slice %arg6[%dma_wait3A_620, %dma_wait3A_621] : memref<3328x16xf32, #tpu.memory_space<vmem>> -> memref<128x16xf32, #tpu.memory_space<vmem>>
    %dma_wait3A_623 = arith.constant 0 : i32
    %dma_wait3A_624 = tpu.memref_slice %arg5[%dma_wait3A_619, %dma_wait3A_623] : memref<26x128xi32, #tpu.memory_space<vmem>> -> memref<1x128xi32, #tpu.memory_space<vmem>>
    %dma_wait3A_625 = tpu.memref_squeeze %dma_wait3A_624 : memref<1x128xi32, #tpu.memory_space<vmem>> -> memref<128xi32, #tpu.memory_space<vmem>>
    %dma_wait3A_626 = arith.constant 0 : i32
    %dma_wait3A_627 = arith.constant 0 : i32
    %dma_wait3A_628 = tpu.memref_slice %arg3[%dma_wait3A_626, %dma_wait3A_627] : memref<1000012x16xf32, #tpu.memory_space<hbm>> -> memref<1000012x16xf32, #tpu.memory_space<hbm>>
    tpu.wait_indirect_dma semaphore(%arg7 : memref<!tpu.dma_semaphore, #tpu.memory_space<semaphore_mem>>) src(%dma_wait3A_628 : memref<1000012x16xf32, #tpu.memory_space<hbm>>) dst(%dma_wait3A_622 : memref<128x16xf32, #tpu.memory_space<vmem>>)
    %mul3A_629 = arith.constant 3328 : i32
    %mul3A_630 = arith.muli %add3A, %mul3A_629 : i32
    %add3A_631 = arith.constant 1920 : i32
    %add3A_632 = arith.addi %mul3A_630, %add3A_631 : i32
    %dma_start3A_633 = arith.constant 1920 : i32
    %dma_start3A_634 = arith.constant 0 : i32
    %dma_start3A_635 = tpu.memref_slice %arg6[%dma_start3A_633, %dma_start3A_634] : memref<3328x16xf32, #tpu.memory_space<vmem>> -> memref<128x16xf32, #tpu.memory_space<vmem>>
    %dma_start3A_636 = arith.constant 0 : i32
    %dma_start3A_637 = tpu.memref_slice %arg4[%add3A_632, %dma_start3A_636] : memref<106496x16xf32, #tpu.memory_space<hbm>> -> memref<128x16xf32, #tpu.memory_space<hbm>>
    %dma_start3A_638 = arith.constant 0 : i32
    %dma_start3A_639 = tpu.memref_slice %arg4[%add3A_632, %dma_start3A_638] : memref<106496x16xf32, #tpu.memory_space<hbm>> -> memref<128x16xf32, #tpu.memory_space<hbm>>
    %dma_start3A_640 = arith.constant 1920 : i32
    %dma_start3A_641 = arith.constant 0 : i32
    %dma_start3A_642 = tpu.memref_slice %arg6[%dma_start3A_640, %dma_start3A_641] : memref<3328x16xf32, #tpu.memory_space<vmem>> -> memref<128x16xf32, #tpu.memory_space<vmem>>
    tpu.enqueue_dma source(%dma_start3A_642 : memref<128x16xf32, #tpu.memory_space<vmem>>) target(%dma_start3A_639 : memref<128x16xf32, #tpu.memory_space<hbm>>) target_semaphore(%arg8 : memref<!tpu.dma_semaphore, #tpu.memory_space<semaphore_mem>>)
    %dma_wait3A_643 = arith.constant 16 : i32
    %dma_wait3A_644 = arith.constant 2048 : i32
    %dma_wait3A_645 = arith.constant 0 : i32
    %dma_wait3A_646 = tpu.memref_slice %arg6[%dma_wait3A_644, %dma_wait3A_645] : memref<3328x16xf32, #tpu.memory_space<vmem>> -> memref<128x16xf32, #tpu.memory_space<vmem>>
    %dma_wait3A_647 = arith.constant 0 : i32
    %dma_wait3A_648 = tpu.memref_slice %arg5[%dma_wait3A_643, %dma_wait3A_647] : memref<26x128xi32, #tpu.memory_space<vmem>> -> memref<1x128xi32, #tpu.memory_space<vmem>>
    %dma_wait3A_649 = tpu.memref_squeeze %dma_wait3A_648 : memref<1x128xi32, #tpu.memory_space<vmem>> -> memref<128xi32, #tpu.memory_space<vmem>>
    %dma_wait3A_650 = arith.constant 0 : i32
    %dma_wait3A_651 = arith.constant 0 : i32
    %dma_wait3A_652 = tpu.memref_slice %arg3[%dma_wait3A_650, %dma_wait3A_651] : memref<1000012x16xf32, #tpu.memory_space<hbm>> -> memref<1000012x16xf32, #tpu.memory_space<hbm>>
    tpu.wait_indirect_dma semaphore(%arg7 : memref<!tpu.dma_semaphore, #tpu.memory_space<semaphore_mem>>) src(%dma_wait3A_652 : memref<1000012x16xf32, #tpu.memory_space<hbm>>) dst(%dma_wait3A_646 : memref<128x16xf32, #tpu.memory_space<vmem>>)
    %mul3A_653 = arith.constant 3328 : i32
    %mul3A_654 = arith.muli %add3A, %mul3A_653 : i32
    %add3A_655 = arith.constant 2048 : i32
    %add3A_656 = arith.addi %mul3A_654, %add3A_655 : i32
    %dma_start3A_657 = arith.constant 2048 : i32
    %dma_start3A_658 = arith.constant 0 : i32
    %dma_start3A_659 = tpu.memref_slice %arg6[%dma_start3A_657, %dma_start3A_658] : memref<3328x16xf32, #tpu.memory_space<vmem>> -> memref<128x16xf32, #tpu.memory_space<vmem>>
    %dma_start3A_660 = arith.constant 0 : i32
    %dma_start3A_661 = tpu.memref_slice %arg4[%add3A_656, %dma_start3A_660] : memref<106496x16xf32, #tpu.memory_space<hbm>> -> memref<128x16xf32, #tpu.memory_space<hbm>>
    %dma_start3A_662 = arith.constant 0 : i32
    %dma_start3A_663 = tpu.memref_slice %arg4[%add3A_656, %dma_start3A_662] : memref<106496x16xf32, #tpu.memory_space<hbm>> -> memref<128x16xf32, #tpu.memory_space<hbm>>
    %dma_start3A_664 = arith.constant 2048 : i32
    %dma_start3A_665 = arith.constant 0 : i32
    %dma_start3A_666 = tpu.memref_slice %arg6[%dma_start3A_664, %dma_start3A_665] : memref<3328x16xf32, #tpu.memory_space<vmem>> -> memref<128x16xf32, #tpu.memory_space<vmem>>
    tpu.enqueue_dma source(%dma_start3A_666 : memref<128x16xf32, #tpu.memory_space<vmem>>) target(%dma_start3A_663 : memref<128x16xf32, #tpu.memory_space<hbm>>) target_semaphore(%arg8 : memref<!tpu.dma_semaphore, #tpu.memory_space<semaphore_mem>>)
    %dma_wait3A_667 = arith.constant 17 : i32
    %dma_wait3A_668 = arith.constant 2176 : i32
    %dma_wait3A_669 = arith.constant 0 : i32
    %dma_wait3A_670 = tpu.memref_slice %arg6[%dma_wait3A_668, %dma_wait3A_669] : memref<3328x16xf32, #tpu.memory_space<vmem>> -> memref<128x16xf32, #tpu.memory_space<vmem>>
    %dma_wait3A_671 = arith.constant 0 : i32
    %dma_wait3A_672 = tpu.memref_slice %arg5[%dma_wait3A_667, %dma_wait3A_671] : memref<26x128xi32, #tpu.memory_space<vmem>> -> memref<1x128xi32, #tpu.memory_space<vmem>>
    %dma_wait3A_673 = tpu.memref_squeeze %dma_wait3A_672 : memref<1x128xi32, #tpu.memory_space<vmem>> -> memref<128xi32, #tpu.memory_space<vmem>>
    %dma_wait3A_674 = arith.constant 0 : i32
    %dma_wait3A_675 = arith.constant 0 : i32
    %dma_wait3A_676 = tpu.memref_slice %arg3[%dma_wait3A_674, %dma_wait3A_675] : memref<1000012x16xf32, #tpu.memory_space<hbm>> -> memref<1000012x16xf32, #tpu.memory_space<hbm>>
    tpu.wait_indirect_dma semaphore(%arg7 : memref<!tpu.dma_semaphore, #tpu.memory_space<semaphore_mem>>) src(%dma_wait3A_676 : memref<1000012x16xf32, #tpu.memory_space<hbm>>) dst(%dma_wait3A_670 : memref<128x16xf32, #tpu.memory_space<vmem>>)
    %mul3A_677 = arith.constant 3328 : i32
    %mul3A_678 = arith.muli %add3A, %mul3A_677 : i32
    %add3A_679 = arith.constant 2176 : i32
    %add3A_680 = arith.addi %mul3A_678, %add3A_679 : i32
    %dma_start3A_681 = arith.constant 2176 : i32
    %dma_start3A_682 = arith.constant 0 : i32
    %dma_start3A_683 = tpu.memref_slice %arg6[%dma_start3A_681, %dma_start3A_682] : memref<3328x16xf32, #tpu.memory_space<vmem>> -> memref<128x16xf32, #tpu.memory_space<vmem>>
    %dma_start3A_684 = arith.constant 0 : i32
    %dma_start3A_685 = tpu.memref_slice %arg4[%add3A_680, %dma_start3A_684] : memref<106496x16xf32, #tpu.memory_space<hbm>> -> memref<128x16xf32, #tpu.memory_space<hbm>>
    %dma_start3A_686 = arith.constant 0 : i32
    %dma_start3A_687 = tpu.memref_slice %arg4[%add3A_680, %dma_start3A_686] : memref<106496x16xf32, #tpu.memory_space<hbm>> -> memref<128x16xf32, #tpu.memory_space<hbm>>
    %dma_start3A_688 = arith.constant 2176 : i32
    %dma_start3A_689 = arith.constant 0 : i32
    %dma_start3A_690 = tpu.memref_slice %arg6[%dma_start3A_688, %dma_start3A_689] : memref<3328x16xf32, #tpu.memory_space<vmem>> -> memref<128x16xf32, #tpu.memory_space<vmem>>
    tpu.enqueue_dma source(%dma_start3A_690 : memref<128x16xf32, #tpu.memory_space<vmem>>) target(%dma_start3A_687 : memref<128x16xf32, #tpu.memory_space<hbm>>) target_semaphore(%arg8 : memref<!tpu.dma_semaphore, #tpu.memory_space<semaphore_mem>>)
    %dma_wait3A_691 = arith.constant 18 : i32
    %dma_wait3A_692 = arith.constant 2304 : i32
    %dma_wait3A_693 = arith.constant 0 : i32
    %dma_wait3A_694 = tpu.memref_slice %arg6[%dma_wait3A_692, %dma_wait3A_693] : memref<3328x16xf32, #tpu.memory_space<vmem>> -> memref<128x16xf32, #tpu.memory_space<vmem>>
    %dma_wait3A_695 = arith.constant 0 : i32
    %dma_wait3A_696 = tpu.memref_slice %arg5[%dma_wait3A_691, %dma_wait3A_695] : memref<26x128xi32, #tpu.memory_space<vmem>> -> memref<1x128xi32, #tpu.memory_space<vmem>>
    %dma_wait3A_697 = tpu.memref_squeeze %dma_wait3A_696 : memref<1x128xi32, #tpu.memory_space<vmem>> -> memref<128xi32, #tpu.memory_space<vmem>>
    %dma_wait3A_698 = arith.constant 0 : i32
    %dma_wait3A_699 = arith.constant 0 : i32
    %dma_wait3A_700 = tpu.memref_slice %arg3[%dma_wait3A_698, %dma_wait3A_699] : memref<1000012x16xf32, #tpu.memory_space<hbm>> -> memref<1000012x16xf32, #tpu.memory_space<hbm>>
    tpu.wait_indirect_dma semaphore(%arg7 : memref<!tpu.dma_semaphore, #tpu.memory_space<semaphore_mem>>) src(%dma_wait3A_700 : memref<1000012x16xf32, #tpu.memory_space<hbm>>) dst(%dma_wait3A_694 : memref<128x16xf32, #tpu.memory_space<vmem>>)
    %mul3A_701 = arith.constant 3328 : i32
    %mul3A_702 = arith.muli %add3A, %mul3A_701 : i32
    %add3A_703 = arith.constant 2304 : i32
    %add3A_704 = arith.addi %mul3A_702, %add3A_703 : i32
    %dma_start3A_705 = arith.constant 2304 : i32
    %dma_start3A_706 = arith.constant 0 : i32
    %dma_start3A_707 = tpu.memref_slice %arg6[%dma_start3A_705, %dma_start3A_706] : memref<3328x16xf32, #tpu.memory_space<vmem>> -> memref<128x16xf32, #tpu.memory_space<vmem>>
    %dma_start3A_708 = arith.constant 0 : i32
    %dma_start3A_709 = tpu.memref_slice %arg4[%add3A_704, %dma_start3A_708] : memref<106496x16xf32, #tpu.memory_space<hbm>> -> memref<128x16xf32, #tpu.memory_space<hbm>>
    %dma_start3A_710 = arith.constant 0 : i32
    %dma_start3A_711 = tpu.memref_slice %arg4[%add3A_704, %dma_start3A_710] : memref<106496x16xf32, #tpu.memory_space<hbm>> -> memref<128x16xf32, #tpu.memory_space<hbm>>
    %dma_start3A_712 = arith.constant 2304 : i32
    %dma_start3A_713 = arith.constant 0 : i32
    %dma_start3A_714 = tpu.memref_slice %arg6[%dma_start3A_712, %dma_start3A_713] : memref<3328x16xf32, #tpu.memory_space<vmem>> -> memref<128x16xf32, #tpu.memory_space<vmem>>
    tpu.enqueue_dma source(%dma_start3A_714 : memref<128x16xf32, #tpu.memory_space<vmem>>) target(%dma_start3A_711 : memref<128x16xf32, #tpu.memory_space<hbm>>) target_semaphore(%arg8 : memref<!tpu.dma_semaphore, #tpu.memory_space<semaphore_mem>>)
    %dma_wait3A_715 = arith.constant 19 : i32
    %dma_wait3A_716 = arith.constant 2432 : i32
    %dma_wait3A_717 = arith.constant 0 : i32
    %dma_wait3A_718 = tpu.memref_slice %arg6[%dma_wait3A_716, %dma_wait3A_717] : memref<3328x16xf32, #tpu.memory_space<vmem>> -> memref<128x16xf32, #tpu.memory_space<vmem>>
    %dma_wait3A_719 = arith.constant 0 : i32
    %dma_wait3A_720 = tpu.memref_slice %arg5[%dma_wait3A_715, %dma_wait3A_719] : memref<26x128xi32, #tpu.memory_space<vmem>> -> memref<1x128xi32, #tpu.memory_space<vmem>>
    %dma_wait3A_721 = tpu.memref_squeeze %dma_wait3A_720 : memref<1x128xi32, #tpu.memory_space<vmem>> -> memref<128xi32, #tpu.memory_space<vmem>>
    %dma_wait3A_722 = arith.constant 0 : i32
    %dma_wait3A_723 = arith.constant 0 : i32
    %dma_wait3A_724 = tpu.memref_slice %arg3[%dma_wait3A_722, %dma_wait3A_723] : memref<1000012x16xf32, #tpu.memory_space<hbm>> -> memref<1000012x16xf32, #tpu.memory_space<hbm>>
    tpu.wait_indirect_dma semaphore(%arg7 : memref<!tpu.dma_semaphore, #tpu.memory_space<semaphore_mem>>) src(%dma_wait3A_724 : memref<1000012x16xf32, #tpu.memory_space<hbm>>) dst(%dma_wait3A_718 : memref<128x16xf32, #tpu.memory_space<vmem>>)
    %mul3A_725 = arith.constant 3328 : i32
    %mul3A_726 = arith.muli %add3A, %mul3A_725 : i32
    %add3A_727 = arith.constant 2432 : i32
    %add3A_728 = arith.addi %mul3A_726, %add3A_727 : i32
    %dma_start3A_729 = arith.constant 2432 : i32
    %dma_start3A_730 = arith.constant 0 : i32
    %dma_start3A_731 = tpu.memref_slice %arg6[%dma_start3A_729, %dma_start3A_730] : memref<3328x16xf32, #tpu.memory_space<vmem>> -> memref<128x16xf32, #tpu.memory_space<vmem>>
    %dma_start3A_732 = arith.constant 0 : i32
    %dma_start3A_733 = tpu.memref_slice %arg4[%add3A_728, %dma_start3A_732] : memref<106496x16xf32, #tpu.memory_space<hbm>> -> memref<128x16xf32, #tpu.memory_space<hbm>>
    %dma_start3A_734 = arith.constant 0 : i32
    %dma_start3A_735 = tpu.memref_slice %arg4[%add3A_728, %dma_start3A_734] : memref<106496x16xf32, #tpu.memory_space<hbm>> -> memref<128x16xf32, #tpu.memory_space<hbm>>
    %dma_start3A_736 = arith.constant 2432 : i32
    %dma_start3A_737 = arith.constant 0 : i32
    %dma_start3A_738 = tpu.memref_slice %arg6[%dma_start3A_736, %dma_start3A_737] : memref<3328x16xf32, #tpu.memory_space<vmem>> -> memref<128x16xf32, #tpu.memory_space<vmem>>
    tpu.enqueue_dma source(%dma_start3A_738 : memref<128x16xf32, #tpu.memory_space<vmem>>) target(%dma_start3A_735 : memref<128x16xf32, #tpu.memory_space<hbm>>) target_semaphore(%arg8 : memref<!tpu.dma_semaphore, #tpu.memory_space<semaphore_mem>>)
    %dma_wait3A_739 = arith.constant 20 : i32
    %dma_wait3A_740 = arith.constant 2560 : i32
    %dma_wait3A_741 = arith.constant 0 : i32
    %dma_wait3A_742 = tpu.memref_slice %arg6[%dma_wait3A_740, %dma_wait3A_741] : memref<3328x16xf32, #tpu.memory_space<vmem>> -> memref<128x16xf32, #tpu.memory_space<vmem>>
    %dma_wait3A_743 = arith.constant 0 : i32
    %dma_wait3A_744 = tpu.memref_slice %arg5[%dma_wait3A_739, %dma_wait3A_743] : memref<26x128xi32, #tpu.memory_space<vmem>> -> memref<1x128xi32, #tpu.memory_space<vmem>>
    %dma_wait3A_745 = tpu.memref_squeeze %dma_wait3A_744 : memref<1x128xi32, #tpu.memory_space<vmem>> -> memref<128xi32, #tpu.memory_space<vmem>>
    %dma_wait3A_746 = arith.constant 0 : i32
    %dma_wait3A_747 = arith.constant 0 : i32
    %dma_wait3A_748 = tpu.memref_slice %arg3[%dma_wait3A_746, %dma_wait3A_747] : memref<1000012x16xf32, #tpu.memory_space<hbm>> -> memref<1000012x16xf32, #tpu.memory_space<hbm>>
    tpu.wait_indirect_dma semaphore(%arg7 : memref<!tpu.dma_semaphore, #tpu.memory_space<semaphore_mem>>) src(%dma_wait3A_748 : memref<1000012x16xf32, #tpu.memory_space<hbm>>) dst(%dma_wait3A_742 : memref<128x16xf32, #tpu.memory_space<vmem>>)
    %mul3A_749 = arith.constant 3328 : i32
    %mul3A_750 = arith.muli %add3A, %mul3A_749 : i32
    %add3A_751 = arith.constant 2560 : i32
    %add3A_752 = arith.addi %mul3A_750, %add3A_751 : i32
    %dma_start3A_753 = arith.constant 2560 : i32
    %dma_start3A_754 = arith.constant 0 : i32
    %dma_start3A_755 = tpu.memref_slice %arg6[%dma_start3A_753, %dma_start3A_754] : memref<3328x16xf32, #tpu.memory_space<vmem>> -> memref<128x16xf32, #tpu.memory_space<vmem>>
    %dma_start3A_756 = arith.constant 0 : i32
    %dma_start3A_757 = tpu.memref_slice %arg4[%add3A_752, %dma_start3A_756] : memref<106496x16xf32, #tpu.memory_space<hbm>> -> memref<128x16xf32, #tpu.memory_space<hbm>>
    %dma_start3A_758 = arith.constant 0 : i32
    %dma_start3A_759 = tpu.memref_slice %arg4[%add3A_752, %dma_start3A_758] : memref<106496x16xf32, #tpu.memory_space<hbm>> -> memref<128x16xf32, #tpu.memory_space<hbm>>
    %dma_start3A_760 = arith.constant 2560 : i32
    %dma_start3A_761 = arith.constant 0 : i32
    %dma_start3A_762 = tpu.memref_slice %arg6[%dma_start3A_760, %dma_start3A_761] : memref<3328x16xf32, #tpu.memory_space<vmem>> -> memref<128x16xf32, #tpu.memory_space<vmem>>
    tpu.enqueue_dma source(%dma_start3A_762 : memref<128x16xf32, #tpu.memory_space<vmem>>) target(%dma_start3A_759 : memref<128x16xf32, #tpu.memory_space<hbm>>) target_semaphore(%arg8 : memref<!tpu.dma_semaphore, #tpu.memory_space<semaphore_mem>>)
    %dma_wait3A_763 = arith.constant 21 : i32
    %dma_wait3A_764 = arith.constant 2688 : i32
    %dma_wait3A_765 = arith.constant 0 : i32
    %dma_wait3A_766 = tpu.memref_slice %arg6[%dma_wait3A_764, %dma_wait3A_765] : memref<3328x16xf32, #tpu.memory_space<vmem>> -> memref<128x16xf32, #tpu.memory_space<vmem>>
    %dma_wait3A_767 = arith.constant 0 : i32
    %dma_wait3A_768 = tpu.memref_slice %arg5[%dma_wait3A_763, %dma_wait3A_767] : memref<26x128xi32, #tpu.memory_space<vmem>> -> memref<1x128xi32, #tpu.memory_space<vmem>>
    %dma_wait3A_769 = tpu.memref_squeeze %dma_wait3A_768 : memref<1x128xi32, #tpu.memory_space<vmem>> -> memref<128xi32, #tpu.memory_space<vmem>>
    %dma_wait3A_770 = arith.constant 0 : i32
    %dma_wait3A_771 = arith.constant 0 : i32
    %dma_wait3A_772 = tpu.memref_slice %arg3[%dma_wait3A_770, %dma_wait3A_771] : memref<1000012x16xf32, #tpu.memory_space<hbm>> -> memref<1000012x16xf32, #tpu.memory_space<hbm>>
    tpu.wait_indirect_dma semaphore(%arg7 : memref<!tpu.dma_semaphore, #tpu.memory_space<semaphore_mem>>) src(%dma_wait3A_772 : memref<1000012x16xf32, #tpu.memory_space<hbm>>) dst(%dma_wait3A_766 : memref<128x16xf32, #tpu.memory_space<vmem>>)
    %mul3A_773 = arith.constant 3328 : i32
    %mul3A_774 = arith.muli %add3A, %mul3A_773 : i32
    %add3A_775 = arith.constant 2688 : i32
    %add3A_776 = arith.addi %mul3A_774, %add3A_775 : i32
    %dma_start3A_777 = arith.constant 2688 : i32
    %dma_start3A_778 = arith.constant 0 : i32
    %dma_start3A_779 = tpu.memref_slice %arg6[%dma_start3A_777, %dma_start3A_778] : memref<3328x16xf32, #tpu.memory_space<vmem>> -> memref<128x16xf32, #tpu.memory_space<vmem>>
    %dma_start3A_780 = arith.constant 0 : i32
    %dma_start3A_781 = tpu.memref_slice %arg4[%add3A_776, %dma_start3A_780] : memref<106496x16xf32, #tpu.memory_space<hbm>> -> memref<128x16xf32, #tpu.memory_space<hbm>>
    %dma_start3A_782 = arith.constant 0 : i32
    %dma_start3A_783 = tpu.memref_slice %arg4[%add3A_776, %dma_start3A_782] : memref<106496x16xf32, #tpu.memory_space<hbm>> -> memref<128x16xf32, #tpu.memory_space<hbm>>
    %dma_start3A_784 = arith.constant 2688 : i32
    %dma_start3A_785 = arith.constant 0 : i32
    %dma_start3A_786 = tpu.memref_slice %arg6[%dma_start3A_784, %dma_start3A_785] : memref<3328x16xf32, #tpu.memory_space<vmem>> -> memref<128x16xf32, #tpu.memory_space<vmem>>
    tpu.enqueue_dma source(%dma_start3A_786 : memref<128x16xf32, #tpu.memory_space<vmem>>) target(%dma_start3A_783 : memref<128x16xf32, #tpu.memory_space<hbm>>) target_semaphore(%arg8 : memref<!tpu.dma_semaphore, #tpu.memory_space<semaphore_mem>>)
    %dma_wait3A_787 = arith.constant 22 : i32
    %dma_wait3A_788 = arith.constant 2816 : i32
    %dma_wait3A_789 = arith.constant 0 : i32
    %dma_wait3A_790 = tpu.memref_slice %arg6[%dma_wait3A_788, %dma_wait3A_789] : memref<3328x16xf32, #tpu.memory_space<vmem>> -> memref<128x16xf32, #tpu.memory_space<vmem>>
    %dma_wait3A_791 = arith.constant 0 : i32
    %dma_wait3A_792 = tpu.memref_slice %arg5[%dma_wait3A_787, %dma_wait3A_791] : memref<26x128xi32, #tpu.memory_space<vmem>> -> memref<1x128xi32, #tpu.memory_space<vmem>>
    %dma_wait3A_793 = tpu.memref_squeeze %dma_wait3A_792 : memref<1x128xi32, #tpu.memory_space<vmem>> -> memref<128xi32, #tpu.memory_space<vmem>>
    %dma_wait3A_794 = arith.constant 0 : i32
    %dma_wait3A_795 = arith.constant 0 : i32
    %dma_wait3A_796 = tpu.memref_slice %arg3[%dma_wait3A_794, %dma_wait3A_795] : memref<1000012x16xf32, #tpu.memory_space<hbm>> -> memref<1000012x16xf32, #tpu.memory_space<hbm>>
    tpu.wait_indirect_dma semaphore(%arg7 : memref<!tpu.dma_semaphore, #tpu.memory_space<semaphore_mem>>) src(%dma_wait3A_796 : memref<1000012x16xf32, #tpu.memory_space<hbm>>) dst(%dma_wait3A_790 : memref<128x16xf32, #tpu.memory_space<vmem>>)
    %mul3A_797 = arith.constant 3328 : i32
    %mul3A_798 = arith.muli %add3A, %mul3A_797 : i32
    %add3A_799 = arith.constant 2816 : i32
    %add3A_800 = arith.addi %mul3A_798, %add3A_799 : i32
    %dma_start3A_801 = arith.constant 2816 : i32
    %dma_start3A_802 = arith.constant 0 : i32
    %dma_start3A_803 = tpu.memref_slice %arg6[%dma_start3A_801, %dma_start3A_802] : memref<3328x16xf32, #tpu.memory_space<vmem>> -> memref<128x16xf32, #tpu.memory_space<vmem>>
    %dma_start3A_804 = arith.constant 0 : i32
    %dma_start3A_805 = tpu.memref_slice %arg4[%add3A_800, %dma_start3A_804] : memref<106496x16xf32, #tpu.memory_space<hbm>> -> memref<128x16xf32, #tpu.memory_space<hbm>>
    %dma_start3A_806 = arith.constant 0 : i32
    %dma_start3A_807 = tpu.memref_slice %arg4[%add3A_800, %dma_start3A_806] : memref<106496x16xf32, #tpu.memory_space<hbm>> -> memref<128x16xf32, #tpu.memory_space<hbm>>
    %dma_start3A_808 = arith.constant 2816 : i32
    %dma_start3A_809 = arith.constant 0 : i32
    %dma_start3A_810 = tpu.memref_slice %arg6[%dma_start3A_808, %dma_start3A_809] : memref<3328x16xf32, #tpu.memory_space<vmem>> -> memref<128x16xf32, #tpu.memory_space<vmem>>
    tpu.enqueue_dma source(%dma_start3A_810 : memref<128x16xf32, #tpu.memory_space<vmem>>) target(%dma_start3A_807 : memref<128x16xf32, #tpu.memory_space<hbm>>) target_semaphore(%arg8 : memref<!tpu.dma_semaphore, #tpu.memory_space<semaphore_mem>>)
    %dma_wait3A_811 = arith.constant 23 : i32
    %dma_wait3A_812 = arith.constant 2944 : i32
    %dma_wait3A_813 = arith.constant 0 : i32
    %dma_wait3A_814 = tpu.memref_slice %arg6[%dma_wait3A_812, %dma_wait3A_813] : memref<3328x16xf32, #tpu.memory_space<vmem>> -> memref<128x16xf32, #tpu.memory_space<vmem>>
    %dma_wait3A_815 = arith.constant 0 : i32
    %dma_wait3A_816 = tpu.memref_slice %arg5[%dma_wait3A_811, %dma_wait3A_815] : memref<26x128xi32, #tpu.memory_space<vmem>> -> memref<1x128xi32, #tpu.memory_space<vmem>>
    %dma_wait3A_817 = tpu.memref_squeeze %dma_wait3A_816 : memref<1x128xi32, #tpu.memory_space<vmem>> -> memref<128xi32, #tpu.memory_space<vmem>>
    %dma_wait3A_818 = arith.constant 0 : i32
    %dma_wait3A_819 = arith.constant 0 : i32
    %dma_wait3A_820 = tpu.memref_slice %arg3[%dma_wait3A_818, %dma_wait3A_819] : memref<1000012x16xf32, #tpu.memory_space<hbm>> -> memref<1000012x16xf32, #tpu.memory_space<hbm>>
    tpu.wait_indirect_dma semaphore(%arg7 : memref<!tpu.dma_semaphore, #tpu.memory_space<semaphore_mem>>) src(%dma_wait3A_820 : memref<1000012x16xf32, #tpu.memory_space<hbm>>) dst(%dma_wait3A_814 : memref<128x16xf32, #tpu.memory_space<vmem>>)
    %mul3A_821 = arith.constant 3328 : i32
    %mul3A_822 = arith.muli %add3A, %mul3A_821 : i32
    %add3A_823 = arith.constant 2944 : i32
    %add3A_824 = arith.addi %mul3A_822, %add3A_823 : i32
    %dma_start3A_825 = arith.constant 2944 : i32
    %dma_start3A_826 = arith.constant 0 : i32
    %dma_start3A_827 = tpu.memref_slice %arg6[%dma_start3A_825, %dma_start3A_826] : memref<3328x16xf32, #tpu.memory_space<vmem>> -> memref<128x16xf32, #tpu.memory_space<vmem>>
    %dma_start3A_828 = arith.constant 0 : i32
    %dma_start3A_829 = tpu.memref_slice %arg4[%add3A_824, %dma_start3A_828] : memref<106496x16xf32, #tpu.memory_space<hbm>> -> memref<128x16xf32, #tpu.memory_space<hbm>>
    %dma_start3A_830 = arith.constant 0 : i32
    %dma_start3A_831 = tpu.memref_slice %arg4[%add3A_824, %dma_start3A_830] : memref<106496x16xf32, #tpu.memory_space<hbm>> -> memref<128x16xf32, #tpu.memory_space<hbm>>
    %dma_start3A_832 = arith.constant 2944 : i32
    %dma_start3A_833 = arith.constant 0 : i32
    %dma_start3A_834 = tpu.memref_slice %arg6[%dma_start3A_832, %dma_start3A_833] : memref<3328x16xf32, #tpu.memory_space<vmem>> -> memref<128x16xf32, #tpu.memory_space<vmem>>
    tpu.enqueue_dma source(%dma_start3A_834 : memref<128x16xf32, #tpu.memory_space<vmem>>) target(%dma_start3A_831 : memref<128x16xf32, #tpu.memory_space<hbm>>) target_semaphore(%arg8 : memref<!tpu.dma_semaphore, #tpu.memory_space<semaphore_mem>>)
    %dma_wait3A_835 = arith.constant 24 : i32
    %dma_wait3A_836 = arith.constant 3072 : i32
    %dma_wait3A_837 = arith.constant 0 : i32
    %dma_wait3A_838 = tpu.memref_slice %arg6[%dma_wait3A_836, %dma_wait3A_837] : memref<3328x16xf32, #tpu.memory_space<vmem>> -> memref<128x16xf32, #tpu.memory_space<vmem>>
    %dma_wait3A_839 = arith.constant 0 : i32
    %dma_wait3A_840 = tpu.memref_slice %arg5[%dma_wait3A_835, %dma_wait3A_839] : memref<26x128xi32, #tpu.memory_space<vmem>> -> memref<1x128xi32, #tpu.memory_space<vmem>>
    %dma_wait3A_841 = tpu.memref_squeeze %dma_wait3A_840 : memref<1x128xi32, #tpu.memory_space<vmem>> -> memref<128xi32, #tpu.memory_space<vmem>>
    %dma_wait3A_842 = arith.constant 0 : i32
    %dma_wait3A_843 = arith.constant 0 : i32
    %dma_wait3A_844 = tpu.memref_slice %arg3[%dma_wait3A_842, %dma_wait3A_843] : memref<1000012x16xf32, #tpu.memory_space<hbm>> -> memref<1000012x16xf32, #tpu.memory_space<hbm>>
    tpu.wait_indirect_dma semaphore(%arg7 : memref<!tpu.dma_semaphore, #tpu.memory_space<semaphore_mem>>) src(%dma_wait3A_844 : memref<1000012x16xf32, #tpu.memory_space<hbm>>) dst(%dma_wait3A_838 : memref<128x16xf32, #tpu.memory_space<vmem>>)
    %mul3A_845 = arith.constant 3328 : i32
    %mul3A_846 = arith.muli %add3A, %mul3A_845 : i32
    %add3A_847 = arith.constant 3072 : i32
    %add3A_848 = arith.addi %mul3A_846, %add3A_847 : i32
    %dma_start3A_849 = arith.constant 3072 : i32
    %dma_start3A_850 = arith.constant 0 : i32
    %dma_start3A_851 = tpu.memref_slice %arg6[%dma_start3A_849, %dma_start3A_850] : memref<3328x16xf32, #tpu.memory_space<vmem>> -> memref<128x16xf32, #tpu.memory_space<vmem>>
    %dma_start3A_852 = arith.constant 0 : i32
    %dma_start3A_853 = tpu.memref_slice %arg4[%add3A_848, %dma_start3A_852] : memref<106496x16xf32, #tpu.memory_space<hbm>> -> memref<128x16xf32, #tpu.memory_space<hbm>>
    %dma_start3A_854 = arith.constant 0 : i32
    %dma_start3A_855 = tpu.memref_slice %arg4[%add3A_848, %dma_start3A_854] : memref<106496x16xf32, #tpu.memory_space<hbm>> -> memref<128x16xf32, #tpu.memory_space<hbm>>
    %dma_start3A_856 = arith.constant 3072 : i32
    %dma_start3A_857 = arith.constant 0 : i32
    %dma_start3A_858 = tpu.memref_slice %arg6[%dma_start3A_856, %dma_start3A_857] : memref<3328x16xf32, #tpu.memory_space<vmem>> -> memref<128x16xf32, #tpu.memory_space<vmem>>
    tpu.enqueue_dma source(%dma_start3A_858 : memref<128x16xf32, #tpu.memory_space<vmem>>) target(%dma_start3A_855 : memref<128x16xf32, #tpu.memory_space<hbm>>) target_semaphore(%arg8 : memref<!tpu.dma_semaphore, #tpu.memory_space<semaphore_mem>>)
    %dma_wait3A_859 = arith.constant 25 : i32
    %dma_wait3A_860 = arith.constant 3200 : i32
    %dma_wait3A_861 = arith.constant 0 : i32
    %dma_wait3A_862 = tpu.memref_slice %arg6[%dma_wait3A_860, %dma_wait3A_861] : memref<3328x16xf32, #tpu.memory_space<vmem>> -> memref<128x16xf32, #tpu.memory_space<vmem>>
    %dma_wait3A_863 = arith.constant 0 : i32
    %dma_wait3A_864 = tpu.memref_slice %arg5[%dma_wait3A_859, %dma_wait3A_863] : memref<26x128xi32, #tpu.memory_space<vmem>> -> memref<1x128xi32, #tpu.memory_space<vmem>>
    %dma_wait3A_865 = tpu.memref_squeeze %dma_wait3A_864 : memref<1x128xi32, #tpu.memory_space<vmem>> -> memref<128xi32, #tpu.memory_space<vmem>>
    %dma_wait3A_866 = arith.constant 0 : i32
    %dma_wait3A_867 = arith.constant 0 : i32
    %dma_wait3A_868 = tpu.memref_slice %arg3[%dma_wait3A_866, %dma_wait3A_867] : memref<1000012x16xf32, #tpu.memory_space<hbm>> -> memref<1000012x16xf32, #tpu.memory_space<hbm>>
    tpu.wait_indirect_dma semaphore(%arg7 : memref<!tpu.dma_semaphore, #tpu.memory_space<semaphore_mem>>) src(%dma_wait3A_868 : memref<1000012x16xf32, #tpu.memory_space<hbm>>) dst(%dma_wait3A_862 : memref<128x16xf32, #tpu.memory_space<vmem>>)
    %mul3A_869 = arith.constant 3328 : i32
    %mul3A_870 = arith.muli %add3A, %mul3A_869 : i32
    %add3A_871 = arith.constant 3200 : i32
    %add3A_872 = arith.addi %mul3A_870, %add3A_871 : i32
    %dma_start3A_873 = arith.constant 3200 : i32
    %dma_start3A_874 = arith.constant 0 : i32
    %dma_start3A_875 = tpu.memref_slice %arg6[%dma_start3A_873, %dma_start3A_874] : memref<3328x16xf32, #tpu.memory_space<vmem>> -> memref<128x16xf32, #tpu.memory_space<vmem>>
    %dma_start3A_876 = arith.constant 0 : i32
    %dma_start3A_877 = tpu.memref_slice %arg4[%add3A_872, %dma_start3A_876] : memref<106496x16xf32, #tpu.memory_space<hbm>> -> memref<128x16xf32, #tpu.memory_space<hbm>>
    %dma_start3A_878 = arith.constant 0 : i32
    %dma_start3A_879 = tpu.memref_slice %arg4[%add3A_872, %dma_start3A_878] : memref<106496x16xf32, #tpu.memory_space<hbm>> -> memref<128x16xf32, #tpu.memory_space<hbm>>
    %dma_start3A_880 = arith.constant 3200 : i32
    %dma_start3A_881 = arith.constant 0 : i32
    %dma_start3A_882 = tpu.memref_slice %arg6[%dma_start3A_880, %dma_start3A_881] : memref<3328x16xf32, #tpu.memory_space<vmem>> -> memref<128x16xf32, #tpu.memory_space<vmem>>
    tpu.enqueue_dma source(%dma_start3A_882 : memref<128x16xf32, #tpu.memory_space<vmem>>) target(%dma_start3A_879 : memref<128x16xf32, #tpu.memory_space<hbm>>) target_semaphore(%arg8 : memref<!tpu.dma_semaphore, #tpu.memory_space<semaphore_mem>>)
    %dma_wait3A_883 = arith.constant 0 : i32
    %dma_wait3A_884 = arith.constant 0 : i32
    %dma_wait3A_885 = tpu.memref_slice %arg6[%dma_wait3A_883, %dma_wait3A_884] : memref<3328x16xf32, #tpu.memory_space<vmem>> -> memref<128x16xf32, #tpu.memory_space<vmem>>
    %dma_wait3A_886 = arith.constant 0 : i32
    %dma_wait3A_887 = tpu.memref_slice %arg4[%add3A_272, %dma_wait3A_886] : memref<106496x16xf32, #tpu.memory_space<hbm>> -> memref<128x16xf32, #tpu.memory_space<hbm>>
    %dma_wait3A_888 = arith.constant 0 : i32
    %dma_wait3A_889 = tpu.memref_slice %arg4[%add3A_272, %dma_wait3A_888] : memref<106496x16xf32, #tpu.memory_space<hbm>> -> memref<128x16xf32, #tpu.memory_space<hbm>>
    %dma_wait3A_890 = arith.constant 0 : i32
    %dma_wait3A_891 = arith.constant 0 : i32
    %dma_wait3A_892 = tpu.memref_slice %arg6[%dma_wait3A_890, %dma_wait3A_891] : memref<3328x16xf32, #tpu.memory_space<vmem>> -> memref<128x16xf32, #tpu.memory_space<vmem>>
    tpu.wait_dma2 semaphore(%arg8 : memref<!tpu.dma_semaphore, #tpu.memory_space<semaphore_mem>>) src(%dma_wait3A_892 : memref<128x16xf32, #tpu.memory_space<vmem>>) dst(%dma_wait3A_889 : memref<128x16xf32, #tpu.memory_space<hbm>>)
    %dma_wait3A_893 = arith.constant 128 : i32
    %dma_wait3A_894 = arith.constant 0 : i32
    %dma_wait3A_895 = tpu.memref_slice %arg6[%dma_wait3A_893, %dma_wait3A_894] : memref<3328x16xf32, #tpu.memory_space<vmem>> -> memref<128x16xf32, #tpu.memory_space<vmem>>
    %dma_wait3A_896 = arith.constant 0 : i32
    %dma_wait3A_897 = tpu.memref_slice %arg4[%add3A_296, %dma_wait3A_896] : memref<106496x16xf32, #tpu.memory_space<hbm>> -> memref<128x16xf32, #tpu.memory_space<hbm>>
    %dma_wait3A_898 = arith.constant 0 : i32
    %dma_wait3A_899 = tpu.memref_slice %arg4[%add3A_296, %dma_wait3A_898] : memref<106496x16xf32, #tpu.memory_space<hbm>> -> memref<128x16xf32, #tpu.memory_space<hbm>>
    %dma_wait3A_900 = arith.constant 128 : i32
    %dma_wait3A_901 = arith.constant 0 : i32
    %dma_wait3A_902 = tpu.memref_slice %arg6[%dma_wait3A_900, %dma_wait3A_901] : memref<3328x16xf32, #tpu.memory_space<vmem>> -> memref<128x16xf32, #tpu.memory_space<vmem>>
    tpu.wait_dma2 semaphore(%arg8 : memref<!tpu.dma_semaphore, #tpu.memory_space<semaphore_mem>>) src(%dma_wait3A_902 : memref<128x16xf32, #tpu.memory_space<vmem>>) dst(%dma_wait3A_899 : memref<128x16xf32, #tpu.memory_space<hbm>>)
    %dma_wait3A_903 = arith.constant 256 : i32
    %dma_wait3A_904 = arith.constant 0 : i32
    %dma_wait3A_905 = tpu.memref_slice %arg6[%dma_wait3A_903, %dma_wait3A_904] : memref<3328x16xf32, #tpu.memory_space<vmem>> -> memref<128x16xf32, #tpu.memory_space<vmem>>
    %dma_wait3A_906 = arith.constant 0 : i32
    %dma_wait3A_907 = tpu.memref_slice %arg4[%add3A_320, %dma_wait3A_906] : memref<106496x16xf32, #tpu.memory_space<hbm>> -> memref<128x16xf32, #tpu.memory_space<hbm>>
    %dma_wait3A_908 = arith.constant 0 : i32
    %dma_wait3A_909 = tpu.memref_slice %arg4[%add3A_320, %dma_wait3A_908] : memref<106496x16xf32, #tpu.memory_space<hbm>> -> memref<128x16xf32, #tpu.memory_space<hbm>>
    %dma_wait3A_910 = arith.constant 256 : i32
    %dma_wait3A_911 = arith.constant 0 : i32
    %dma_wait3A_912 = tpu.memref_slice %arg6[%dma_wait3A_910, %dma_wait3A_911] : memref<3328x16xf32, #tpu.memory_space<vmem>> -> memref<128x16xf32, #tpu.memory_space<vmem>>
    tpu.wait_dma2 semaphore(%arg8 : memref<!tpu.dma_semaphore, #tpu.memory_space<semaphore_mem>>) src(%dma_wait3A_912 : memref<128x16xf32, #tpu.memory_space<vmem>>) dst(%dma_wait3A_909 : memref<128x16xf32, #tpu.memory_space<hbm>>)
    %dma_wait3A_913 = arith.constant 384 : i32
    %dma_wait3A_914 = arith.constant 0 : i32
    %dma_wait3A_915 = tpu.memref_slice %arg6[%dma_wait3A_913, %dma_wait3A_914] : memref<3328x16xf32, #tpu.memory_space<vmem>> -> memref<128x16xf32, #tpu.memory_space<vmem>>
    %dma_wait3A_916 = arith.constant 0 : i32
    %dma_wait3A_917 = tpu.memref_slice %arg4[%add3A_344, %dma_wait3A_916] : memref<106496x16xf32, #tpu.memory_space<hbm>> -> memref<128x16xf32, #tpu.memory_space<hbm>>
    %dma_wait3A_918 = arith.constant 0 : i32
    %dma_wait3A_919 = tpu.memref_slice %arg4[%add3A_344, %dma_wait3A_918] : memref<106496x16xf32, #tpu.memory_space<hbm>> -> memref<128x16xf32, #tpu.memory_space<hbm>>
    %dma_wait3A_920 = arith.constant 384 : i32
    %dma_wait3A_921 = arith.constant 0 : i32
    %dma_wait3A_922 = tpu.memref_slice %arg6[%dma_wait3A_920, %dma_wait3A_921] : memref<3328x16xf32, #tpu.memory_space<vmem>> -> memref<128x16xf32, #tpu.memory_space<vmem>>
    tpu.wait_dma2 semaphore(%arg8 : memref<!tpu.dma_semaphore, #tpu.memory_space<semaphore_mem>>) src(%dma_wait3A_922 : memref<128x16xf32, #tpu.memory_space<vmem>>) dst(%dma_wait3A_919 : memref<128x16xf32, #tpu.memory_space<hbm>>)
    %dma_wait3A_923 = arith.constant 512 : i32
    %dma_wait3A_924 = arith.constant 0 : i32
    %dma_wait3A_925 = tpu.memref_slice %arg6[%dma_wait3A_923, %dma_wait3A_924] : memref<3328x16xf32, #tpu.memory_space<vmem>> -> memref<128x16xf32, #tpu.memory_space<vmem>>
    %dma_wait3A_926 = arith.constant 0 : i32
    %dma_wait3A_927 = tpu.memref_slice %arg4[%add3A_368, %dma_wait3A_926] : memref<106496x16xf32, #tpu.memory_space<hbm>> -> memref<128x16xf32, #tpu.memory_space<hbm>>
    %dma_wait3A_928 = arith.constant 0 : i32
    %dma_wait3A_929 = tpu.memref_slice %arg4[%add3A_368, %dma_wait3A_928] : memref<106496x16xf32, #tpu.memory_space<hbm>> -> memref<128x16xf32, #tpu.memory_space<hbm>>
    %dma_wait3A_930 = arith.constant 512 : i32
    %dma_wait3A_931 = arith.constant 0 : i32
    %dma_wait3A_932 = tpu.memref_slice %arg6[%dma_wait3A_930, %dma_wait3A_931] : memref<3328x16xf32, #tpu.memory_space<vmem>> -> memref<128x16xf32, #tpu.memory_space<vmem>>
    tpu.wait_dma2 semaphore(%arg8 : memref<!tpu.dma_semaphore, #tpu.memory_space<semaphore_mem>>) src(%dma_wait3A_932 : memref<128x16xf32, #tpu.memory_space<vmem>>) dst(%dma_wait3A_929 : memref<128x16xf32, #tpu.memory_space<hbm>>)
    %dma_wait3A_933 = arith.constant 640 : i32
    %dma_wait3A_934 = arith.constant 0 : i32
    %dma_wait3A_935 = tpu.memref_slice %arg6[%dma_wait3A_933, %dma_wait3A_934] : memref<3328x16xf32, #tpu.memory_space<vmem>> -> memref<128x16xf32, #tpu.memory_space<vmem>>
    %dma_wait3A_936 = arith.constant 0 : i32
    %dma_wait3A_937 = tpu.memref_slice %arg4[%add3A_392, %dma_wait3A_936] : memref<106496x16xf32, #tpu.memory_space<hbm>> -> memref<128x16xf32, #tpu.memory_space<hbm>>
    %dma_wait3A_938 = arith.constant 0 : i32
    %dma_wait3A_939 = tpu.memref_slice %arg4[%add3A_392, %dma_wait3A_938] : memref<106496x16xf32, #tpu.memory_space<hbm>> -> memref<128x16xf32, #tpu.memory_space<hbm>>
    %dma_wait3A_940 = arith.constant 640 : i32
    %dma_wait3A_941 = arith.constant 0 : i32
    %dma_wait3A_942 = tpu.memref_slice %arg6[%dma_wait3A_940, %dma_wait3A_941] : memref<3328x16xf32, #tpu.memory_space<vmem>> -> memref<128x16xf32, #tpu.memory_space<vmem>>
    tpu.wait_dma2 semaphore(%arg8 : memref<!tpu.dma_semaphore, #tpu.memory_space<semaphore_mem>>) src(%dma_wait3A_942 : memref<128x16xf32, #tpu.memory_space<vmem>>) dst(%dma_wait3A_939 : memref<128x16xf32, #tpu.memory_space<hbm>>)
    %dma_wait3A_943 = arith.constant 768 : i32
    %dma_wait3A_944 = arith.constant 0 : i32
    %dma_wait3A_945 = tpu.memref_slice %arg6[%dma_wait3A_943, %dma_wait3A_944] : memref<3328x16xf32, #tpu.memory_space<vmem>> -> memref<128x16xf32, #tpu.memory_space<vmem>>
    %dma_wait3A_946 = arith.constant 0 : i32
    %dma_wait3A_947 = tpu.memref_slice %arg4[%add3A_416, %dma_wait3A_946] : memref<106496x16xf32, #tpu.memory_space<hbm>> -> memref<128x16xf32, #tpu.memory_space<hbm>>
    %dma_wait3A_948 = arith.constant 0 : i32
    %dma_wait3A_949 = tpu.memref_slice %arg4[%add3A_416, %dma_wait3A_948] : memref<106496x16xf32, #tpu.memory_space<hbm>> -> memref<128x16xf32, #tpu.memory_space<hbm>>
    %dma_wait3A_950 = arith.constant 768 : i32
    %dma_wait3A_951 = arith.constant 0 : i32
    %dma_wait3A_952 = tpu.memref_slice %arg6[%dma_wait3A_950, %dma_wait3A_951] : memref<3328x16xf32, #tpu.memory_space<vmem>> -> memref<128x16xf32, #tpu.memory_space<vmem>>
    tpu.wait_dma2 semaphore(%arg8 : memref<!tpu.dma_semaphore, #tpu.memory_space<semaphore_mem>>) src(%dma_wait3A_952 : memref<128x16xf32, #tpu.memory_space<vmem>>) dst(%dma_wait3A_949 : memref<128x16xf32, #tpu.memory_space<hbm>>)
    %dma_wait3A_953 = arith.constant 896 : i32
    %dma_wait3A_954 = arith.constant 0 : i32
    %dma_wait3A_955 = tpu.memref_slice %arg6[%dma_wait3A_953, %dma_wait3A_954] : memref<3328x16xf32, #tpu.memory_space<vmem>> -> memref<128x16xf32, #tpu.memory_space<vmem>>
    %dma_wait3A_956 = arith.constant 0 : i32
    %dma_wait3A_957 = tpu.memref_slice %arg4[%add3A_440, %dma_wait3A_956] : memref<106496x16xf32, #tpu.memory_space<hbm>> -> memref<128x16xf32, #tpu.memory_space<hbm>>
    %dma_wait3A_958 = arith.constant 0 : i32
    %dma_wait3A_959 = tpu.memref_slice %arg4[%add3A_440, %dma_wait3A_958] : memref<106496x16xf32, #tpu.memory_space<hbm>> -> memref<128x16xf32, #tpu.memory_space<hbm>>
    %dma_wait3A_960 = arith.constant 896 : i32
    %dma_wait3A_961 = arith.constant 0 : i32
    %dma_wait3A_962 = tpu.memref_slice %arg6[%dma_wait3A_960, %dma_wait3A_961] : memref<3328x16xf32, #tpu.memory_space<vmem>> -> memref<128x16xf32, #tpu.memory_space<vmem>>
    tpu.wait_dma2 semaphore(%arg8 : memref<!tpu.dma_semaphore, #tpu.memory_space<semaphore_mem>>) src(%dma_wait3A_962 : memref<128x16xf32, #tpu.memory_space<vmem>>) dst(%dma_wait3A_959 : memref<128x16xf32, #tpu.memory_space<hbm>>)
    %dma_wait3A_963 = arith.constant 1024 : i32
    %dma_wait3A_964 = arith.constant 0 : i32
    %dma_wait3A_965 = tpu.memref_slice %arg6[%dma_wait3A_963, %dma_wait3A_964] : memref<3328x16xf32, #tpu.memory_space<vmem>> -> memref<128x16xf32, #tpu.memory_space<vmem>>
    %dma_wait3A_966 = arith.constant 0 : i32
    %dma_wait3A_967 = tpu.memref_slice %arg4[%add3A_464, %dma_wait3A_966] : memref<106496x16xf32, #tpu.memory_space<hbm>> -> memref<128x16xf32, #tpu.memory_space<hbm>>
    %dma_wait3A_968 = arith.constant 0 : i32
    %dma_wait3A_969 = tpu.memref_slice %arg4[%add3A_464, %dma_wait3A_968] : memref<106496x16xf32, #tpu.memory_space<hbm>> -> memref<128x16xf32, #tpu.memory_space<hbm>>
    %dma_wait3A_970 = arith.constant 1024 : i32
    %dma_wait3A_971 = arith.constant 0 : i32
    %dma_wait3A_972 = tpu.memref_slice %arg6[%dma_wait3A_970, %dma_wait3A_971] : memref<3328x16xf32, #tpu.memory_space<vmem>> -> memref<128x16xf32, #tpu.memory_space<vmem>>
    tpu.wait_dma2 semaphore(%arg8 : memref<!tpu.dma_semaphore, #tpu.memory_space<semaphore_mem>>) src(%dma_wait3A_972 : memref<128x16xf32, #tpu.memory_space<vmem>>) dst(%dma_wait3A_969 : memref<128x16xf32, #tpu.memory_space<hbm>>)
    %dma_wait3A_973 = arith.constant 1152 : i32
    %dma_wait3A_974 = arith.constant 0 : i32
    %dma_wait3A_975 = tpu.memref_slice %arg6[%dma_wait3A_973, %dma_wait3A_974] : memref<3328x16xf32, #tpu.memory_space<vmem>> -> memref<128x16xf32, #tpu.memory_space<vmem>>
    %dma_wait3A_976 = arith.constant 0 : i32
    %dma_wait3A_977 = tpu.memref_slice %arg4[%add3A_488, %dma_wait3A_976] : memref<106496x16xf32, #tpu.memory_space<hbm>> -> memref<128x16xf32, #tpu.memory_space<hbm>>
    %dma_wait3A_978 = arith.constant 0 : i32
    %dma_wait3A_979 = tpu.memref_slice %arg4[%add3A_488, %dma_wait3A_978] : memref<106496x16xf32, #tpu.memory_space<hbm>> -> memref<128x16xf32, #tpu.memory_space<hbm>>
    %dma_wait3A_980 = arith.constant 1152 : i32
    %dma_wait3A_981 = arith.constant 0 : i32
    %dma_wait3A_982 = tpu.memref_slice %arg6[%dma_wait3A_980, %dma_wait3A_981] : memref<3328x16xf32, #tpu.memory_space<vmem>> -> memref<128x16xf32, #tpu.memory_space<vmem>>
    tpu.wait_dma2 semaphore(%arg8 : memref<!tpu.dma_semaphore, #tpu.memory_space<semaphore_mem>>) src(%dma_wait3A_982 : memref<128x16xf32, #tpu.memory_space<vmem>>) dst(%dma_wait3A_979 : memref<128x16xf32, #tpu.memory_space<hbm>>)
    %dma_wait3A_983 = arith.constant 1280 : i32
    %dma_wait3A_984 = arith.constant 0 : i32
    %dma_wait3A_985 = tpu.memref_slice %arg6[%dma_wait3A_983, %dma_wait3A_984] : memref<3328x16xf32, #tpu.memory_space<vmem>> -> memref<128x16xf32, #tpu.memory_space<vmem>>
    %dma_wait3A_986 = arith.constant 0 : i32
    %dma_wait3A_987 = tpu.memref_slice %arg4[%add3A_512, %dma_wait3A_986] : memref<106496x16xf32, #tpu.memory_space<hbm>> -> memref<128x16xf32, #tpu.memory_space<hbm>>
    %dma_wait3A_988 = arith.constant 0 : i32
    %dma_wait3A_989 = tpu.memref_slice %arg4[%add3A_512, %dma_wait3A_988] : memref<106496x16xf32, #tpu.memory_space<hbm>> -> memref<128x16xf32, #tpu.memory_space<hbm>>
    %dma_wait3A_990 = arith.constant 1280 : i32
    %dma_wait3A_991 = arith.constant 0 : i32
    %dma_wait3A_992 = tpu.memref_slice %arg6[%dma_wait3A_990, %dma_wait3A_991] : memref<3328x16xf32, #tpu.memory_space<vmem>> -> memref<128x16xf32, #tpu.memory_space<vmem>>
    tpu.wait_dma2 semaphore(%arg8 : memref<!tpu.dma_semaphore, #tpu.memory_space<semaphore_mem>>) src(%dma_wait3A_992 : memref<128x16xf32, #tpu.memory_space<vmem>>) dst(%dma_wait3A_989 : memref<128x16xf32, #tpu.memory_space<hbm>>)
    %dma_wait3A_993 = arith.constant 1408 : i32
    %dma_wait3A_994 = arith.constant 0 : i32
    %dma_wait3A_995 = tpu.memref_slice %arg6[%dma_wait3A_993, %dma_wait3A_994] : memref<3328x16xf32, #tpu.memory_space<vmem>> -> memref<128x16xf32, #tpu.memory_space<vmem>>
    %dma_wait3A_996 = arith.constant 0 : i32
    %dma_wait3A_997 = tpu.memref_slice %arg4[%add3A_536, %dma_wait3A_996] : memref<106496x16xf32, #tpu.memory_space<hbm>> -> memref<128x16xf32, #tpu.memory_space<hbm>>
    %dma_wait3A_998 = arith.constant 0 : i32
    %dma_wait3A_999 = tpu.memref_slice %arg4[%add3A_536, %dma_wait3A_998] : memref<106496x16xf32, #tpu.memory_space<hbm>> -> memref<128x16xf32, #tpu.memory_space<hbm>>
    %dma_wait3A_1000 = arith.constant 1408 : i32
    %dma_wait3A_1001 = arith.constant 0 : i32
    %dma_wait3A_1002 = tpu.memref_slice %arg6[%dma_wait3A_1000, %dma_wait3A_1001] : memref<3328x16xf32, #tpu.memory_space<vmem>> -> memref<128x16xf32, #tpu.memory_space<vmem>>
    tpu.wait_dma2 semaphore(%arg8 : memref<!tpu.dma_semaphore, #tpu.memory_space<semaphore_mem>>) src(%dma_wait3A_1002 : memref<128x16xf32, #tpu.memory_space<vmem>>) dst(%dma_wait3A_999 : memref<128x16xf32, #tpu.memory_space<hbm>>)
    %dma_wait3A_1003 = arith.constant 1536 : i32
    %dma_wait3A_1004 = arith.constant 0 : i32
    %dma_wait3A_1005 = tpu.memref_slice %arg6[%dma_wait3A_1003, %dma_wait3A_1004] : memref<3328x16xf32, #tpu.memory_space<vmem>> -> memref<128x16xf32, #tpu.memory_space<vmem>>
    %dma_wait3A_1006 = arith.constant 0 : i32
    %dma_wait3A_1007 = tpu.memref_slice %arg4[%add3A_560, %dma_wait3A_1006] : memref<106496x16xf32, #tpu.memory_space<hbm>> -> memref<128x16xf32, #tpu.memory_space<hbm>>
    %dma_wait3A_1008 = arith.constant 0 : i32
    %dma_wait3A_1009 = tpu.memref_slice %arg4[%add3A_560, %dma_wait3A_1008] : memref<106496x16xf32, #tpu.memory_space<hbm>> -> memref<128x16xf32, #tpu.memory_space<hbm>>
    %dma_wait3A_1010 = arith.constant 1536 : i32
    %dma_wait3A_1011 = arith.constant 0 : i32
    %dma_wait3A_1012 = tpu.memref_slice %arg6[%dma_wait3A_1010, %dma_wait3A_1011] : memref<3328x16xf32, #tpu.memory_space<vmem>> -> memref<128x16xf32, #tpu.memory_space<vmem>>
    tpu.wait_dma2 semaphore(%arg8 : memref<!tpu.dma_semaphore, #tpu.memory_space<semaphore_mem>>) src(%dma_wait3A_1012 : memref<128x16xf32, #tpu.memory_space<vmem>>) dst(%dma_wait3A_1009 : memref<128x16xf32, #tpu.memory_space<hbm>>)
    %dma_wait3A_1013 = arith.constant 1664 : i32
    %dma_wait3A_1014 = arith.constant 0 : i32
    %dma_wait3A_1015 = tpu.memref_slice %arg6[%dma_wait3A_1013, %dma_wait3A_1014] : memref<3328x16xf32, #tpu.memory_space<vmem>> -> memref<128x16xf32, #tpu.memory_space<vmem>>
    %dma_wait3A_1016 = arith.constant 0 : i32
    %dma_wait3A_1017 = tpu.memref_slice %arg4[%add3A_584, %dma_wait3A_1016] : memref<106496x16xf32, #tpu.memory_space<hbm>> -> memref<128x16xf32, #tpu.memory_space<hbm>>
    %dma_wait3A_1018 = arith.constant 0 : i32
    %dma_wait3A_1019 = tpu.memref_slice %arg4[%add3A_584, %dma_wait3A_1018] : memref<106496x16xf32, #tpu.memory_space<hbm>> -> memref<128x16xf32, #tpu.memory_space<hbm>>
    %dma_wait3A_1020 = arith.constant 1664 : i32
    %dma_wait3A_1021 = arith.constant 0 : i32
    %dma_wait3A_1022 = tpu.memref_slice %arg6[%dma_wait3A_1020, %dma_wait3A_1021] : memref<3328x16xf32, #tpu.memory_space<vmem>> -> memref<128x16xf32, #tpu.memory_space<vmem>>
    tpu.wait_dma2 semaphore(%arg8 : memref<!tpu.dma_semaphore, #tpu.memory_space<semaphore_mem>>) src(%dma_wait3A_1022 : memref<128x16xf32, #tpu.memory_space<vmem>>) dst(%dma_wait3A_1019 : memref<128x16xf32, #tpu.memory_space<hbm>>)
    %dma_wait3A_1023 = arith.constant 1792 : i32
    %dma_wait3A_1024 = arith.constant 0 : i32
    %dma_wait3A_1025 = tpu.memref_slice %arg6[%dma_wait3A_1023, %dma_wait3A_1024] : memref<3328x16xf32, #tpu.memory_space<vmem>> -> memref<128x16xf32, #tpu.memory_space<vmem>>
    %dma_wait3A_1026 = arith.constant 0 : i32
    %dma_wait3A_1027 = tpu.memref_slice %arg4[%add3A_608, %dma_wait3A_1026] : memref<106496x16xf32, #tpu.memory_space<hbm>> -> memref<128x16xf32, #tpu.memory_space<hbm>>
    %dma_wait3A_1028 = arith.constant 0 : i32
    %dma_wait3A_1029 = tpu.memref_slice %arg4[%add3A_608, %dma_wait3A_1028] : memref<106496x16xf32, #tpu.memory_space<hbm>> -> memref<128x16xf32, #tpu.memory_space<hbm>>
    %dma_wait3A_1030 = arith.constant 1792 : i32
    %dma_wait3A_1031 = arith.constant 0 : i32
    %dma_wait3A_1032 = tpu.memref_slice %arg6[%dma_wait3A_1030, %dma_wait3A_1031] : memref<3328x16xf32, #tpu.memory_space<vmem>> -> memref<128x16xf32, #tpu.memory_space<vmem>>
    tpu.wait_dma2 semaphore(%arg8 : memref<!tpu.dma_semaphore, #tpu.memory_space<semaphore_mem>>) src(%dma_wait3A_1032 : memref<128x16xf32, #tpu.memory_space<vmem>>) dst(%dma_wait3A_1029 : memref<128x16xf32, #tpu.memory_space<hbm>>)
    %dma_wait3A_1033 = arith.constant 1920 : i32
    %dma_wait3A_1034 = arith.constant 0 : i32
    %dma_wait3A_1035 = tpu.memref_slice %arg6[%dma_wait3A_1033, %dma_wait3A_1034] : memref<3328x16xf32, #tpu.memory_space<vmem>> -> memref<128x16xf32, #tpu.memory_space<vmem>>
    %dma_wait3A_1036 = arith.constant 0 : i32
    %dma_wait3A_1037 = tpu.memref_slice %arg4[%add3A_632, %dma_wait3A_1036] : memref<106496x16xf32, #tpu.memory_space<hbm>> -> memref<128x16xf32, #tpu.memory_space<hbm>>
    %dma_wait3A_1038 = arith.constant 0 : i32
    %dma_wait3A_1039 = tpu.memref_slice %arg4[%add3A_632, %dma_wait3A_1038] : memref<106496x16xf32, #tpu.memory_space<hbm>> -> memref<128x16xf32, #tpu.memory_space<hbm>>
    %dma_wait3A_1040 = arith.constant 1920 : i32
    %dma_wait3A_1041 = arith.constant 0 : i32
    %dma_wait3A_1042 = tpu.memref_slice %arg6[%dma_wait3A_1040, %dma_wait3A_1041] : memref<3328x16xf32, #tpu.memory_space<vmem>> -> memref<128x16xf32, #tpu.memory_space<vmem>>
    tpu.wait_dma2 semaphore(%arg8 : memref<!tpu.dma_semaphore, #tpu.memory_space<semaphore_mem>>) src(%dma_wait3A_1042 : memref<128x16xf32, #tpu.memory_space<vmem>>) dst(%dma_wait3A_1039 : memref<128x16xf32, #tpu.memory_space<hbm>>)
    %dma_wait3A_1043 = arith.constant 2048 : i32
    %dma_wait3A_1044 = arith.constant 0 : i32
    %dma_wait3A_1045 = tpu.memref_slice %arg6[%dma_wait3A_1043, %dma_wait3A_1044] : memref<3328x16xf32, #tpu.memory_space<vmem>> -> memref<128x16xf32, #tpu.memory_space<vmem>>
    %dma_wait3A_1046 = arith.constant 0 : i32
    %dma_wait3A_1047 = tpu.memref_slice %arg4[%add3A_656, %dma_wait3A_1046] : memref<106496x16xf32, #tpu.memory_space<hbm>> -> memref<128x16xf32, #tpu.memory_space<hbm>>
    %dma_wait3A_1048 = arith.constant 0 : i32
    %dma_wait3A_1049 = tpu.memref_slice %arg4[%add3A_656, %dma_wait3A_1048] : memref<106496x16xf32, #tpu.memory_space<hbm>> -> memref<128x16xf32, #tpu.memory_space<hbm>>
    %dma_wait3A_1050 = arith.constant 2048 : i32
    %dma_wait3A_1051 = arith.constant 0 : i32
    %dma_wait3A_1052 = tpu.memref_slice %arg6[%dma_wait3A_1050, %dma_wait3A_1051] : memref<3328x16xf32, #tpu.memory_space<vmem>> -> memref<128x16xf32, #tpu.memory_space<vmem>>
    tpu.wait_dma2 semaphore(%arg8 : memref<!tpu.dma_semaphore, #tpu.memory_space<semaphore_mem>>) src(%dma_wait3A_1052 : memref<128x16xf32, #tpu.memory_space<vmem>>) dst(%dma_wait3A_1049 : memref<128x16xf32, #tpu.memory_space<hbm>>)
    %dma_wait3A_1053 = arith.constant 2176 : i32
    %dma_wait3A_1054 = arith.constant 0 : i32
    %dma_wait3A_1055 = tpu.memref_slice %arg6[%dma_wait3A_1053, %dma_wait3A_1054] : memref<3328x16xf32, #tpu.memory_space<vmem>> -> memref<128x16xf32, #tpu.memory_space<vmem>>
    %dma_wait3A_1056 = arith.constant 0 : i32
    %dma_wait3A_1057 = tpu.memref_slice %arg4[%add3A_680, %dma_wait3A_1056] : memref<106496x16xf32, #tpu.memory_space<hbm>> -> memref<128x16xf32, #tpu.memory_space<hbm>>
    %dma_wait3A_1058 = arith.constant 0 : i32
    %dma_wait3A_1059 = tpu.memref_slice %arg4[%add3A_680, %dma_wait3A_1058] : memref<106496x16xf32, #tpu.memory_space<hbm>> -> memref<128x16xf32, #tpu.memory_space<hbm>>
    %dma_wait3A_1060 = arith.constant 2176 : i32
    %dma_wait3A_1061 = arith.constant 0 : i32
    %dma_wait3A_1062 = tpu.memref_slice %arg6[%dma_wait3A_1060, %dma_wait3A_1061] : memref<3328x16xf32, #tpu.memory_space<vmem>> -> memref<128x16xf32, #tpu.memory_space<vmem>>
    tpu.wait_dma2 semaphore(%arg8 : memref<!tpu.dma_semaphore, #tpu.memory_space<semaphore_mem>>) src(%dma_wait3A_1062 : memref<128x16xf32, #tpu.memory_space<vmem>>) dst(%dma_wait3A_1059 : memref<128x16xf32, #tpu.memory_space<hbm>>)
    %dma_wait3A_1063 = arith.constant 2304 : i32
    %dma_wait3A_1064 = arith.constant 0 : i32
    %dma_wait3A_1065 = tpu.memref_slice %arg6[%dma_wait3A_1063, %dma_wait3A_1064] : memref<3328x16xf32, #tpu.memory_space<vmem>> -> memref<128x16xf32, #tpu.memory_space<vmem>>
    %dma_wait3A_1066 = arith.constant 0 : i32
    %dma_wait3A_1067 = tpu.memref_slice %arg4[%add3A_704, %dma_wait3A_1066] : memref<106496x16xf32, #tpu.memory_space<hbm>> -> memref<128x16xf32, #tpu.memory_space<hbm>>
    %dma_wait3A_1068 = arith.constant 0 : i32
    %dma_wait3A_1069 = tpu.memref_slice %arg4[%add3A_704, %dma_wait3A_1068] : memref<106496x16xf32, #tpu.memory_space<hbm>> -> memref<128x16xf32, #tpu.memory_space<hbm>>
    %dma_wait3A_1070 = arith.constant 2304 : i32
    %dma_wait3A_1071 = arith.constant 0 : i32
    %dma_wait3A_1072 = tpu.memref_slice %arg6[%dma_wait3A_1070, %dma_wait3A_1071] : memref<3328x16xf32, #tpu.memory_space<vmem>> -> memref<128x16xf32, #tpu.memory_space<vmem>>
    tpu.wait_dma2 semaphore(%arg8 : memref<!tpu.dma_semaphore, #tpu.memory_space<semaphore_mem>>) src(%dma_wait3A_1072 : memref<128x16xf32, #tpu.memory_space<vmem>>) dst(%dma_wait3A_1069 : memref<128x16xf32, #tpu.memory_space<hbm>>)
    %dma_wait3A_1073 = arith.constant 2432 : i32
    %dma_wait3A_1074 = arith.constant 0 : i32
    %dma_wait3A_1075 = tpu.memref_slice %arg6[%dma_wait3A_1073, %dma_wait3A_1074] : memref<3328x16xf32, #tpu.memory_space<vmem>> -> memref<128x16xf32, #tpu.memory_space<vmem>>
    %dma_wait3A_1076 = arith.constant 0 : i32
    %dma_wait3A_1077 = tpu.memref_slice %arg4[%add3A_728, %dma_wait3A_1076] : memref<106496x16xf32, #tpu.memory_space<hbm>> -> memref<128x16xf32, #tpu.memory_space<hbm>>
    %dma_wait3A_1078 = arith.constant 0 : i32
    %dma_wait3A_1079 = tpu.memref_slice %arg4[%add3A_728, %dma_wait3A_1078] : memref<106496x16xf32, #tpu.memory_space<hbm>> -> memref<128x16xf32, #tpu.memory_space<hbm>>
    %dma_wait3A_1080 = arith.constant 2432 : i32
    %dma_wait3A_1081 = arith.constant 0 : i32
    %dma_wait3A_1082 = tpu.memref_slice %arg6[%dma_wait3A_1080, %dma_wait3A_1081] : memref<3328x16xf32, #tpu.memory_space<vmem>> -> memref<128x16xf32, #tpu.memory_space<vmem>>
    tpu.wait_dma2 semaphore(%arg8 : memref<!tpu.dma_semaphore, #tpu.memory_space<semaphore_mem>>) src(%dma_wait3A_1082 : memref<128x16xf32, #tpu.memory_space<vmem>>) dst(%dma_wait3A_1079 : memref<128x16xf32, #tpu.memory_space<hbm>>)
    %dma_wait3A_1083 = arith.constant 2560 : i32
    %dma_wait3A_1084 = arith.constant 0 : i32
    %dma_wait3A_1085 = tpu.memref_slice %arg6[%dma_wait3A_1083, %dma_wait3A_1084] : memref<3328x16xf32, #tpu.memory_space<vmem>> -> memref<128x16xf32, #tpu.memory_space<vmem>>
    %dma_wait3A_1086 = arith.constant 0 : i32
    %dma_wait3A_1087 = tpu.memref_slice %arg4[%add3A_752, %dma_wait3A_1086] : memref<106496x16xf32, #tpu.memory_space<hbm>> -> memref<128x16xf32, #tpu.memory_space<hbm>>
    %dma_wait3A_1088 = arith.constant 0 : i32
    %dma_wait3A_1089 = tpu.memref_slice %arg4[%add3A_752, %dma_wait3A_1088] : memref<106496x16xf32, #tpu.memory_space<hbm>> -> memref<128x16xf32, #tpu.memory_space<hbm>>
    %dma_wait3A_1090 = arith.constant 2560 : i32
    %dma_wait3A_1091 = arith.constant 0 : i32
    %dma_wait3A_1092 = tpu.memref_slice %arg6[%dma_wait3A_1090, %dma_wait3A_1091] : memref<3328x16xf32, #tpu.memory_space<vmem>> -> memref<128x16xf32, #tpu.memory_space<vmem>>
    tpu.wait_dma2 semaphore(%arg8 : memref<!tpu.dma_semaphore, #tpu.memory_space<semaphore_mem>>) src(%dma_wait3A_1092 : memref<128x16xf32, #tpu.memory_space<vmem>>) dst(%dma_wait3A_1089 : memref<128x16xf32, #tpu.memory_space<hbm>>)
    %dma_wait3A_1093 = arith.constant 2688 : i32
    %dma_wait3A_1094 = arith.constant 0 : i32
    %dma_wait3A_1095 = tpu.memref_slice %arg6[%dma_wait3A_1093, %dma_wait3A_1094] : memref<3328x16xf32, #tpu.memory_space<vmem>> -> memref<128x16xf32, #tpu.memory_space<vmem>>
    %dma_wait3A_1096 = arith.constant 0 : i32
    %dma_wait3A_1097 = tpu.memref_slice %arg4[%add3A_776, %dma_wait3A_1096] : memref<106496x16xf32, #tpu.memory_space<hbm>> -> memref<128x16xf32, #tpu.memory_space<hbm>>
    %dma_wait3A_1098 = arith.constant 0 : i32
    %dma_wait3A_1099 = tpu.memref_slice %arg4[%add3A_776, %dma_wait3A_1098] : memref<106496x16xf32, #tpu.memory_space<hbm>> -> memref<128x16xf32, #tpu.memory_space<hbm>>
    %dma_wait3A_1100 = arith.constant 2688 : i32
    %dma_wait3A_1101 = arith.constant 0 : i32
    %dma_wait3A_1102 = tpu.memref_slice %arg6[%dma_wait3A_1100, %dma_wait3A_1101] : memref<3328x16xf32, #tpu.memory_space<vmem>> -> memref<128x16xf32, #tpu.memory_space<vmem>>
    tpu.wait_dma2 semaphore(%arg8 : memref<!tpu.dma_semaphore, #tpu.memory_space<semaphore_mem>>) src(%dma_wait3A_1102 : memref<128x16xf32, #tpu.memory_space<vmem>>) dst(%dma_wait3A_1099 : memref<128x16xf32, #tpu.memory_space<hbm>>)
    %dma_wait3A_1103 = arith.constant 2816 : i32
    %dma_wait3A_1104 = arith.constant 0 : i32
    %dma_wait3A_1105 = tpu.memref_slice %arg6[%dma_wait3A_1103, %dma_wait3A_1104] : memref<3328x16xf32, #tpu.memory_space<vmem>> -> memref<128x16xf32, #tpu.memory_space<vmem>>
    %dma_wait3A_1106 = arith.constant 0 : i32
    %dma_wait3A_1107 = tpu.memref_slice %arg4[%add3A_800, %dma_wait3A_1106] : memref<106496x16xf32, #tpu.memory_space<hbm>> -> memref<128x16xf32, #tpu.memory_space<hbm>>
    %dma_wait3A_1108 = arith.constant 0 : i32
    %dma_wait3A_1109 = tpu.memref_slice %arg4[%add3A_800, %dma_wait3A_1108] : memref<106496x16xf32, #tpu.memory_space<hbm>> -> memref<128x16xf32, #tpu.memory_space<hbm>>
    %dma_wait3A_1110 = arith.constant 2816 : i32
    %dma_wait3A_1111 = arith.constant 0 : i32
    %dma_wait3A_1112 = tpu.memref_slice %arg6[%dma_wait3A_1110, %dma_wait3A_1111] : memref<3328x16xf32, #tpu.memory_space<vmem>> -> memref<128x16xf32, #tpu.memory_space<vmem>>
    tpu.wait_dma2 semaphore(%arg8 : memref<!tpu.dma_semaphore, #tpu.memory_space<semaphore_mem>>) src(%dma_wait3A_1112 : memref<128x16xf32, #tpu.memory_space<vmem>>) dst(%dma_wait3A_1109 : memref<128x16xf32, #tpu.memory_space<hbm>>)
    %dma_wait3A_1113 = arith.constant 2944 : i32
    %dma_wait3A_1114 = arith.constant 0 : i32
    %dma_wait3A_1115 = tpu.memref_slice %arg6[%dma_wait3A_1113, %dma_wait3A_1114] : memref<3328x16xf32, #tpu.memory_space<vmem>> -> memref<128x16xf32, #tpu.memory_space<vmem>>
    %dma_wait3A_1116 = arith.constant 0 : i32
    %dma_wait3A_1117 = tpu.memref_slice %arg4[%add3A_824, %dma_wait3A_1116] : memref<106496x16xf32, #tpu.memory_space<hbm>> -> memref<128x16xf32, #tpu.memory_space<hbm>>
    %dma_wait3A_1118 = arith.constant 0 : i32
    %dma_wait3A_1119 = tpu.memref_slice %arg4[%add3A_824, %dma_wait3A_1118] : memref<106496x16xf32, #tpu.memory_space<hbm>> -> memref<128x16xf32, #tpu.memory_space<hbm>>
    %dma_wait3A_1120 = arith.constant 2944 : i32
    %dma_wait3A_1121 = arith.constant 0 : i32
    %dma_wait3A_1122 = tpu.memref_slice %arg6[%dma_wait3A_1120, %dma_wait3A_1121] : memref<3328x16xf32, #tpu.memory_space<vmem>> -> memref<128x16xf32, #tpu.memory_space<vmem>>
    tpu.wait_dma2 semaphore(%arg8 : memref<!tpu.dma_semaphore, #tpu.memory_space<semaphore_mem>>) src(%dma_wait3A_1122 : memref<128x16xf32, #tpu.memory_space<vmem>>) dst(%dma_wait3A_1119 : memref<128x16xf32, #tpu.memory_space<hbm>>)
    %dma_wait3A_1123 = arith.constant 3072 : i32
    %dma_wait3A_1124 = arith.constant 0 : i32
    %dma_wait3A_1125 = tpu.memref_slice %arg6[%dma_wait3A_1123, %dma_wait3A_1124] : memref<3328x16xf32, #tpu.memory_space<vmem>> -> memref<128x16xf32, #tpu.memory_space<vmem>>
    %dma_wait3A_1126 = arith.constant 0 : i32
    %dma_wait3A_1127 = tpu.memref_slice %arg4[%add3A_848, %dma_wait3A_1126] : memref<106496x16xf32, #tpu.memory_space<hbm>> -> memref<128x16xf32, #tpu.memory_space<hbm>>
    %dma_wait3A_1128 = arith.constant 0 : i32
    %dma_wait3A_1129 = tpu.memref_slice %arg4[%add3A_848, %dma_wait3A_1128] : memref<106496x16xf32, #tpu.memory_space<hbm>> -> memref<128x16xf32, #tpu.memory_space<hbm>>
    %dma_wait3A_1130 = arith.constant 3072 : i32
    %dma_wait3A_1131 = arith.constant 0 : i32
    %dma_wait3A_1132 = tpu.memref_slice %arg6[%dma_wait3A_1130, %dma_wait3A_1131] : memref<3328x16xf32, #tpu.memory_space<vmem>> -> memref<128x16xf32, #tpu.memory_space<vmem>>
    tpu.wait_dma2 semaphore(%arg8 : memref<!tpu.dma_semaphore, #tpu.memory_space<semaphore_mem>>) src(%dma_wait3A_1132 : memref<128x16xf32, #tpu.memory_space<vmem>>) dst(%dma_wait3A_1129 : memref<128x16xf32, #tpu.memory_space<hbm>>)
    %dma_wait3A_1133 = arith.constant 3200 : i32
    %dma_wait3A_1134 = arith.constant 0 : i32
    %dma_wait3A_1135 = tpu.memref_slice %arg6[%dma_wait3A_1133, %dma_wait3A_1134] : memref<3328x16xf32, #tpu.memory_space<vmem>> -> memref<128x16xf32, #tpu.memory_space<vmem>>
    %dma_wait3A_1136 = arith.constant 0 : i32
    %dma_wait3A_1137 = tpu.memref_slice %arg4[%add3A_872, %dma_wait3A_1136] : memref<106496x16xf32, #tpu.memory_space<hbm>> -> memref<128x16xf32, #tpu.memory_space<hbm>>
    %dma_wait3A_1138 = arith.constant 0 : i32
    %dma_wait3A_1139 = tpu.memref_slice %arg4[%add3A_872, %dma_wait3A_1138] : memref<106496x16xf32, #tpu.memory_space<hbm>> -> memref<128x16xf32, #tpu.memory_space<hbm>>
    %dma_wait3A_1140 = arith.constant 3200 : i32
    %dma_wait3A_1141 = arith.constant 0 : i32
    %dma_wait3A_1142 = tpu.memref_slice %arg6[%dma_wait3A_1140, %dma_wait3A_1141] : memref<3328x16xf32, #tpu.memory_space<vmem>> -> memref<128x16xf32, #tpu.memory_space<vmem>>
    tpu.wait_dma2 semaphore(%arg8 : memref<!tpu.dma_semaphore, #tpu.memory_space<semaphore_mem>>) src(%dma_wait3A_1142 : memref<128x16xf32, #tpu.memory_space<vmem>>) dst(%dma_wait3A_1139 : memref<128x16xf32, #tpu.memory_space<hbm>>)
    return
  }
}

module attributes {stable_mosaic.version = 14 : i64} {
  func.func @_tc_fm_body(%arg0: i32, %arg1: memref<512x416xf32, #tpu.memory_space<vmem>>, %arg2: memref<416x416xf32, #tpu.memory_space<vmem>>, %arg3: memref<1x416xf32, #tpu.memory_space<vmem>>, %arg4: memref<1x1xf32, #tpu.memory_space<vmem>>, %arg5: memref<512x1xf32, #tpu.memory_space<vmem>>) attributes {dimension_semantics = [#tpu.dimension_semantics<arbitrary>], iteration_bounds = array<i64: 8>, scalar_prefetch = 0 : i64, scratch_operands = 0 : i64, tpu.core_type = #tpu.core_type<tc>, window_params = [{transform_indices = @transform_0, window_bounds = array<i64: 512, 416>}, {pipeline_mode = #tpu.pipeline_mode<synchronous>, transform_indices = @transform_1, window_bounds = array<i64: 416, 416>}, {pipeline_mode = #tpu.pipeline_mode<synchronous>, transform_indices = @transform_2, window_bounds = array<i64: 1, 416>}, {pipeline_mode = #tpu.pipeline_mode<synchronous>, transform_indices = @transform_3, window_bounds = array<i64: 1, 1>}, {transform_indices = @transform_4, window_bounds = array<i64: 512, 1>}]} {
    %get3A = arith.constant 0 : index
    %get3A_0 = arith.constant 0 : index
    %get3A_1 = vector.load %arg1[%get3A, %get3A_0] : memref<512x416xf32, #tpu.memory_space<vmem>>, vector<512x416xf32>
    %get3A_2 = arith.constant 0 : index
    %get3A_3 = arith.constant 0 : index
    %get3A_4 = vector.load %arg2[%get3A_2, %get3A_3] : memref<416x416xf32, #tpu.memory_space<vmem>>, vector<416x416xf32>
    %dot_general3A = arith.constant dense<0.000000e+00> : vector<512x416xf32>
    %dot_general3A_5 = tpu.matmul %get3A_1, %get3A_4, %dot_general3A {dimension_numbers = #tpu.dot_dimension_numbers<[1], [0], [0], [1], [0, 0, 1, 1], [], []>, transpose_lhs_hint = false} : vector<512x416xf32>, vector<416x416xf32>, vector<512x416xf32> -> vector<512x416xf32>
    %get3A_6 = arith.constant 0 : index
    %get3A_7 = arith.constant 0 : index
    %get3A_8 = vector.load %arg3[%get3A_6, %get3A_7] : memref<1x416xf32, #tpu.memory_space<vmem>>, vector<1x416xf32>
    %add3A = vector.broadcast %get3A_8 : vector<1x416xf32> to vector<512x416xf32>
    %add3A_9 = arith.addf %dot_general3A_5, %add3A : vector<512x416xf32>
    %mul3A = arith.mulf %get3A_1, %add3A_9 : vector<512x416xf32>
    %reduce_sum3A = arith.constant dense<0.000000e+00> : vector<512xf32>
    %reduce_sum3A_10 = vector.multi_reduction <add>, %mul3A, %reduce_sum3A [1] : vector<512x416xf32> to vector<512xf32>
    %broadcast_in_dim3A = vector.shape_cast %reduce_sum3A_10 : vector<512xf32> to vector<512x1xf32>
    %get3A_11 = arith.constant 0 : index
    %get3A_12 = arith.constant 0 : index
    %get3A_13 = vector.load %arg4[%get3A_11, %get3A_12] : memref<1x1xf32, #tpu.memory_space<vmem>>, vector<1x1xf32>
    %add3A_14 = vector.broadcast %get3A_13 : vector<1x1xf32> to vector<512x1xf32>
    %add3A_15 = arith.addf %broadcast_in_dim3A, %add3A_14 : vector<512x1xf32>
    %neg3A = arith.constant 0.000000e+00 : f32
    %neg3A_16 = vector.broadcast %neg3A : f32 to vector<512x1xf32>
    %neg3A_17 = arith.subf %neg3A_16, %add3A_15 : vector<512x1xf32>
    %exp3A = math.exp %neg3A_17 : vector<512x1xf32>
    %add3A_18 = arith.constant 1.000000e+00 : f32
    %add3A_19 = vector.broadcast %add3A_18 : f32 to vector<512x1xf32>
    %add3A_20 = arith.addf %add3A_19, %exp3A : vector<512x1xf32>
    %div3A = arith.constant 1.000000e+00 : f32
    %div3A_21 = vector.broadcast %div3A : f32 to vector<512x1xf32>
    %div3A_22 = arith.divf %div3A_21, %add3A_20 : vector<512x1xf32>
    %swap3A = arith.constant 0 : index
    %swap3A_23 = arith.constant 0 : index
    %swap3A_24 = vector.load %arg5[%swap3A, %swap3A_23] : memref<512x1xf32, #tpu.memory_space<vmem>>, vector<512x1xf32>
    tpu.vector_store %arg5[%swap3A, %swap3A_23], %div3A_22 {strides = array<i32>} : memref<512x1xf32, #tpu.memory_space<vmem>>, vector<512x1xf32>,
    return
  }
  func.func @transform_0(%arg0: i32) -> (i32, i32) {
    %c0_i32 = arith.constant 0 : i32
    %c0_i32_0 = arith.constant 0 : i32
    return %arg0, %c0_i32 : i32, i32
  }
  func.func @transform_1(%arg0: i32) -> (i32, i32) {
    %c0_i32 = arith.constant 0 : i32
    %c0_i32_0 = arith.constant 0 : i32
    %c0_i32_1 = arith.constant 0 : i32
    return %c0_i32, %c0_i32_0 : i32, i32
  }
  func.func @transform_2(%arg0: i32) -> (i32, i32) {
    %c0_i32 = arith.constant 0 : i32
    %c0_i32_0 = arith.constant 0 : i32
    %c0_i32_1 = arith.constant 0 : i32
    return %c0_i32, %c0_i32_0 : i32, i32
  }
  func.func @transform_3(%arg0: i32) -> (i32, i32) {
    %c0_i32 = arith.constant 0 : i32
    %c0_i32_0 = arith.constant 0 : i32
    %c0_i32_1 = arith.constant 0 : i32
    return %c0_i32, %c0_i32_0 : i32, i32
  }
  func.func @transform_4(%arg0: i32) -> (i32, i32) {
    %c0_i32 = arith.constant 0 : i32
    %c0_i32_0 = arith.constant 0 : i32
    return %arg0, %c0_i32 : i32, i32
  }
}

</mosaic_0001>

<sc_bundles>
// kernel: kernel.4.cloned.1.call-start
scs
__scs_entry_jumppad:
0x0: {  	(pc) =	sbr.rel $0x88, $3  }
0x1: {  	(tag) =	ssettag $0x0;
	lr =	simm.s32 $0x1  }
0x2: {  	[smem:$0x3F9C] =	sst lr;
	_ =	strace $0xD0000000  }
0x3: {  	_ = 	snop  }
0x4: {  	_ = 	snop  }
0x5: {  	_ = 	snop  }
0x6: {  	_ = 	snop  }
0x7: {  	_ = 	snop  }
__scs_overlays_trampoline_lowered:
0x8: {  	[smem:$0x3FAB] =	sst s0  }
0x9: {  	[smem:$0x3FAC] =	sst s1  }
0xa: {  	[smem:$0x3FAD] =	sst s2  }
0xb: {  	[smem:$0x3FAE] =	sst s3  }
0xc: {  	[smem:$0x3FAF] =	sst s4  }
0xd: {  	[smem:$0x3FB0] =	sst s5  }
0xe: {  	[smem:$0x3FB1] =	sst s6  }
0xf: {  	[smem:$0x3FB2] =	sst s7  }
0x10: {  	[smem:$0x3FB3] =	sst s8  }
0x11: {  	[smem:$0x3FB4] =	sst s9;
	s0 =	simm.s32 @!p0 $0x0  }
0x12: {  	s1 =	sld [smem:$0x3F9A];
	s0 =	simm.s32 @p0 $0x1  }
0x13: {  	[smem:$0x3FB5] =	sst s0;
	s0 =	simm.s32 @!p1 $0x0  }
0x14: {  	s2 =	sld [smem:$0x3F99];
	s0 =	simm.s32 @p1 $0x1  }
0x15: {  	[smem:$0x3FB6] =	sst s0;
	s0 =	simm.s32 @!p2 $0x0  }
0x16: {  	s3 =	sld [smem:$0x3FDB];
	s0 =	simm.s32 @p2 $0x1  }
0x17: {  	s4 =	simm.s32 $0x1BF5;
	[smem:$0x3FB8] =	sst s0  }
0x18: {  	s0 =	sld [smem:$0x3F9B];
	_ =	swait.ge [sflag:s4], $0x0  }
0x19: {  	s7 =	sld [smem:$0x3F9C]  }
0x1a: {  	s8 =	sadd.s32 $0xFFFFE003, lr  }
0x1b: {  	s9 =	sadd.s32 $0xFFFFFEF7, lr;
	s5 =	simm.s32 $0xFFFFFFFF;
	p2 =	slt.u32 s8, $0xFFFFF086  }
0x1c: {  	p1 =	slt.u32 s9, $0xF7A;
	s5 =	simm.s32 @!p2 $0x0  }
0x1d: {  	s5 =	simm.s32 @p1 $0x1;
	p0 =	seq.s32 s7, s2  }
0x1e: {  	s7 =	smul.u32 @!p0 $0xF7A, s2;
	p2 =	seq.s32 @!p0 s5, $0x0  }
0x1f: {  	s9 =	smul.u32 $0xF7A, s1;
	s8 =	simm.s32 @!p0 $0x1BF5;
	p2 =	por !p2, p0  }
0x20: {  	[sflag:s8] =	ssyncset.s32 @!p0 $0xFFFFF086;
	s6 =	sadd.s32 @!p0 s3, s7;
	s7 =	simm.s32 @!p0 $0x108  }
0x21: {  	s3 =	sadd.s32 s3, s9;
	s6 =	sadd.s32 @!p0 $0x88, s6;
	s7 =	simm.s32 @p2 $0x1082  }
0x22: {  	[simem:s7], [sflag:s8] =	dma.local @!p0 [hbm:s6], $0xF7A  }
0x23: {  	s9 =	sor.u32 $0xD0000000, s2;
	s6 =	simm.s32 $0x108;
	_ =	swait.ge @!p0 [sflag:s8], $0x0  }
0x24: {  	s3 =	sadd.s32 $0x88, s3;
	s6 =	simm.s32 @!p1 $0x1082;
	[sflag:s4] =	ssyncset.s32 $0xFFFFF086  }
0x25: {  	[simem:s6], [sflag:s4] =	dma.local [hbm:s3], $0xF7A  }
0x26: {  	[smem:$0x3F9C] =	sst s1;
	(tag) =	ssettag s2;
	_ =	strace s9  }
0x27: {  	s1 =	sld [smem:$0x3FAC]  }
0x28: {  	s2 =	sld [smem:$0x3FAD]  }
0x29: {  	s4 =	sld [smem:$0x3FAF]  }
0x2a: {  	p0 =	seq.s32 s5, $0x0;
	s5 =	sld [smem:$0x3FB0]  }
0x2b: {  	s6 =	sld [smem:$0x3FB1]  }
0x2c: {  	s7 =	sld [smem:$0x3FB2]  }
0x2d: {  	s3 =	simm.s32 $0x108;
	s8 =	sld [smem:$0x3FB3]  }
0x2e: {  	s3 =	simm.s32 @!p0 $0x1082;
	s9 =	sld [smem:$0x3FB4]  }
0x2f: {  	lr =	sadd.s32 s0, s3;
	s0 =	sld [smem:$0x3FAB]  }
0x30: {  	s3 =	sld [smem:$0x3FAE]  }
0x31: {  	[smem:$0x3FB7] =	sst s10  }
0x32: {  	s10 =	sld [smem:$0x3FB5];
	_ =	sdelay $0x3  }
0x33: {  	p0 =	seq.s32 s10, $0x1;
	s10 =	sld [smem:$0x3FB7];
	_ =	sdelay $0x3  }
0x34: {  	[smem:$0x3FB7] =	sst s10  }
0x35: {  	s10 =	sld [smem:$0x3FB6];
	_ =	sdelay $0x3  }
0x36: {  	p1 =	seq.s32 s10, $0x1;
	s10 =	sld [smem:$0x3FB7];
	_ =	sdelay $0x3  }
0x37: {  	[smem:$0x3FB7] =	sst s10  }
0x38: {  	s10 =	sld [smem:$0x3FB8]  }
0x39: {  	_ = 	snop;
	(pc) =	sbr.ind lr, $3  }
0x3a: {  	_ = 	snop  }
0x3b: {  	_ = 	snop  }
0x3c: {  	p2 =	seq.s32 s10, $0x1;
	s10 =	sld [smem:$0x3FB7]  }
0x3d: {  	_ =	shalt  }
0x3e: {  	_ =	shalt  }
0x3f: {  	_ =	shalt  }
0x40: {  	_ =	shalt  }
0x41: {  	_ =	shalt  }
0x42: {  	_ =	shalt  }
0x43: {  	_ =	shalt  }
0x44: {  	_ =	shalt  }
0x45: {  	_ =	shalt  }
0x46: {  	_ =	shalt  }
0x47: {  	_ =	shalt  }
0x48: {  	_ =	shalt  }
0x49: {  	_ =	shalt  }
0x4a: {  	_ =	shalt  }
0x4b: {  	_ =	shalt  }
0x4c: {  	_ =	shalt  }
0x4d: {  	_ =	shalt  }
0x4e: {  	_ =	shalt  }
0x4f: {  	_ =	shalt  }
0x50: {  	_ =	shalt  }
0x51: {  	_ =	shalt  }
0x52: {  	_ =	shalt  }
0x53: {  	_ =	shalt  }
0x54: {  	_ =	shalt  }
0x55: {  	_ =	shalt  }
0x56: {  	_ =	shalt  }
0x57: {  	_ =	shalt  }
0x58: {  	_ =	shalt  }
0x59: {  	_ =	shalt  }
0x5a: {  	_ =	shalt  }
0x5b: {  	_ =	shalt  }
0x5c: {  	_ =	shalt  }
0x5d: {  	_ =	shalt  }
0x5e: {  	_ =	shalt  }
0x5f: {  	_ =	shalt  }
0x60: {  	_ =	shalt  }
0x61: {  	_ =	shalt  }
0x62: {  	_ =	shalt  }
0x63: {  	_ =	shalt  }
0x64: {  	_ =	shalt  }
0x65: {  	_ =	shalt  }
0x66: {  	_ =	shalt  }
0x67: {  	_ =	shalt  }
0x68: {  	_ =	shalt  }
0x69: {  	_ =	shalt  }
0x6a: {  	_ =	shalt  }
0x6b: {  	_ =	shalt  }
0x6c: {  	_ =	shalt  }
0x6d: {  	_ =	shalt  }
0x6e: {  	_ =	shalt  }
0x6f: {  	_ =	shalt  }
0x70: {  	_ =	shalt  }
0x71: {  	_ =	shalt  }
0x72: {  	_ =	shalt  }
0x73: {  	_ =	shalt  }
0x74: {  	_ =	shalt  }
0x75: {  	_ =	shalt  }
0x76: {  	_ =	shalt  }
0x77: {  	_ =	shalt  }
0x78: {  	_ =	shalt  }
0x79: {  	_ =	shalt  }
0x7a: {  	_ =	shalt  }
0x7b: {  	_ =	shalt  }
0x7c: {  	_ =	shalt  }
0x7d: {  	_ =	shalt  }
0x7e: {  	_ =	shalt  }
0x7f: {  	_ =	shalt  }
0x80: {  	_ =	shalt  }
0x81: {  	_ =	shalt  }
0x82: {  	_ =	shalt  }
0x83: {  	_ =	shalt  }
0x84: {  	_ =	shalt  }
0x85: {  	_ =	shalt  }
0x86: {  	_ =	shalt  }
0x87: {  	_ =	shalt  }
.Lfunc_end0:
.L_simem_size_0:
called_computation_lowered:
.L_overlay_start_0:
0x88: {  	s2 =	sld [smem:$0x3FD9]  }
0x89: {  	s3 =	sld [smem:$0x3FFE];
	_ =	sdelay $0x1  }
0x8a: {  	s1 =	srdreg.scid  }
0x8b: {  	s0 =	sand.u32 $0x1, s1  }
0x8c: {  	s16 =	sshll.u32 s0, $0xA;
	s2 =	sadd.s32 s3, s2  }
0x8d: {  	s2 =	sadd.s32 s2, s16  }
0x8e: {  	[smem:$0x3FC3] =	sst s2  }
0x8f: {  	_ = 	snop  }
0x90: {  	(tm) =	ssettm $0x1  }
0x91: {  	s17 =	sld [smem:$0x3FFB];
	_ =	sdelay $0x3  }
0x92: {  	_ =	strace s17  }
0x93: {  	s2 =	sld [smem:$0x3FFC];
	_ =	sdelay $0x3  }
0x94: {  	_ =	strace s2  }
0x95: {  	s2 =	sld [smem:$0x3FFD];
	_ =	sdelay $0x3  }
0x96: {  	_ =	strace s2  }
0x97: {  	_ =	strace $0x8FFFFFFF  }
0x98: {  	s18 =	sld [smem:$0x3FDB];
	_ =	sdelay $0x1  }
0x99: {  	s19 =	simm.s32 $_scs_section_size  }
0x9a: {  	s4 =	simm.s32 $_size__tile_overlayer_lowered;
	s5 =	simm.s32 $_tile_overlayer_lowered  }
0x9b: {  	s22 =	simm.s32 $0x1BFF;
	s21 =	sshll.u32 s5, $0x1;
	s2 =	sadd.s32 s19, s18  }
0x9c: {  	s6 =	simm.s32 $0x0;
	s20 =	sshll.u32 s4, $0x1;
	s4 =	sadd.s32 s21, s2  }
0x9d: {  	[timem:s6], [sflag:s22] =	dma.local [hbm:s4], s20  }
0x9e: {  	_ =	swait.ge [sflag:s22], s20  }
0x9f: {  	s3 =	ssub.s32 $0x0, s20;
	[sflag:s22] =	ssyncset.done $0x0  }
0xa0: {  	[sflag:s22] =	ssyncadd.s32 s3;
	_ =	sdelay $0x1  }
0xa1: {  	s23 =	simm.s32 $0x1B8B  }
0xa2: {  	_ =	swait.ge [sflag:s23], $0x1  }
0xa3: {  	[sflag:s23] =	ssyncset.done $0x0  }
0xa4: {  	s25 =	simm.s32 $0x1B8E;
	s24 =	sld [smem:$0x3FFE];
	[sflag:s23] =	ssyncadd.s32 $0xFFFFFFFF  }
0xa5: {  	s26 =	simm.s32 $execute0_lowered;
	[smem:$0x3FD2] =	sst s25  }
0xa6: {  	s4 =	sshll.u32 s26, $0x1;
	_ =	strace $0x80000046;
	[dreg:$0x1] =	wrdreg $0xFFFFFFFF  }
0xa7: {  	s28 =	simm.s32 $_size_execute0_lowered;
	s2 =	sadd.s32 s2, s4;
	[dreg:$0x0] =	wrdreg $0x0  }
0xa8: {  	s4 =	sshll.u32 s28, $0x1;
	[dreg:$0x2] =	wrdreg s2  }
0xa9: {  	[dreg:$0x3] =	wrdreg s4  }
0xaa: {  	[dreg:$0x4] =	wrdreg $0xC0  }
0xab: {  	_ =	task [dreg:s6], $0x5FFFF  }
0xac: {  	[dreg:$0x1] =	wrdreg $0xFFFFFFFF  }
0xad: {  	[dreg:$0x0] =	wrdreg $0x60  }
0xae: {  	[dreg:$0x2] =	wrdreg s24  }
0xaf: {  	[dreg:$0x3] =	wrdreg $0x9  }
0xb0: {  	_ =	task.clear_ibuf [dreg:s6], $0x4FFFF;
	_ =	strace $0x90000046  }
0xb1: {  	s29 =	simm.s32 $0x9;
	_ =	strace $0x80000048  }
0xb2: {  	_ =	swait.ge [sflag:s29], $0x1  }
0xb3: {  	[sflag:s29] =	ssyncadd.s32 $0xFFFFFFFF  }
0xb4: {  	_ =	strace $0x90000048  }
0xb5: {  	_ =	sfence  }
0xb6: {  	s30 =	sld [smem:$0x0];
	_ =	sdelay $0x2  }
0xb7: {  	s31 =	sshll.u32 s1, $0xD;
	s1 =	sshrl.u32 s1, $0x2  }
0xb8: {  	s3 =	sand.u32 $0x4000, s31;
	s1 =	sadd.s32 s1, s30  }
0xb9: {  	s0 =	sor.u32 s3, s0;
	s1 =	sshll.u32 s1, $0x11  }
0xba: {  	s0 =	sor.u32 s1, s0  }
0xbb: {  	s0 =	sadd.s32 $0x8F2B, s0  }
0xbc: {  	[sflag:s0] =	ssyncadd.remote.s32 $0x1  }
0xbd: {  	_ =	sfence.sel $0xFFFF  }
0xbe: {  	[dreg:$0x0] =	wrdreg $0xFFFFFFFF;
	(pc) =	sbr.abs _section_cstart, $3  }
0xbf: {  	[dreg:$0x1] =	wrdreg $0xFFFFFFFF  }
0xc0: {  	_ =	task.clear_ibuf [dreg:s6], $0x2FFFF;
	_ =	strace $0x9FFFFFFF  }
0xc1: {  	(tm) =	ssettm $0x7FFFFFFF  }
tec
execute0_lowered:
.L_overlay_start_1:
0x0: {  	(tag) =	ssettag $0x1  }
0x1: {  	s0 =	srdreg.scid;
	s1 =	stileid.u32  }
0x2: {  	s0 =	sand.u32 $0x1, s0;
	s1 =	sshll.u32 s1, $0x1  }
0x3: {  	s3 =	sor.u32 s0, s1  }
0x4: {  	s4 =	smul.u32 $0x1A0, s3  }
0x5: {  	s2 =	simm.s32 $0x0;
	s1 =	rddreg [dreg:$0x0];
	s5 =	smul.u32 $0x1A00, s3  }
0x6: {  	[smem:$0x7FF] =	sst s2;
	s6 =	sadd.s32 $0x3C00, s1  }
0x7: {  	_ =	strace $0x80000047;
	s4 =	sadd.s32 s4, s1;
	s5 =	sadd.s32 s6, s5  }
0x8: {  	s3 =	smul.u32 $0xD000, s3;
	s4 =	sadd.s32 $0x800, s4;
	[smem:$0x7E9] =	sst s5  }
0x9: {  	s7 =	sadd.s32 $0x100, s5;
	[dreg:$0x2] =	wrdreg s4  }
0xa: {  	s3 =	sshrl.u32 s3, $0x3;
	s5 =	simm.s32 $0x100;
	[dreg:$0x3] =	wrdreg s7  }
0xb: {  	s3 =	sadd.s32 s6, s3;
	s6 =	simm.s32 $0x180;
	[dreg:$0x1c] =	wrdreg s5  }
0xc: {  	s8 =	sadd.s32 $0x200, s3;
	[dreg:$0x1d] =	wrdreg s6  }
0xd: {  	s9 =	sadd.s32 $0x300, s3;
	[dreg:$0x4] =	wrdreg s8  }
0xe: {  	s10 =	sadd.s32 $0x400, s3;
	[dreg:$0x5] =	wrdreg s9  }
0xf: {  	s11 =	sadd.s32 $0x500, s3;
	[dreg:$0x6] =	wrdreg s10  }
0x10: {  	s12 =	sadd.s32 $0x600, s3;
	[dreg:$0x7] =	wrdreg s11  }
0x11: {  	s13 =	sadd.s32 $0x700, s3;
	[dreg:$0x8] =	wrdreg s12  }
0x12: {  	s14 =	sadd.s32 $0x800, s3;
	[dreg:$0x9] =	wrdreg s13  }
0x13: {  	s15 =	sadd.s32 $0x900, s3;
	[dreg:$0xa] =	wrdreg s14  }
0x14: {  	s16 =	sadd.s32 $0xA00, s3;
	[dreg:$0xb] =	wrdreg s15  }
0x15: {  	s17 =	sadd.s32 $0xB00, s3;
	[dreg:$0xc] =	wrdreg s16  }
0x16: {  	s18 =	sadd.s32 $0xC00, s3;
	[dreg:$0xd] =	wrdreg s17  }
0x17: {  	s19 =	sadd.s32 $0xD00, s3;
	[dreg:$0xe] =	wrdreg s18  }
0x18: {  	s20 =	sadd.s32 $0xE00, s3;
	[dreg:$0xf] =	wrdreg s19  }
0x19: {  	s21 =	sadd.s32 $0xF00, s3;
	[dreg:$0x10] =	wrdreg s20  }
0x1a: {  	s22 =	sadd.s32 $0x1000, s3;
	[dreg:$0x11] =	wrdreg s21  }
0x1b: {  	s23 =	sadd.s32 $0x1100, s3;
	[dreg:$0x12] =	wrdreg s22  }
0x1c: {  	s24 =	sadd.s32 $0x1200, s3;
	[dreg:$0x13] =	wrdreg s23  }
0x1d: {  	s25 =	sadd.s32 $0x1300, s3;
	[dreg:$0x14] =	wrdreg s24  }
0x1e: {  	s26 =	sadd.s32 $0x1400, s3;
	[dreg:$0x15] =	wrdreg s25  }
0x1f: {  	s28 =	sadd.s32 $0x1500, s3;
	[dreg:$0x16] =	wrdreg s26  }
0x20: {  	s29 =	sadd.s32 $0x1600, s3;
	[dreg:$0x17] =	wrdreg s28  }
0x21: {  	s30 =	sadd.s32 $0x1700, s3;
	[dreg:$0x18] =	wrdreg s29  }
0x22: {  	s31 =	sadd.s32 $0x1800, s3;
	[dreg:$0x19] =	wrdreg s30  }
0x23: {  	s3 =	sadd.s32 $0x1900, s3;
	[dreg:$0x1a] =	wrdreg s31  }
0x24: {  	s7 =	simm.s32 $0x200;
	[dreg:$0x1b] =	wrdreg s3  }
0x25: {  	[dreg:$0x1e] =	wrdreg s7;
	s8 =	simm.s32 $0x280  }
0x26: {  	s10 =	simm.s32 $0x300;
	[dreg:$0x1f] =	wrdreg s8  }
0x27: {  	s11 =	simm.s32 $0x380;
	[smem:$0x7EA] =	sst s10  }
0x28: {  	s12 =	simm.s32 $0x400;
	[smem:$0x7EB] =	sst s11  }
0x29: {  	s13 =	simm.s32 $0x480;
	[smem:$0x7EC] =	sst s12  }
0x2a: {  	s14 =	simm.s32 $0x500;
	[smem:$0x7ED] =	sst s13  }
0x2b: {  	s15 =	simm.s32 $0x580;
	[smem:$0x7EE] =	sst s14  }
0x2c: {  	s16 =	simm.s32 $0x600;
	[smem:$0x7EF] =	sst s15  }
0x2d: {  	s17 =	simm.s32 $0x680;
	[smem:$0x7F0] =	sst s16  }
0x2e: {  	s18 =	simm.s32 $0x700;
	[smem:$0x7F1] =	sst s17  }
0x2f: {  	s19 =	simm.s32 $0x780;
	[smem:$0x7F2] =	sst s18  }
0x30: {  	s20 =	simm.s32 $0x800;
	[smem:$0x7F3] =	sst s19  }
0x31: {  	p0 =	por $0x0, $0x0;
	s21 =	simm.s32 $0x880;
	[smem:$0x7F4] =	sst s20  }
0x32: {  	s0 =	ssub.s32 $0x2, s0;
	s22 =	simm.s32 $0x900;
	[smem:$0x7F5] =	sst s21  }
0x33: {  	s5 =	simm.s32 $0x3;
	s24 =	simm.s32 $0x980;
	[smem:$0x7F6] =	sst s22  }
0x34: {  	s9 =	sshrl.u32 s0, $0x1;
	s25 =	simm.s32 $0xA00;
	[smem:$0x7F7] =	sst s24  }
0x35: {  	s26 =	simm.s32 $0xA80;
	s0 =	ssub.s32 s0, s9;
	[smem:$0x7F8] =	sst s25  }
0x36: {  	s28 =	simm.s32 $0xB00;
	[smem:$0x7F9] =	sst s26;
	s3 =	smax.u32 s0, $0x1  }
0x37: {  	s29 =	simm.s32 $0xB80;
	[smem:$0x7FA] =	sst s28;
	p1 =	sne.s32 s3, $0x1  }
.Ltmp0:
0x38: {  	s30 =	simm.s32 $0xC00;
	[smem:$0x7FB] =	sst s29;
	(pc) =	sbr.rel @!p1 .LBB2_1-.Ltmp0, $4  }
0x39: {  	s4 =	simm.s32 $0x80;
	s31 =	simm.s32 $0xC80;
	[smem:$0x7FC] =	sst s30  }
0x3a: {  	s6 =	simm.s32 $0x1;
	s23 =	sadd.s32 $0xF42E00, s1;
	[smem:$0x7FD] =	sst s31  }
0x3b: {  	s7 =	simm.s32 $0xD00;
	s9 =	simm.s32 $0x1D00;
	s8 =	rddreg [dreg:$0x2]  }
0x3c: {  	s0 =	simm.s32 $0x1500;
	s1 =	sadd.s32 $0xFFFFFFFF, s3;
	s3 =	simm.s32 $0x2  }
0x3d: {  	[tilespmem:s2], [sflag:$0x3] =	stream.linear.gather [hbm4b:s8+s2], $0xD00, $0x38;
	[tilespmem:$0xDD00] =	vst v63  }
0x3e: {  	_ =	swait.ge [sflag:s5], $0xD00  }
0x3f: {  	[sflag:s5] =	ssyncset.done $0x0  }
0x40: {  	[sflag:s5] =	ssyncadd.s32 $0xFFFFF300  }
0x41: {  	[tilespmem:s7], [sflag:$0x1] =	stream.indirect.gather [hbm4b:s23+s4], $0x10, s2, s4, $0xb8;
	[tilespmem:$0xDD00] =	vst v63  }
0x42: {  	s14 =	rddreg [dreg:$0x1c]  }
0x43: {  	[tilespmem:s0], [sflag:$0x1] =	stream.indirect.gather [hbm4b:s23+s4], $0x10, s4, s4, $0xb8;
	[tilespmem:$0xDD00] =	vst v63  }
0x44: {  	s15 =	rddreg [dreg:$0x1d]  }
0x45: {  	[tilespmem:s9], [sflag:$0x1] =	stream.indirect.gather [hbm4b:s23+s4], $0x10, s14, s4, $0xb8;
	[tilespmem:$0xDD00] =	vst v63  }
0x46: {  	s10 =	simm.s32 $0x2500;
	s16 =	rddreg [dreg:$0x1e]  }
0x47: {  	[tilespmem:s10], [sflag:$0x1] =	stream.indirect.gather [hbm4b:s23+s4], $0x10, s15, s4, $0xb8;
	[tilespmem:$0xDD00] =	vst v63  }
0x48: {  	s31 =	simm.s32 $0x2D00;
	s17 =	rddreg [dreg:$0x1f]  }
0x49: {  	[tilespmem:s31], [sflag:$0x1] =	stream.indirect.gather [hbm4b:s23+s4], $0x10, s16, s4, $0xb8;
	[tilespmem:$0xDD00] =	vst v63  }
0x4a: {  	s30 =	simm.s32 $0x3500;
	s18 =	sld [smem:$0x7EA]  }
0x4b: {  	[tilespmem:s30], [sflag:$0x1] =	stream.indirect.gather [hbm4b:s23+s4], $0x10, s17, s4, $0xb8;
	[tilespmem:$0xDD00] =	vst v63  }
0x4c: {  	s29 =	simm.s32 $0x3D00;
	s19 =	sld [smem:$0x7EB]  }
0x4d: {  	[tilespmem:s29], [sflag:$0x1] =	stream.indirect.gather [hbm4b:s23+s4], $0x10, s18, s4, $0xb8;
	[tilespmem:$0xDD00] =	vst v63  }
0x4e: {  	s28 =	simm.s32 $0x4500;
	s20 =	sld [smem:$0x7EC]  }
0x4f: {  	[tilespmem:s28], [sflag:$0x1] =	stream.indirect.gather [hbm4b:s23+s4], $0x10, s19, s4, $0xb8;
	[tilespmem:$0xDD00] =	vst v63  }
0x50: {  	s26 =	simm.s32 $0x4D00;
	s21 =	sld [smem:$0x7ED]  }
0x51: {  	[tilespmem:s26], [sflag:$0x1] =	stream.indirect.gather [hbm4b:s23+s4], $0x10, s20, s4, $0xb8;
	[tilespmem:$0xDD00] =	vst v63  }
0x52: {  	s25 =	simm.s32 $0x5500;
	s22 =	sld [smem:$0x7EE]  }
0x53: {  	[tilespmem:s25], [sflag:$0x1] =	stream.indirect.gather [hbm4b:s23+s4], $0x10, s21, s4, $0xb8;
	[tilespmem:$0xDD00] =	vst v63  }
0x54: {  	s24 =	simm.s32 $0x5D00;
	s11 =	sld [smem:$0x7EF]  }
0x55: {  	[tilespmem:s24], [sflag:$0x1] =	stream.indirect.gather [hbm4b:s23+s4], $0x10, s22, s4, $0xb8;
	[tilespmem:$0xDD00] =	vst v63  }
0x56: {  	s12 =	sld [smem:$0x7F0];
	s22 =	simm.s32 $0x6500  }
0x57: {  	[tilespmem:s22], [sflag:$0x1] =	stream.indirect.gather [hbm4b:s23+s4], $0x10, s11, s4, $0xb8;
	[tilespmem:$0xDD00] =	vst v63  }
0x58: {  	s13 =	sld [smem:$0x7F1];
	s20 =	simm.s32 $0x6D00  }
0x59: {  	[tilespmem:s20], [sflag:$0x1] =	stream.indirect.gather [hbm4b:s23+s4], $0x10, s12, s4, $0xb8;
	[tilespmem:$0xDD00] =	vst v63  }
0x5a: {  	s14 =	sld [smem:$0x7F2];
	s21 =	simm.s32 $0x7500  }
0x5b: {  	[tilespmem:s21], [sflag:$0x1] =	stream.indirect.gather [hbm4b:s23+s4], $0x10, s13, s4, $0xb8;
	[tilespmem:$0xDD00] =	vst v63  }
0x5c: {  	s15 =	sld [smem:$0x7F3];
	s19 =	simm.s32 $0x7D00  }
0x5d: {  	[tilespmem:s19], [sflag:$0x1] =	stream.indirect.gather [hbm4b:s23+s4], $0x10, s14, s4, $0xb8;
	[tilespmem:$0xDD00] =	vst v63  }
0x5e: {  	s16 =	sld [smem:$0x7F4];
	s12 =	simm.s32 $0x8500  }
0x5f: {  	[tilespmem:s12], [sflag:$0x1] =	stream.indirect.gather [hbm4b:s23+s4], $0x10, s15, s4, $0xb8;
	[tilespmem:$0xDD00] =	vst v63  }
0x60: {  	s17 =	sld [smem:$0x7F5];
	s13 =	simm.s32 $0x8D00  }
0x61: {  	[tilespmem:s13], [sflag:$0x1] =	stream.indirect.gather [hbm4b:s23+s4], $0x10, s16, s4, $0xb8;
	[tilespmem:$0xDD00] =	vst v63  }
0x62: {  	s18 =	sld [smem:$0x7F6];
	s14 =	simm.s32 $0x9500  }
0x63: {  	[tilespmem:s14], [sflag:$0x1] =	stream.indirect.gather [hbm4b:s23+s4], $0x10, s17, s4, $0xb8;
	[tilespmem:$0xDD00] =	vst v63  }
0x64: {  	s11 =	simm.s32 $0x9D00;
	s15 =	sld [smem:$0x7F7]  }
0x65: {  	[tilespmem:s11], [sflag:$0x1] =	stream.indirect.gather [hbm4b:s23+s4], $0x10, s18, s4, $0xb8;
	[tilespmem:$0xDD00] =	vst v63  }
0x66: {  	s16 =	sld [smem:$0x7F8];
	s18 =	simm.s32 $0xA500  }
0x67: {  	[tilespmem:s18], [sflag:$0x1] =	stream.indirect.gather [hbm4b:s23+s4], $0x10, s15, s4, $0xb8;
	[tilespmem:$0xDD00] =	vst v63  }
0x68: {  	s17 =	simm.s32 $0xAD00;
	s15 =	sld [smem:$0x7F9]  }
0x69: {  	[tilespmem:s17], [sflag:$0x1] =	stream.indirect.gather [hbm4b:s23+s4], $0x10, s16, s4, $0xb8;
	[tilespmem:$0xDD00] =	vst v63  }
0x6a: {  	s8 =	sld [smem:$0x7FA];
	s16 =	simm.s32 $0xB500  }
0x6b: {  	[tilespmem:s16], [sflag:$0x1] =	stream.indirect.gather [hbm4b:s23+s4], $0x10, s15, s4, $0xb8;
	[tilespmem:$0xDD00] =	vst v63  }
0x6c: {  	s7 =	sld [smem:$0x7FB];
	s15 =	simm.s32 $0xBD00  }
0x6d: {  	[tilespmem:s15], [sflag:$0x1] =	stream.indirect.gather [hbm4b:s23+s4], $0x10, s8, s4, $0xb8;
	[tilespmem:$0xDD00] =	vst v63  }
0x6e: {  	s8 =	sld [smem:$0x7FC];
	s15 =	simm.s32 $0xC500  }
0x6f: {  	[tilespmem:s15], [sflag:$0x1] =	stream.indirect.gather [hbm4b:s23+s4], $0x10, s7, s4, $0xb8;
	[tilespmem:$0xDD00] =	vst v63  }
0x70: {  	s7 =	sld [smem:$0x7FD];
	s15 =	simm.s32 $0xCD00  }
0x71: {  	[tilespmem:s15], [sflag:$0x1] =	stream.indirect.gather [hbm4b:s23+s4], $0x10, s8, s4, $0xb8;
	[tilespmem:$0xDD00] =	vst v63  }
0x72: {  	s8 =	simm.s32 $0xD500  }
0x73: {  	[tilespmem:s8], [sflag:$0x1] =	stream.indirect.gather [hbm4b:s23+s4], $0x10, s7, s4, $0xb8;
	[tilespmem:$0xDD00] =	vst v63  }
0x74: {  	_ =	swait.ge [sflag:s6], $0x800  }
0x75: {  	s7 =	sld [smem:$0x7E9]  }
0x76: {  	[sflag:s6] =	ssyncset.done $0x0  }
0x77: {  	s5 =	smov.u32 s1;
	s1 =	simm.s32 $0xD00;
	[sflag:s6] =	ssyncadd.s32 $0xFFFFF800  }
0x78: {  	[hbm4b:s7+s2] =	stream.linear.scatter [tilespmem:s1], [sflag:$0x2], $0x800, $0x38;
	[tilespmem:$0xDD00] =	vst v63  }
0x79: {  	_ =	swait.ge [sflag:s6], $0x800  }
0x7a: {  	[sflag:s6] =	ssyncset.done $0x0  }
0x7b: {  	s1 =	rddreg [dreg:$0x3];
	[sflag:s6] =	ssyncadd.s32 $0xFFFFF800  }
0x7c: {  	[hbm4b:s1+s2] =	stream.linear.scatter [tilespmem:s0], [sflag:$0x2], $0x800, $0x38;
	[tilespmem:$0xDD00] =	vst v63  }
0x7d: {  	_ =	swait.ge [sflag:s6], $0x800  }
0x7e: {  	[sflag:s6] =	ssyncset.done $0x0  }
0x7f: {  	s1 =	rddreg [dreg:$0x4];
	[sflag:s6] =	ssyncadd.s32 $0xFFFFF800  }
0x80: {  	[hbm4b:s1+s2] =	stream.linear.scatter [tilespmem:s9], [sflag:$0x2], $0x800, $0x38;
	[tilespmem:$0xDD00] =	vst v63  }
0x81: {  	_ =	swait.ge [sflag:s6], $0x800  }
0x82: {  	[sflag:s6] =	ssyncset.done $0x0  }
0x83: {  	s1 =	rddreg [dreg:$0x5];
	[sflag:s6] =	ssyncadd.s32 $0xFFFFF800  }
0x84: {  	[hbm4b:s1+s2] =	stream.linear.scatter [tilespmem:s10], [sflag:$0x2], $0x800, $0x38;
	[tilespmem:$0xDD00] =	vst v63  }
0x85: {  	_ =	swait.ge [sflag:s6], $0x800  }
0x86: {  	[sflag:s6] =	ssyncset.done $0x0  }
0x87: {  	s1 =	rddreg [dreg:$0x6];
	[sflag:s6] =	ssyncadd.s32 $0xFFFFF800  }
0x88: {  	[hbm4b:s1+s2] =	stream.linear.scatter [tilespmem:s31], [sflag:$0x2], $0x800, $0x38;
	[tilespmem:$0xDD00] =	vst v63  }
0x89: {  	_ =	swait.ge [sflag:s6], $0x800  }
0x8a: {  	[sflag:s6] =	ssyncset.done $0x0  }
0x8b: {  	s10 =	rddreg [dreg:$0x7];
	[sflag:s6] =	ssyncadd.s32 $0xFFFFF800  }
0x8c: {  	[hbm4b:s10+s2] =	stream.linear.scatter [tilespmem:s30], [sflag:$0x2], $0x800, $0x38;
	[tilespmem:$0xDD00] =	vst v63  }
0x8d: {  	_ =	swait.ge [sflag:s6], $0x800  }
0x8e: {  	[sflag:s6] =	ssyncset.done $0x0  }
0x8f: {  	s31 =	rddreg [dreg:$0x8];
	[sflag:s6] =	ssyncadd.s32 $0xFFFFF800  }
0x90: {  	[hbm4b:s31+s2] =	stream.linear.scatter [tilespmem:s29], [sflag:$0x2], $0x800, $0x38;
	[tilespmem:$0xDD00] =	vst v63  }
0x91: {  	_ =	swait.ge [sflag:s6], $0x800  }
0x92: {  	[sflag:s6] =	ssyncset.done $0x0  }
0x93: {  	s1 =	rddreg [dreg:$0x9];
	[sflag:s6] =	ssyncadd.s32 $0xFFFFF800  }
0x94: {  	[hbm4b:s1+s2] =	stream.linear.scatter [tilespmem:s28], [sflag:$0x2], $0x800, $0x38;
	[tilespmem:$0xDD00] =	vst v63  }
0x95: {  	_ =	swait.ge [sflag:s6], $0x800  }
0x96: {  	[sflag:s6] =	ssyncset.done $0x0  }
0x97: {  	s10 =	rddreg [dreg:$0xa];
	[sflag:s6] =	ssyncadd.s32 $0xFFFFF800  }
0x98: {  	[hbm4b:s10+s2] =	stream.linear.scatter [tilespmem:s26], [sflag:$0x2], $0x800, $0x38;
	[tilespmem:$0xDD00] =	vst v63  }
0x99: {  	_ =	swait.ge [sflag:s6], $0x800  }
0x9a: {  	[sflag:s6] =	ssyncset.done $0x0  }
0x9b: {  	s26 =	rddreg [dreg:$0xb];
	[sflag:s6] =	ssyncadd.s32 $0xFFFFF800  }
0x9c: {  	[hbm4b:s26+s2] =	stream.linear.scatter [tilespmem:s25], [sflag:$0x2], $0x800, $0x38;
	[tilespmem:$0xDD00] =	vst v63  }
0x9d: {  	_ =	swait.ge [sflag:s6], $0x800  }
0x9e: {  	[sflag:s6] =	ssyncset.done $0x0  }
0x9f: {  	s28 =	rddreg [dreg:$0xc];
	[sflag:s6] =	ssyncadd.s32 $0xFFFFF800  }
0xa0: {  	[hbm4b:s28+s2] =	stream.linear.scatter [tilespmem:s24], [sflag:$0x2], $0x800, $0x38;
	[tilespmem:$0xDD00] =	vst v63  }
0xa1: {  	_ =	swait.ge [sflag:s6], $0x800  }
0xa2: {  	[sflag:s6] =	ssyncset.done $0x0  }
0xa3: {  	s29 =	rddreg [dreg:$0xd];
	[sflag:s6] =	ssyncadd.s32 $0xFFFFF800  }
0xa4: {  	[hbm4b:s29+s2] =	stream.linear.scatter [tilespmem:s22], [sflag:$0x2], $0x800, $0x38;
	[tilespmem:$0xDD00] =	vst v63  }
0xa5: {  	_ =	swait.ge [sflag:s6], $0x800  }
0xa6: {  	[sflag:s6] =	ssyncset.done $0x0  }
0xa7: {  	s30 =	rddreg [dreg:$0xe];
	[sflag:s6] =	ssyncadd.s32 $0xFFFFF800  }
0xa8: {  	[hbm4b:s30+s2] =	stream.linear.scatter [tilespmem:s20], [sflag:$0x2], $0x800, $0x38;
	[tilespmem:$0xDD00] =	vst v63  }
0xa9: {  	_ =	swait.ge [sflag:s6], $0x800  }
0xaa: {  	[sflag:s6] =	ssyncset.done $0x0  }
0xab: {  	s31 =	rddreg [dreg:$0xf];
	[sflag:s6] =	ssyncadd.s32 $0xFFFFF800  }
0xac: {  	[hbm4b:s31+s2] =	stream.linear.scatter [tilespmem:s21], [sflag:$0x2], $0x800, $0x38;
	[tilespmem:$0xDD00] =	vst v63  }
0xad: {  	_ =	swait.ge [sflag:s6], $0x800  }
0xae: {  	[sflag:s6] =	ssyncset.done $0x0  }
0xaf: {  	s1 =	rddreg [dreg:$0x10];
	[sflag:s6] =	ssyncadd.s32 $0xFFFFF800  }
0xb0: {  	[hbm4b:s1+s2] =	stream.linear.scatter [tilespmem:s19], [sflag:$0x2], $0x800, $0x38;
	[tilespmem:$0xDD00] =	vst v63  }
0xb1: {  	_ =	swait.ge [sflag:s6], $0x800  }
0xb2: {  	[sflag:s6] =	ssyncset.done $0x0  }
0xb3: {  	s10 =	rddreg [dreg:$0x11];
	[sflag:s6] =	ssyncadd.s32 $0xFFFFF800  }
0xb4: {  	[hbm4b:s10+s2] =	stream.linear.scatter [tilespmem:s12], [sflag:$0x2], $0x800, $0x38;
	[tilespmem:$0xDD00] =	vst v63  }
0xb5: {  	_ =	swait.ge [sflag:s6], $0x800  }
0xb6: {  	[sflag:s6] =	ssyncset.done $0x0  }
0xb7: {  	s12 =	rddreg [dreg:$0x12];
	[sflag:s6] =	ssyncadd.s32 $0xFFFFF800  }
0xb8: {  	[hbm4b:s12+s2] =	stream.linear.scatter [tilespmem:s13], [sflag:$0x2], $0x800, $0x38;
	[tilespmem:$0xDD00] =	vst v63  }
0xb9: {  	_ =	swait.ge [sflag:s6], $0x800  }
0xba: {  	[sflag:s6] =	ssyncset.done $0x0  }
0xbb: {  	s19 =	rddreg [dreg:$0x13];
	[sflag:s6] =	ssyncadd.s32 $0xFFFFF800  }
0xbc: {  	[hbm4b:s19+s2] =	stream.linear.scatter [tilespmem:s14], [sflag:$0x2], $0x800, $0x38;
	[tilespmem:$0xDD00] =	vst v63  }
0xbd: {  	_ =	swait.ge [sflag:s6], $0x800  }
0xbe: {  	[sflag:s6] =	ssyncset.done $0x0  }
0xbf: {  	s20 =	rddreg [dreg:$0x14];
	[sflag:s6] =	ssyncadd.s32 $0xFFFFF800  }
0xc0: {  	[hbm4b:s20+s2] =	stream.linear.scatter [tilespmem:s11], [sflag:$0x2], $0x800, $0x38;
	[tilespmem:$0xDD00] =	vst v63  }
0xc1: {  	_ =	swait.ge [sflag:s6], $0x800  }
0xc2: {  	[sflag:s6] =	ssyncset.done $0x0  }
0xc3: {  	s21 =	rddreg [dreg:$0x15];
	[sflag:s6] =	ssyncadd.s32 $0xFFFFF800  }
0xc4: {  	[hbm4b:s21+s2] =	stream.linear.scatter [tilespmem:s18], [sflag:$0x2], $0x800, $0x38;
	[tilespmem:$0xDD00] =	vst v63  }
0xc5: {  	_ =	swait.ge [sflag:s6], $0x800  }
0xc6: {  	[sflag:s6] =	ssyncset.done $0x0  }
0xc7: {  	s22 =	rddreg [dreg:$0x16];
	[sflag:s6] =	ssyncadd.s32 $0xFFFFF800  }
0xc8: {  	[hbm4b:s22+s2] =	stream.linear.scatter [tilespmem:s17], [sflag:$0x2], $0x800, $0x38;
	[tilespmem:$0xDD00] =	vst v63  }
0xc9: {  	_ =	swait.ge [sflag:s6], $0x800  }
0xca: {  	[sflag:s6] =	ssyncset.done $0x0  }
0xcb: {  	s24 =	rddreg [dreg:$0x17];
	[sflag:s6] =	ssyncadd.s32 $0xFFFFF800  }
0xcc: {  	[hbm4b:s24+s2] =	stream.linear.scatter [tilespmem:s16], [sflag:$0x2], $0x800, $0x38;
	[tilespmem:$0xDD00] =	vst v63  }
0xcd: {  	_ =	swait.ge [sflag:s6], $0x800  }
0xce: {  	[sflag:s6] =	ssyncset.done $0x0  }
0xcf: {  	s26 =	simm.s32 $0xBD00;
	s25 =	rddreg [dreg:$0x18];
	[sflag:s6] =	ssyncadd.s32 $0xFFFFF800  }
0xd0: {  	[hbm4b:s25+s2] =	stream.linear.scatter [tilespmem:s26], [sflag:$0x2], $0x800, $0x38;
	[tilespmem:$0xDD00] =	vst v63  }
0xd1: {  	_ =	swait.ge [sflag:s6], $0x800  }
0xd2: {  	[sflag:s6] =	ssyncset.done $0x0  }
0xd3: {  	s29 =	simm.s32 $0xC500;
	s28 =	rddreg [dreg:$0x19];
	[sflag:s6] =	ssyncadd.s32 $0xFFFFF800  }
0xd4: {  	[hbm4b:s28+s2] =	stream.linear.scatter [tilespmem:s29], [sflag:$0x2], $0x800, $0x38;
	[tilespmem:$0xDD00] =	vst v63  }
0xd5: {  	_ =	swait.ge [sflag:s6], $0x800  }
0xd6: {  	[sflag:s6] =	ssyncset.done $0x0  }
0xd7: {  	s15 =	simm.s32 $0xCD00;
	s30 =	rddreg [dreg:$0x1a];
	[sflag:s6] =	ssyncadd.s32 $0xFFFFF800  }
0xd8: {  	[hbm4b:s30+s2] =	stream.linear.scatter [tilespmem:s15], [sflag:$0x2], $0x800, $0x38;
	[tilespmem:$0xDD00] =	vst v63  }
0xd9: {  	_ =	swait.ge [sflag:s6], $0x800  }
0xda: {  	[sflag:s6] =	ssyncset.done $0x0  }
0xdb: {  	s31 =	rddreg [dreg:$0x1b];
	[sflag:s6] =	ssyncadd.s32 $0xFFFFF800  }
0xdc: {  	[hbm4b:s31+s2] =	stream.linear.scatter [tilespmem:s8], [sflag:$0x2], $0x800, $0x38;
	[tilespmem:$0xDD00] =	vst v63  }
0xdd: {  	_ =	swait.ge [sflag:s3], $0x800  }
0xde: {  	[sflag:s3] =	ssyncset.done $0x0  }
0xdf: {  	[sflag:s3] =	ssyncadd.s32 $0xFFFFF800  }
0xe0: {  	_ =	swait.ge [sflag:s3], $0x800  }
0xe1: {  	[sflag:s3] =	ssyncset.done $0x0  }
0xe2: {  	[sflag:s3] =	ssyncadd.s32 $0xFFFFF800  }
0xe3: {  	_ =	swait.ge [sflag:s3], $0x800  }
0xe4: {  	[sflag:s3] =	ssyncset.done $0x0  }
0xe5: {  	[sflag:s3] =	ssyncadd.s32 $0xFFFFF800  }
0xe6: {  	_ =	swait.ge [sflag:s3], $0x800  }
0xe7: {  	[sflag:s3] =	ssyncset.done $0x0  }
0xe8: {  	[sflag:s3] =	ssyncadd.s32 $0xFFFFF800  }
0xe9: {  	_ =	swait.ge [sflag:s3], $0x800  }
0xea: {  	[sflag:s3] =	ssyncset.done $0x0  }
0xeb: {  	[sflag:s3] =	ssyncadd.s32 $0xFFFFF800  }
0xec: {  	_ =	swait.ge [sflag:s3], $0x800  }
0xed: {  	[sflag:s3] =	ssyncset.done $0x0  }
0xee: {  	[sflag:s3] =	ssyncadd.s32 $0xFFFFF800  }
0xef: {  	_ =	swait.ge [sflag:s3], $0x800  }
0xf0: {  	[sflag:s3] =	ssyncset.done $0x0  }
0xf1: {  	[sflag:s3] =	ssyncadd.s32 $0xFFFFF800  }
0xf2: {  	_ =	swait.ge [sflag:s3], $0x800  }
0xf3: {  	[sflag:s3] =	ssyncset.done $0x0  }
0xf4: {  	[sflag:s3] =	ssyncadd.s32 $0xFFFFF800  }
0xf5: {  	_ =	swait.ge [sflag:s3], $0x800  }
0xf6: {  	[sflag:s3] =	ssyncset.done $0x0  }
0xf7: {  	[sflag:s3] =	ssyncadd.s32 $0xFFFFF800  }
0xf8: {  	_ =	swait.ge [sflag:s3], $0x800  }
0xf9: {  	[sflag:s3] =	ssyncset.done $0x0  }
0xfa: {  	[sflag:s3] =	ssyncadd.s32 $0xFFFFF800  }
0xfb: {  	_ =	swait.ge [sflag:s3], $0x800  }
0xfc: {  	[sflag:s3] =	ssyncset.done $0x0  }
0xfd: {  	[sflag:s3] =	ssyncadd.s32 $0xFFFFF800  }
0xfe: {  	_ =	swait.ge [sflag:s3], $0x800  }
0xff: {  	[sflag:s3] =	ssyncset.done $0x0  }
0x100: {  	[sflag:s3] =	ssyncadd.s32 $0xFFFFF800  }
0x101: {  	_ =	swait.ge [sflag:s3], $0x800  }
0x102: {  	[sflag:s3] =	ssyncset.done $0x0  }
0x103: {  	[sflag:s3] =	ssyncadd.s32 $0xFFFFF800  }
0x104: {  	_ =	swait.ge [sflag:s3], $0x800  }
0x105: {  	[sflag:s3] =	ssyncset.done $0x0  }
0x106: {  	[sflag:s3] =	ssyncadd.s32 $0xFFFFF800  }
0x107: {  	_ =	swait.ge [sflag:s3], $0x800  }
0x108: {  	[sflag:s3] =	ssyncset.done $0x0  }
0x109: {  	[sflag:s3] =	ssyncadd.s32 $0xFFFFF800  }
0x10a: {  	_ =	swait.ge [sflag:s3], $0x800  }
0x10b: {  	[sflag:s3] =	ssyncset.done $0x0  }
0x10c: {  	[sflag:s3] =	ssyncadd.s32 $0xFFFFF800  }
0x10d: {  	_ =	swait.ge [sflag:s3], $0x800  }
0x10e: {  	[sflag:s3] =	ssyncset.done $0x0  }
0x10f: {  	[sflag:s3] =	ssyncadd.s32 $0xFFFFF800  }
0x110: {  	_ =	swait.ge [sflag:s3], $0x800  }
0x111: {  	[sflag:s3] =	ssyncset.done $0x0  }
0x112: {  	[sflag:s3] =	ssyncadd.s32 $0xFFFFF800  }
0x113: {  	_ =	swait.ge [sflag:s3], $0x800  }
0x114: {  	[sflag:s3] =	ssyncset.done $0x0  }
0x115: {  	[sflag:s3] =	ssyncadd.s32 $0xFFFFF800  }
0x116: {  	_ =	swait.ge [sflag:s3], $0x800  }
0x117: {  	[sflag:s3] =	ssyncset.done $0x0  }
0x118: {  	[sflag:s3] =	ssyncadd.s32 $0xFFFFF800  }
0x119: {  	_ =	swait.ge [sflag:s3], $0x800  }
0x11a: {  	[sflag:s3] =	ssyncset.done $0x0  }
0x11b: {  	[sflag:s3] =	ssyncadd.s32 $0xFFFFF800  }
0x11c: {  	_ =	swait.ge [sflag:s3], $0x800  }
0x11d: {  	[sflag:s3] =	ssyncset.done $0x0  }
0x11e: {  	[sflag:s3] =	ssyncadd.s32 $0xFFFFF800  }
0x11f: {  	_ =	swait.ge [sflag:s3], $0x800  }
0x120: {  	[sflag:s3] =	ssyncset.done $0x0  }
0x121: {  	[sflag:s3] =	ssyncadd.s32 $0xFFFFF800  }
0x122: {  	_ =	swait.ge [sflag:s3], $0x800  }
0x123: {  	[sflag:s3] =	ssyncset.done $0x0  }
0x124: {  	p1 =	sne.s32 s5, $0x1;
	[sflag:s3] =	ssyncadd.s32 $0xFFFFF800  }
.Ltmp1:
0x125: {  	_ =	swait.ge [sflag:s3], $0x800;
	(pc) =	sbr.rel @!p1 .LBB2_7-.Ltmp1, $4  }
0x126: {  	[sflag:s3] =	ssyncset.done $0x0  }
0x127: {  	[sflag:s3] =	ssyncadd.s32 $0xFFFFF800  }
0x128: {  	p0 =	por $0x1, $0x1;
	_ =	swait.ge [sflag:s3], $0x800  }
0x129: {  	s7 =	sadd.s32 $0xFFFFFFFF, s5;
	s8 =	rddreg [dreg:$0x2];
	[sflag:s3] =	ssyncset.done $0x0  }
0x12a: {  	s10 =	simm.s32 $0x2500;
	s31 =	simm.s32 $0x2D00  }
0x12b: {  	s30 =	simm.s32 $0x3500;
	s29 =	simm.s32 $0x3D00;
	s28 =	simm.s32 $0x4500  }
0x12c: {  	s26 =	simm.s32 $0x4D00;
	s25 =	simm.s32 $0x5500;
	s24 =	simm.s32 $0x5D00  }
0x12d: {  	s22 =	simm.s32 $0x6500;
	s20 =	simm.s32 $0x6D00;
	s21 =	simm.s32 $0x7500  }
0x12e: {  	s19 =	simm.s32 $0x7D00;
	s12 =	simm.s32 $0x8500;
	s13 =	simm.s32 $0x8D00  }
0x12f: {  	s14 =	simm.s32 $0x9500;
	s11 =	simm.s32 $0x9D00;
	s18 =	simm.s32 $0xA500  }
0x130: {  	s17 =	simm.s32 $0xAD00;
	s16 =	simm.s32 $0xB500;
	s15 =	simm.s32 $0xBD00  }
.LBB2_4:
0x131: {  	[sflag:s3] =	ssyncadd.s32 $0xFFFFF800;
	s1 =	simm.s32 $0x3  }
0x132: {  	[tilespmem:s2], [sflag:$0x3] =	stream.linear.gather [hbm4b:s8+s2], $0xD00, $0x38;
	[tilespmem:$0xDD00] =	vst v63  }
0x133: {  	_ =	swait.ge [sflag:s1], $0xD00  }
0x134: {  	[sflag:s1] =	ssyncset.done $0x0  }
0x135: {  	[sflag:s1] =	ssyncadd.s32 $0xFFFFF300;
	s1 =	simm.s32 $0xD00  }
0x136: {  	[tilespmem:s1], [sflag:$0x1] =	stream.indirect.gather [hbm4b:s23+s4], $0x10, s2, s4, $0xb8;
	[tilespmem:$0xDD00] =	vst v63  }
0x137: {  	s8 =	rddreg [dreg:$0x1c]  }
0x138: {  	[tilespmem:s0], [sflag:$0x1] =	stream.indirect.gather [hbm4b:s23+s4], $0x10, s4, s4, $0xb8;
	[tilespmem:$0xDD00] =	vst v63  }
0x139: {  	s5 =	simm.s32 $0x1D00;
	s9 =	rddreg [dreg:$0x1d]  }
0x13a: {  	[tilespmem:s5], [sflag:$0x1] =	stream.indirect.gather [hbm4b:s23+s4], $0x10, s8, s4, $0xb8;
	[tilespmem:$0xDD00] =	vst v63  }
0x13b: {  	s5 =	rddreg [dreg:$0x1e]  }
0x13c: {  	[tilespmem:s10], [sflag:$0x1] =	stream.indirect.gather [hbm4b:s23+s4], $0x10, s9, s4, $0xb8;
	[tilespmem:$0xDD00] =	vst v63  }
0x13d: {  	s9 =	rddreg [dreg:$0x1f]  }
0x13e: {  	[tilespmem:s31], [sflag:$0x1] =	stream.indirect.gather [hbm4b:s23+s4], $0x10, s5, s4, $0xb8;
	[tilespmem:$0xDD00] =	vst v63  }
0x13f: {  	s5 =	sld [smem:$0x7EA]  }
0x140: {  	[tilespmem:s30], [sflag:$0x1] =	stream.indirect.gather [hbm4b:s23+s4], $0x10, s9, s4, $0xb8;
	[tilespmem:$0xDD00] =	vst v63  }
0x141: {  	s9 =	sld [smem:$0x7EB]  }
0x142: {  	[tilespmem:s29], [sflag:$0x1] =	stream.indirect.gather [hbm4b:s23+s4], $0x10, s5, s4, $0xb8;
	[tilespmem:$0xDD00] =	vst v63  }
0x143: {  	s5 =	sld [smem:$0x7EC]  }
0x144: {  	[tilespmem:s28], [sflag:$0x1] =	stream.indirect.gather [hbm4b:s23+s4], $0x10, s9, s4, $0xb8;
	[tilespmem:$0xDD00] =	vst v63  }
0x145: {  	s9 =	sld [smem:$0x7ED]  }
0x146: {  	[tilespmem:s26], [sflag:$0x1] =	stream.indirect.gather [hbm4b:s23+s4], $0x10, s5, s4, $0xb8;
	[tilespmem:$0xDD00] =	vst v63  }
0x147: {  	s5 =	sld [smem:$0x7EE]  }
0x148: {  	[tilespmem:s25], [sflag:$0x1] =	stream.indirect.gather [hbm4b:s23+s4], $0x10, s9, s4, $0xb8;
	[tilespmem:$0xDD00] =	vst v63  }
0x149: {  	s9 =	sld [smem:$0x7EF]  }
0x14a: {  	[tilespmem:s24], [sflag:$0x1] =	stream.indirect.gather [hbm4b:s23+s4], $0x10, s5, s4, $0xb8;
	[tilespmem:$0xDD00] =	vst v63  }
0x14b: {  	s5 =	sld [smem:$0x7F0]  }
0x14c: {  	[tilespmem:s22], [sflag:$0x1] =	stream.indirect.gather [hbm4b:s23+s4], $0x10, s9, s4, $0xb8;
	[tilespmem:$0xDD00] =	vst v63  }
0x14d: {  	s9 =	sld [smem:$0x7F1]  }
0x14e: {  	[tilespmem:s20], [sflag:$0x1] =	stream.indirect.gather [hbm4b:s23+s4], $0x10, s5, s4, $0xb8;
	[tilespmem:$0xDD00] =	vst v63  }
0x14f: {  	s5 =	sld [smem:$0x7F2]  }
0x150: {  	[tilespmem:s21], [sflag:$0x1] =	stream.indirect.gather [hbm4b:s23+s4], $0x10, s9, s4, $0xb8;
	[tilespmem:$0xDD00] =	vst v63  }
0x151: {  	s9 =	sld [smem:$0x7F3]  }
0x152: {  	[tilespmem:s19], [sflag:$0x1] =	stream.indirect.gather [hbm4b:s23+s4], $0x10, s5, s4, $0xb8;
	[tilespmem:$0xDD00] =	vst v63  }
0x153: {  	s5 =	sld [smem:$0x7F4]  }
0x154: {  	[tilespmem:s12], [sflag:$0x1] =	stream.indirect.gather [hbm4b:s23+s4], $0x10, s9, s4, $0xb8;
	[tilespmem:$0xDD00] =	vst v63  }
0x155: {  	s9 =	sld [smem:$0x7F5]  }
0x156: {  	[tilespmem:s13], [sflag:$0x1] =	stream.indirect.gather [hbm4b:s23+s4], $0x10, s5, s4, $0xb8;
	[tilespmem:$0xDD00] =	vst v63  }
0x157: {  	s5 =	sld [smem:$0x7F6]  }
0x158: {  	[tilespmem:s14], [sflag:$0x1] =	stream.indirect.gather [hbm4b:s23+s4], $0x10, s9, s4, $0xb8;
	[tilespmem:$0xDD00] =	vst v63  }
0x159: {  	s9 =	sld [smem:$0x7F7]  }
0x15a: {  	[tilespmem:s11], [sflag:$0x1] =	stream.indirect.gather [hbm4b:s23+s4], $0x10, s5, s4, $0xb8;
	[tilespmem:$0xDD00] =	vst v63  }
0x15b: {  	s5 =	sld [smem:$0x7F8]  }
0x15c: {  	[tilespmem:s18], [sflag:$0x1] =	stream.indirect.gather [hbm4b:s23+s4], $0x10, s9, s4, $0xb8;
	[tilespmem:$0xDD00] =	vst v63  }
0x15d: {  	s9 =	sld [smem:$0x7F9]  }
0x15e: {  	[tilespmem:s17], [sflag:$0x1] =	stream.indirect.gather [hbm4b:s23+s4], $0x10, s5, s4, $0xb8;
	[tilespmem:$0xDD00] =	vst v63  }
0x15f: {  	s5 =	sld [smem:$0x7FA]  }
0x160: {  	[tilespmem:s16], [sflag:$0x1] =	stream.indirect.gather [hbm4b:s23+s4], $0x10, s9, s4, $0xb8;
	[tilespmem:$0xDD00] =	vst v63  }
0x161: {  	s9 =	sld [smem:$0x7FB]  }
0x162: {  	[tilespmem:s15], [sflag:$0x1] =	stream.indirect.gather [hbm4b:s23+s4], $0x10, s5, s4, $0xb8;
	[tilespmem:$0xDD00] =	vst v63  }
0x163: {  	s8 =	sld [smem:$0x7FC];
	s5 =	simm.s32 $0xC500  }
0x164: {  	[tilespmem:s5], [sflag:$0x1] =	stream.indirect.gather [hbm4b:s23+s4], $0x10, s9, s4, $0xb8;
	[tilespmem:$0xDD00] =	vst v63  }
0x165: {  	s9 =	sld [smem:$0x7FD];
	s5 =	simm.s32 $0xCD00  }
0x166: {  	[tilespmem:s5], [sflag:$0x1] =	stream.indirect.gather [hbm4b:s23+s4], $0x10, s8, s4, $0xb8;
	[tilespmem:$0xDD00] =	vst v63  }
0x167: {  	s8 =	simm.s32 $0xD500  }
0x168: {  	[tilespmem:s8], [sflag:$0x1] =	stream.indirect.gather [hbm4b:s23+s4], $0x10, s9, s4, $0xb8;
	[tilespmem:$0xDD00] =	vst v63  }
0x169: {  	_ =	swait.ge [sflag:s6], $0x800  }
0x16a: {  	s8 =	sld [smem:$0x7E9]  }
0x16b: {  	[sflag:s6] =	ssyncset.done $0x0  }
0x16c: {  	[sflag:s6] =	ssyncadd.s32 $0xFFFFF800  }
0x16d: {  	[hbm4b:s8+s2] =	stream.linear.scatter [tilespmem:s1], [sflag:$0x2], $0x800, $0x38;
	[tilespmem:$0xDD00] =	vst v63  }
0x16e: {  	_ =	swait.ge [sflag:s6], $0x800  }
0x16f: {  	[sflag:s6] =	ssyncset.done $0x0  }
0x170: {  	s0 =	simm.s32 $0x1500;
	s1 =	rddreg [dreg:$0x3];
	[sflag:s6] =	ssyncadd.s32 $0xFFFFF800  }
0x171: {  	[hbm4b:s1+s2] =	stream.linear.scatter [tilespmem:s0], [sflag:$0x2], $0x800, $0x38;
	[tilespmem:$0xDD00] =	vst v63  }
0x172: {  	_ =	swait.ge [sflag:s6], $0x800  }
0x173: {  	[sflag:s6] =	ssyncset.done $0x0  }
0x174: {  	s9 =	simm.s32 $0x1D00;
	s1 =	rddreg [dreg:$0x4];
	[sflag:s6] =	ssyncadd.s32 $0xFFFFF800  }
0x175: {  	[hbm4b:s1+s2] =	stream.linear.scatter [tilespmem:s9], [sflag:$0x2], $0x800, $0x38;
	[tilespmem:$0xDD00] =	vst v63  }
0x176: {  	_ =	swait.ge [sflag:s6], $0x800  }
0x177: {  	[sflag:s6] =	ssyncset.done $0x0  }
0x178: {  	s1 =	rddreg [dreg:$0x5];
	[sflag:s6] =	ssyncadd.s32 $0xFFFFF800  }
0x179: {  	[hbm4b:s1+s2] =	stream.linear.scatter [tilespmem:s10], [sflag:$0x2], $0x800, $0x38;
	[tilespmem:$0xDD00] =	vst v63  }
0x17a: {  	_ =	swait.ge [sflag:s6], $0x800  }
0x17b: {  	[sflag:s6] =	ssyncset.done $0x0  }
0x17c: {  	s1 =	rddreg [dreg:$0x6];
	[sflag:s6] =	ssyncadd.s32 $0xFFFFF800  }
0x17d: {  	[hbm4b:s1+s2] =	stream.linear.scatter [tilespmem:s31], [sflag:$0x2], $0x800, $0x38;
	[tilespmem:$0xDD00] =	vst v63  }
0x17e: {  	_ =	swait.ge [sflag:s6], $0x800  }
0x17f: {  	[sflag:s6] =	ssyncset.done $0x0  }
0x180: {  	s1 =	rddreg [dreg:$0x7];
	[sflag:s6] =	ssyncadd.s32 $0xFFFFF800  }
0x181: {  	[hbm4b:s1+s2] =	stream.linear.scatter [tilespmem:s30], [sflag:$0x2], $0x800, $0x38;
	[tilespmem:$0xDD00] =	vst v63  }
0x182: {  	_ =	swait.ge [sflag:s6], $0x800  }
0x183: {  	[sflag:s6] =	ssyncset.done $0x0  }
0x184: {  	s1 =	rddreg [dreg:$0x8];
	[sflag:s6] =	ssyncadd.s32 $0xFFFFF800  }
0x185: {  	[hbm4b:s1+s2] =	stream.linear.scatter [tilespmem:s29], [sflag:$0x2], $0x800, $0x38;
	[tilespmem:$0xDD00] =	vst v63  }
0x186: {  	_ =	swait.ge [sflag:s6], $0x800  }
0x187: {  	[sflag:s6] =	ssyncset.done $0x0  }
0x188: {  	s1 =	rddreg [dreg:$0x9];
	[sflag:s6] =	ssyncadd.s32 $0xFFFFF800  }
0x189: {  	[hbm4b:s1+s2] =	stream.linear.scatter [tilespmem:s28], [sflag:$0x2], $0x800, $0x38;
	[tilespmem:$0xDD00] =	vst v63  }
0x18a: {  	_ =	swait.ge [sflag:s6], $0x800  }
0x18b: {  	[sflag:s6] =	ssyncset.done $0x0  }
0x18c: {  	s1 =	rddreg [dreg:$0xa];
	[sflag:s6] =	ssyncadd.s32 $0xFFFFF800  }
0x18d: {  	[hbm4b:s1+s2] =	stream.linear.scatter [tilespmem:s26], [sflag:$0x2], $0x800, $0x38;
	[tilespmem:$0xDD00] =	vst v63  }
0x18e: {  	_ =	swait.ge [sflag:s6], $0x800  }
0x18f: {  	[sflag:s6] =	ssyncset.done $0x0  }
0x190: {  	s1 =	rddreg [dreg:$0xb];
	[sflag:s6] =	ssyncadd.s32 $0xFFFFF800  }
0x191: {  	[hbm4b:s1+s2] =	stream.linear.scatter [tilespmem:s25], [sflag:$0x2], $0x800, $0x38;
	[tilespmem:$0xDD00] =	vst v63  }
0x192: {  	_ =	swait.ge [sflag:s6], $0x800  }
0x193: {  	[sflag:s6] =	ssyncset.done $0x0  }
0x194: {  	s1 =	rddreg [dreg:$0xc];
	[sflag:s6] =	ssyncadd.s32 $0xFFFFF800  }
0x195: {  	[hbm4b:s1+s2] =	stream.linear.scatter [tilespmem:s24], [sflag:$0x2], $0x800, $0x38;
	[tilespmem:$0xDD00] =	vst v63  }
0x196: {  	_ =	swait.ge [sflag:s6], $0x800  }
0x197: {  	[sflag:s6] =	ssyncset.done $0x0  }
0x198: {  	s1 =	rddreg [dreg:$0xd];
	[sflag:s6] =	ssyncadd.s32 $0xFFFFF800  }
0x199: {  	[hbm4b:s1+s2] =	stream.linear.scatter [tilespmem:s22], [sflag:$0x2], $0x800, $0x38;
	[tilespmem:$0xDD00] =	vst v63  }
0x19a: {  	_ =	swait.ge [sflag:s6], $0x800  }
0x19b: {  	[sflag:s6] =	ssyncset.done $0x0  }
0x19c: {  	s1 =	rddreg [dreg:$0xe];
	[sflag:s6] =	ssyncadd.s32 $0xFFFFF800  }
0x19d: {  	[hbm4b:s1+s2] =	stream.linear.scatter [tilespmem:s20], [sflag:$0x2], $0x800, $0x38;
	[tilespmem:$0xDD00] =	vst v63  }
0x19e: {  	_ =	swait.ge [sflag:s6], $0x800  }
0x19f: {  	[sflag:s6] =	ssyncset.done $0x0  }
0x1a0: {  	s1 =	rddreg [dreg:$0xf];
	[sflag:s6] =	ssyncadd.s32 $0xFFFFF800  }
0x1a1: {  	[hbm4b:s1+s2] =	stream.linear.scatter [tilespmem:s21], [sflag:$0x2], $0x800, $0x38;
	[tilespmem:$0xDD00] =	vst v63  }
0x1a2: {  	_ =	swait.ge [sflag:s6], $0x800  }
0x1a3: {  	[sflag:s6] =	ssyncset.done $0x0  }
0x1a4: {  	s1 =	rddreg [dreg:$0x10];
	[sflag:s6] =	ssyncadd.s32 $0xFFFFF800  }
0x1a5: {  	[hbm4b:s1+s2] =	stream.linear.scatter [tilespmem:s19], [sflag:$0x2], $0x800, $0x38;
	[tilespmem:$0xDD00] =	vst v63  }
0x1a6: {  	_ =	swait.ge [sflag:s6], $0x800  }
0x1a7: {  	[sflag:s6] =	ssyncset.done $0x0  }
0x1a8: {  	s1 =	rddreg [dreg:$0x11];
	[sflag:s6] =	ssyncadd.s32 $0xFFFFF800  }
0x1a9: {  	[hbm4b:s1+s2] =	stream.linear.scatter [tilespmem:s12], [sflag:$0x2], $0x800, $0x38;
	[tilespmem:$0xDD00] =	vst v63  }
0x1aa: {  	_ =	swait.ge [sflag:s6], $0x800  }
0x1ab: {  	[sflag:s6] =	ssyncset.done $0x0  }
0x1ac: {  	s1 =	rddreg [dreg:$0x12];
	[sflag:s6] =	ssyncadd.s32 $0xFFFFF800  }
0x1ad: {  	[hbm4b:s1+s2] =	stream.linear.scatter [tilespmem:s13], [sflag:$0x2], $0x800, $0x38;
	[tilespmem:$0xDD00] =	vst v63  }
0x1ae: {  	_ =	swait.ge [sflag:s6], $0x800  }
0x1af: {  	[sflag:s6] =	ssyncset.done $0x0  }
0x1b0: {  	s1 =	rddreg [dreg:$0x13];
	[sflag:s6] =	ssyncadd.s32 $0xFFFFF800  }
0x1b1: {  	[hbm4b:s1+s2] =	stream.linear.scatter [tilespmem:s14], [sflag:$0x2], $0x800, $0x38;
	[tilespmem:$0xDD00] =	vst v63  }
0x1b2: {  	_ =	swait.ge [sflag:s6], $0x800  }
0x1b3: {  	[sflag:s6] =	ssyncset.done $0x0  }
0x1b4: {  	s1 =	rddreg [dreg:$0x14];
	[sflag:s6] =	ssyncadd.s32 $0xFFFFF800  }
0x1b5: {  	[hbm4b:s1+s2] =	stream.linear.scatter [tilespmem:s11], [sflag:$0x2], $0x800, $0x38;
	[tilespmem:$0xDD00] =	vst v63  }
0x1b6: {  	_ =	swait.ge [sflag:s6], $0x800  }
0x1b7: {  	[sflag:s6] =	ssyncset.done $0x0  }
0x1b8: {  	s1 =	rddreg [dreg:$0x15];
	[sflag:s6] =	ssyncadd.s32 $0xFFFFF800  }
0x1b9: {  	[hbm4b:s1+s2] =	stream.linear.scatter [tilespmem:s18], [sflag:$0x2], $0x800, $0x38;
	[tilespmem:$0xDD00] =	vst v63  }
0x1ba: {  	_ =	swait.ge [sflag:s6], $0x800  }
0x1bb: {  	[sflag:s6] =	ssyncset.done $0x0  }
0x1bc: {  	s1 =	rddreg [dreg:$0x16];
	[sflag:s6] =	ssyncadd.s32 $0xFFFFF800  }
0x1bd: {  	[hbm4b:s1+s2] =	stream.linear.scatter [tilespmem:s17], [sflag:$0x2], $0x800, $0x38;
	[tilespmem:$0xDD00] =	vst v63  }
0x1be: {  	_ =	swait.ge [sflag:s6], $0x800  }
0x1bf: {  	[sflag:s6] =	ssyncset.done $0x0  }
0x1c0: {  	s1 =	rddreg [dreg:$0x17];
	[sflag:s6] =	ssyncadd.s32 $0xFFFFF800  }
0x1c1: {  	[hbm4b:s1+s2] =	stream.linear.scatter [tilespmem:s16], [sflag:$0x2], $0x800, $0x38;
	[tilespmem:$0xDD00] =	vst v63  }
0x1c2: {  	_ =	swait.ge [sflag:s6], $0x800  }
0x1c3: {  	[sflag:s6] =	ssyncset.done $0x0  }
0x1c4: {  	s1 =	rddreg [dreg:$0x18];
	[sflag:s6] =	ssyncadd.s32 $0xFFFFF800  }
0x1c5: {  	[hbm4b:s1+s2] =	stream.linear.scatter [tilespmem:s15], [sflag:$0x2], $0x800, $0x38;
	[tilespmem:$0xDD00] =	vst v63  }
0x1c6: {  	_ =	swait.ge [sflag:s6], $0x800  }
0x1c7: {  	[sflag:s6] =	ssyncset.done $0x0  }
0x1c8: {  	s1 =	simm.s32 $0xC500;
	s8 =	rddreg [dreg:$0x19];
	[sflag:s6] =	ssyncadd.s32 $0xFFFFF800  }
0x1c9: {  	[hbm4b:s8+s2] =	stream.linear.scatter [tilespmem:s1], [sflag:$0x2], $0x800, $0x38;
	[tilespmem:$0xDD00] =	vst v63  }
0x1ca: {  	_ =	swait.ge [sflag:s6], $0x800  }
0x1cb: {  	[sflag:s6] =	ssyncset.done $0x0  }
0x1cc: {  	s5 =	simm.s32 $0xCD00;
	s1 =	rddreg [dreg:$0x1a];
	[sflag:s6] =	ssyncadd.s32 $0xFFFFF800  }
0x1cd: {  	[hbm4b:s1+s2] =	stream.linear.scatter [tilespmem:s5], [sflag:$0x2], $0x800, $0x38;
	[tilespmem:$0xDD00] =	vst v63  }
0x1ce: {  	_ =	swait.ge [sflag:s6], $0x800  }
0x1cf: {  	[sflag:s6] =	ssyncset.done $0x0  }
0x1d0: {  	s5 =	simm.s32 $0xD500;
	s1 =	rddreg [dreg:$0x1b];
	[sflag:s6] =	ssyncadd.s32 $0xFFFFF800  }
0x1d1: {  	[hbm4b:s1+s2] =	stream.linear.scatter [tilespmem:s5], [sflag:$0x2], $0x800, $0x38;
	[tilespmem:$0xDD00] =	vst v63  }
0x1d2: {  	_ =	swait.ge [sflag:s3], $0x800  }
0x1d3: {  	[sflag:s3] =	ssyncset.done $0x0  }
0x1d4: {  	[sflag:s3] =	ssyncadd.s32 $0xFFFFF800  }
0x1d5: {  	_ =	swait.ge [sflag:s3], $0x800  }
0x1d6: {  	[sflag:s3] =	ssyncset.done $0x0  }
0x1d7: {  	[sflag:s3] =	ssyncadd.s32 $0xFFFFF800  }
0x1d8: {  	_ =	swait.ge [sflag:s3], $0x800  }
0x1d9: {  	[sflag:s3] =	ssyncset.done $0x0  }
0x1da: {  	[sflag:s3] =	ssyncadd.s32 $0xFFFFF800  }
0x1db: {  	_ =	swait.ge [sflag:s3], $0x800  }
0x1dc: {  	[sflag:s3] =	ssyncset.done $0x0  }
0x1dd: {  	[sflag:s3] =	ssyncadd.s32 $0xFFFFF800  }
0x1de: {  	_ =	swait.ge [sflag:s3], $0x800  }
0x1df: {  	[sflag:s3] =	ssyncset.done $0x0  }
0x1e0: {  	[sflag:s3] =	ssyncadd.s32 $0xFFFFF800  }
0x1e1: {  	_ =	swait.ge [sflag:s3], $0x800  }
0x1e2: {  	[sflag:s3] =	ssyncset.done $0x0  }
0x1e3: {  	[sflag:s3] =	ssyncadd.s32 $0xFFFFF800  }
0x1e4: {  	_ =	swait.ge [sflag:s3], $0x800  }
0x1e5: {  	[sflag:s3] =	ssyncset.done $0x0  }
0x1e6: {  	[sflag:s3] =	ssyncadd.s32 $0xFFFFF800  }
0x1e7: {  	_ =	swait.ge [sflag:s3], $0x800  }
0x1e8: {  	[sflag:s3] =	ssyncset.done $0x0  }
0x1e9: {  	[sflag:s3] =	ssyncadd.s32 $0xFFFFF800  }
0x1ea: {  	_ =	swait.ge [sflag:s3], $0x800  }
0x1eb: {  	[sflag:s3] =	ssyncset.done $0x0  }
0x1ec: {  	[sflag:s3] =	ssyncadd.s32 $0xFFFFF800  }
0x1ed: {  	_ =	swait.ge [sflag:s3], $0x800  }
0x1ee: {  	[sflag:s3] =	ssyncset.done $0x0  }
0x1ef: {  	[sflag:s3] =	ssyncadd.s32 $0xFFFFF800  }
0x1f0: {  	_ =	swait.ge [sflag:s3], $0x800  }
0x1f1: {  	[sflag:s3] =	ssyncset.done $0x0  }
0x1f2: {  	[sflag:s3] =	ssyncadd.s32 $0xFFFFF800  }
0x1f3: {  	_ =	swait.ge [sflag:s3], $0x800  }
0x1f4: {  	[sflag:s3] =	ssyncset.done $0x0  }
0x1f5: {  	[sflag:s3] =	ssyncadd.s32 $0xFFFFF800  }
0x1f6: {  	_ =	swait.ge [sflag:s3], $0x800  }
0x1f7: {  	[sflag:s3] =	ssyncset.done $0x0  }
0x1f8: {  	[sflag:s3] =	ssyncadd.s32 $0xFFFFF800  }
0x1f9: {  	_ =	swait.ge [sflag:s3], $0x800  }
0x1fa: {  	[sflag:s3] =	ssyncset.done $0x0  }
0x1fb: {  	[sflag:s3] =	ssyncadd.s32 $0xFFFFF800  }
0x1fc: {  	_ =	swait.ge [sflag:s3], $0x800  }
0x1fd: {  	[sflag:s3] =	ssyncset.done $0x0  }
0x1fe: {  	[sflag:s3] =	ssyncadd.s32 $0xFFFFF800  }
0x1ff: {  	_ =	swait.ge [sflag:s3], $0x800  }
0x200: {  	[sflag:s3] =	ssyncset.done $0x0  }
0x201: {  	[sflag:s3] =	ssyncadd.s32 $0xFFFFF800  }
0x202: {  	_ =	swait.ge [sflag:s3], $0x800  }
0x203: {  	[sflag:s3] =	ssyncset.done $0x0  }
0x204: {  	[sflag:s3] =	ssyncadd.s32 $0xFFFFF800  }
0x205: {  	_ =	swait.ge [sflag:s3], $0x800  }
0x206: {  	[sflag:s3] =	ssyncset.done $0x0  }
0x207: {  	[sflag:s3] =	ssyncadd.s32 $0xFFFFF800  }
0x208: {  	_ =	swait.ge [sflag:s3], $0x800  }
0x209: {  	[sflag:s3] =	ssyncset.done $0x0  }
0x20a: {  	[sflag:s3] =	ssyncadd.s32 $0xFFFFF800  }
0x20b: {  	_ =	swait.ge [sflag:s3], $0x800  }
0x20c: {  	[sflag:s3] =	ssyncset.done $0x0  }
0x20d: {  	[sflag:s3] =	ssyncadd.s32 $0xFFFFF800  }
0x20e: {  	_ =	swait.ge [sflag:s3], $0x800  }
0x20f: {  	[sflag:s3] =	ssyncset.done $0x0  }
0x210: {  	[sflag:s3] =	ssyncadd.s32 $0xFFFFF800  }
0x211: {  	_ =	swait.ge [sflag:s3], $0x800  }
0x212: {  	[sflag:s3] =	ssyncset.done $0x0  }
0x213: {  	[sflag:s3] =	ssyncadd.s32 $0xFFFFF800  }
0x214: {  	_ =	swait.ge [sflag:s3], $0x800  }
0x215: {  	[sflag:s3] =	ssyncset.done $0x0  }
0x216: {  	[sflag:s3] =	ssyncadd.s32 $0xFFFFF800  }
0x217: {  	_ =	swait.ge [sflag:s3], $0x800  }
0x218: {  	[sflag:s3] =	ssyncset.done $0x0  }
0x219: {  	p1 =	sne.s32 s7, $0x1;
	[sflag:s3] =	ssyncadd.s32 $0xFFFFF800  }
.Ltmp2:
0x21a: {  	_ =	swait.ge [sflag:s3], $0x800;
	(pc) =	sbr.rel @p1 .LBB2_4-.Ltmp2, $4  }
0x21b: {  	[sflag:s3] =	ssyncset.done $0x0  }
0x21c: {  	[sflag:s3] =	ssyncadd.s32 $0xFFFFF800  }
0x21d: {  	_ =	swait.ge [sflag:s3], $0x800  }
0x21e: {  	s7 =	sadd.s32 $0xFFFFFFFF, s7;
	s8 =	rddreg [dreg:$0x2];
	[sflag:s3] =	ssyncset.done $0x0  }
0x21f: {  	s30 =	sld [smem:$0x7E9];
	s7 =	simm.s32 $0xD00;
	s5 =	simm.s32 $0x3  }
.LBB2_6:
0x220: {  	[sflag:s3] =	ssyncadd.s32 @p0 $0xFFFFF800  }
0x221: {  	[tilespmem:s2], [sflag:$0x3] =	stream.linear.gather [hbm4b:s8+s2], $0xD00, $0x38;
	[tilespmem:$0xDD00] =	vst v63  }
0x222: {  	_ =	swait.ge [sflag:s5], $0xD00  }
0x223: {  	[sflag:s5] =	ssyncset.done $0x0  }
0x224: {  	[sflag:s5] =	ssyncadd.s32 $0xFFFFF300  }
0x225: {  	[tilespmem:s7], [sflag:$0x1] =	stream.indirect.gather [hbm4b:s23+s4], $0x10, s2, s4, $0xb8;
	[tilespmem:$0xDD00] =	vst v63  }
0x226: {  	s21 =	rddreg [dreg:$0x1c]  }
0x227: {  	[tilespmem:s0], [sflag:$0x1] =	stream.indirect.gather [hbm4b:s23+s4], $0x10, s4, s4, $0xb8;
	[tilespmem:$0xDD00] =	vst v63  }
0x228: {  	s22 =	rddreg [dreg:$0x1d]  }
0x229: {  	[tilespmem:s9], [sflag:$0x1] =	stream.indirect.gather [hbm4b:s23+s4], $0x10, s21, s4, $0xb8;
	[tilespmem:$0xDD00] =	vst v63  }
0x22a: {  	s24 =	rddreg [dreg:$0x1e];
	s9 =	simm.s32 $0x2500  }
0x22b: {  	[tilespmem:s9], [sflag:$0x1] =	stream.indirect.gather [hbm4b:s23+s4], $0x10, s22, s4, $0xb8;
	[tilespmem:$0xDD00] =	vst v63  }
0x22c: {  	s31 =	simm.s32 $0x2D00;
	s25 =	rddreg [dreg:$0x1f]  }
0x22d: {  	[tilespmem:s31], [sflag:$0x1] =	stream.indirect.gather [hbm4b:s23+s4], $0x10, s24, s4, $0xb8;
	[tilespmem:$0xDD00] =	vst v63  }
0x22e: {  	s1 =	simm.s32 $0x3500;
	s26 =	sld [smem:$0x7EA]  }
0x22f: {  	[tilespmem:s1], [sflag:$0x1] =	stream.indirect.gather [hbm4b:s23+s4], $0x10, s25, s4, $0xb8;
	[tilespmem:$0xDD00] =	vst v63  }
0x230: {  	s10 =	simm.s32 $0x3D00;
	s28 =	sld [smem:$0x7EB]  }
0x231: {  	[tilespmem:s10], [sflag:$0x1] =	stream.indirect.gather [hbm4b:s23+s4], $0x10, s26, s4, $0xb8;
	[tilespmem:$0xDD00] =	vst v63  }
0x232: {  	s29 =	simm.s32 $0x4500;
	s11 =	sld [smem:$0x7EC]  }
0x233: {  	[tilespmem:s29], [sflag:$0x1] =	stream.indirect.gather [hbm4b:s23+s4], $0x10, s28, s4, $0xb8;
	[tilespmem:$0xDD00] =	vst v63  }
0x234: {  	s12 =	sld [smem:$0x7ED];
	s28 =	simm.s32 $0x4D00  }
0x235: {  	[tilespmem:s28], [sflag:$0x1] =	stream.indirect.gather [hbm4b:s23+s4], $0x10, s11, s4, $0xb8;
	[tilespmem:$0xDD00] =	vst v63  }
0x236: {  	s13 =	sld [smem:$0x7EE];
	s26 =	simm.s32 $0x5500  }
0x237: {  	[tilespmem:s26], [sflag:$0x1] =	stream.indirect.gather [hbm4b:s23+s4], $0x10, s12, s4, $0xb8;
	[tilespmem:$0xDD00] =	vst v63  }
0x238: {  	s14 =	sld [smem:$0x7EF];
	s25 =	simm.s32 $0x5D00  }
0x239: {  	[tilespmem:s25], [sflag:$0x1] =	stream.indirect.gather [hbm4b:s23+s4], $0x10, s13, s4, $0xb8;
	[tilespmem:$0xDD00] =	vst v63  }
0x23a: {  	s15 =	sld [smem:$0x7F0];
	s24 =	simm.s32 $0x6500  }
0x23b: {  	[tilespmem:s24], [sflag:$0x1] =	stream.indirect.gather [hbm4b:s23+s4], $0x10, s14, s4, $0xb8;
	[tilespmem:$0xDD00] =	vst v63  }
0x23c: {  	s16 =	sld [smem:$0x7F1];
	s22 =	simm.s32 $0x6D00  }
0x23d: {  	[tilespmem:s22], [sflag:$0x1] =	stream.indirect.gather [hbm4b:s23+s4], $0x10, s15, s4, $0xb8;
	[tilespmem:$0xDD00] =	vst v63  }
0x23e: {  	s17 =	sld [smem:$0x7F2];
	s21 =	simm.s32 $0x7500  }
0x23f: {  	[tilespmem:s21], [sflag:$0x1] =	stream.indirect.gather [hbm4b:s23+s4], $0x10, s16, s4, $0xb8;
	[tilespmem:$0xDD00] =	vst v63  }
0x240: {  	s20 =	simm.s32 $0x7D00;
	s18 =	sld [smem:$0x7F3]  }
0x241: {  	[tilespmem:s20], [sflag:$0x1] =	stream.indirect.gather [hbm4b:s23+s4], $0x10, s17, s4, $0xb8;
	[tilespmem:$0xDD00] =	vst v63  }
0x242: {  	s19 =	simm.s32 $0x8500;
	s11 =	sld [smem:$0x7F4]  }
0x243: {  	[tilespmem:s19], [sflag:$0x1] =	stream.indirect.gather [hbm4b:s23+s4], $0x10, s18, s4, $0xb8;
	[tilespmem:$0xDD00] =	vst v63  }
0x244: {  	s12 =	sld [smem:$0x7F5];
	s18 =	simm.s32 $0x8D00  }
0x245: {  	[tilespmem:s18], [sflag:$0x1] =	stream.indirect.gather [hbm4b:s23+s4], $0x10, s11, s4, $0xb8;
	[tilespmem:$0xDD00] =	vst v63  }
0x246: {  	s13 =	sld [smem:$0x7F6];
	s17 =	simm.s32 $0x9500  }
0x247: {  	[tilespmem:s17], [sflag:$0x1] =	stream.indirect.gather [hbm4b:s23+s4], $0x10, s12, s4, $0xb8;
	[tilespmem:$0xDD00] =	vst v63  }
0x248: {  	s14 =	sld [smem:$0x7F7];
	s16 =	simm.s32 $0x9D00  }
0x249: {  	[tilespmem:s16], [sflag:$0x1] =	stream.indirect.gather [hbm4b:s23+s4], $0x10, s13, s4, $0xb8;
	[tilespmem:$0xDD00] =	vst v63  }
0x24a: {  	s15 =	simm.s32 $0xA500;
	s11 =	sld [smem:$0x7F8]  }
0x24b: {  	[tilespmem:s15], [sflag:$0x1] =	stream.indirect.gather [hbm4b:s23+s4], $0x10, s14, s4, $0xb8;
	[tilespmem:$0xDD00] =	vst v63  }
0x24c: {  	s12 =	sld [smem:$0x7F9];
	s14 =	simm.s32 $0xAD00  }
0x24d: {  	[tilespmem:s14], [sflag:$0x1] =	stream.indirect.gather [hbm4b:s23+s4], $0x10, s11, s4, $0xb8;
	[tilespmem:$0xDD00] =	vst v63  }
0x24e: {  	s13 =	simm.s32 $0xB500;
	s11 =	sld [smem:$0x7FA]  }
0x24f: {  	[tilespmem:s13], [sflag:$0x1] =	stream.indirect.gather [hbm4b:s23+s4], $0x10, s12, s4, $0xb8;
	[tilespmem:$0xDD00] =	vst v63  }
0x250: {  	s7 =	sld [smem:$0x7FB];
	s12 =	simm.s32 $0xBD00  }
0x251: {  	[tilespmem:s12], [sflag:$0x1] =	stream.indirect.gather [hbm4b:s23+s4], $0x10, s11, s4, $0xb8;
	[tilespmem:$0xDD00] =	vst v63  }
0x252: {  	s5 =	sld [smem:$0x7FC];
	s11 =	simm.s32 $0xC500  }
0x253: {  	[tilespmem:s11], [sflag:$0x1] =	stream.indirect.gather [hbm4b:s23+s4], $0x10, s7, s4, $0xb8;
	[tilespmem:$0xDD00] =	vst v63  }
0x254: {  	s7 =	sld [smem:$0x7FD];
	s11 =	simm.s32 $0xCD00  }
0x255: {  	[tilespmem:s11], [sflag:$0x1] =	stream.indirect.gather [hbm4b:s23+s4], $0x10, s5, s4, $0xb8;
	[tilespmem:$0xDD00] =	vst v63  }
0x256: {  	s5 =	simm.s32 $0xD500  }
0x257: {  	[tilespmem:s5], [sflag:$0x1] =	stream.indirect.gather [hbm4b:s23+s4], $0x10, s7, s4, $0xb8;
	[tilespmem:$0xDD00] =	vst v63  }
0x258: {  	_ =	swait.ge [sflag:s6], $0x800  }
0x259: {  	[sflag:s6] =	ssyncset.done $0x0  }
0x25a: {  	s0 =	simm.s32 $0xD00;
	[sflag:s6] =	ssyncadd.s32 $0xFFFFF800  }
0x25b: {  	[hbm4b:s30+s2] =	stream.linear.scatter [tilespmem:s0], [sflag:$0x2], $0x800, $0x38;
	[tilespmem:$0xDD00] =	vst v63  }
0x25c: {  	_ =	swait.ge [sflag:s6], $0x800  }
0x25d: {  	[sflag:s6] =	ssyncset.done $0x0  }
0x25e: {  	s7 =	simm.s32 $0x1500;
	s23 =	rddreg [dreg:$0x3];
	[sflag:s6] =	ssyncadd.s32 $0xFFFFF800  }
0x25f: {  	[hbm4b:s23+s2] =	stream.linear.scatter [tilespmem:s7], [sflag:$0x2], $0x800, $0x38;
	[tilespmem:$0xDD00] =	vst v63  }
0x260: {  	_ =	swait.ge [sflag:s6], $0x800  }
0x261: {  	[sflag:s6] =	ssyncset.done $0x0  }
0x262: {  	s8 =	simm.s32 $0x1D00;
	s30 =	rddreg [dreg:$0x4];
	[sflag:s6] =	ssyncadd.s32 $0xFFFFF800  }
0x263: {  	[hbm4b:s30+s2] =	stream.linear.scatter [tilespmem:s8], [sflag:$0x2], $0x800, $0x38;
	[tilespmem:$0xDD00] =	vst v63  }
0x264: {  	_ =	swait.ge [sflag:s6], $0x800  }
0x265: {  	[sflag:s6] =	ssyncset.done $0x0  }
0x266: {  	s4 =	rddreg [dreg:$0x5];
	[sflag:s6] =	ssyncadd.s32 $0xFFFFF800  }
0x267: {  	[hbm4b:s4+s2] =	stream.linear.scatter [tilespmem:s9], [sflag:$0x2], $0x800, $0x38;
	[tilespmem:$0xDD00] =	vst v63  }
0x268: {  	_ =	swait.ge [sflag:s6], $0x800  }
0x269: {  	[sflag:s6] =	ssyncset.done $0x0  }
0x26a: {  	s7 =	rddreg [dreg:$0x6];
	[sflag:s6] =	ssyncadd.s32 $0xFFFFF800  }
0x26b: {  	[hbm4b:s7+s2] =	stream.linear.scatter [tilespmem:s31], [sflag:$0x2], $0x800, $0x38;
	[tilespmem:$0xDD00] =	vst v63  }
0x26c: {  	_ =	swait.ge [sflag:s6], $0x800  }
0x26d: {  	[sflag:s6] =	ssyncset.done $0x0  }
0x26e: {  	s8 =	rddreg [dreg:$0x7];
	[sflag:s6] =	ssyncadd.s32 $0xFFFFF800  }
0x26f: {  	[hbm4b:s8+s2] =	stream.linear.scatter [tilespmem:s1], [sflag:$0x2], $0x800, $0x38;
	[tilespmem:$0xDD00] =	vst v63  }
0x270: {  	_ =	swait.ge [sflag:s6], $0x800  }
0x271: {  	[sflag:s6] =	ssyncset.done $0x0  }
0x272: {  	s9 =	rddreg [dreg:$0x8];
	[sflag:s6] =	ssyncadd.s32 $0xFFFFF800  }
0x273: {  	[hbm4b:s9+s2] =	stream.linear.scatter [tilespmem:s10], [sflag:$0x2], $0x800, $0x38;
	[tilespmem:$0xDD00] =	vst v63  }
0x274: {  	_ =	swait.ge [sflag:s6], $0x800  }
0x275: {  	[sflag:s6] =	ssyncset.done $0x0  }
0x276: {  	s23 =	rddreg [dreg:$0x9];
	[sflag:s6] =	ssyncadd.s32 $0xFFFFF800  }
0x277: {  	[hbm4b:s23+s2] =	stream.linear.scatter [tilespmem:s29], [sflag:$0x2], $0x800, $0x38;
	[tilespmem:$0xDD00] =	vst v63  }
0x278: {  	_ =	swait.ge [sflag:s6], $0x800  }
0x279: {  	[sflag:s6] =	ssyncset.done $0x0  }
0x27a: {  	s30 =	rddreg [dreg:$0xa];
	[sflag:s6] =	ssyncadd.s32 $0xFFFFF800  }
0x27b: {  	[hbm4b:s30+s2] =	stream.linear.scatter [tilespmem:s28], [sflag:$0x2], $0x800, $0x38;
	[tilespmem:$0xDD00] =	vst v63  }
0x27c: {  	_ =	swait.ge [sflag:s6], $0x800  }
0x27d: {  	[sflag:s6] =	ssyncset.done $0x0  }
0x27e: {  	s31 =	rddreg [dreg:$0xb];
	[sflag:s6] =	ssyncadd.s32 $0xFFFFF800  }
0x27f: {  	[hbm4b:s31+s2] =	stream.linear.scatter [tilespmem:s26], [sflag:$0x2], $0x800, $0x38;
	[tilespmem:$0xDD00] =	vst v63  }
0x280: {  	_ =	swait.ge [sflag:s6], $0x800  }
0x281: {  	[sflag:s6] =	ssyncset.done $0x0  }
0x282: {  	s1 =	rddreg [dreg:$0xc];
	[sflag:s6] =	ssyncadd.s32 $0xFFFFF800  }
0x283: {  	[hbm4b:s1+s2] =	stream.linear.scatter [tilespmem:s25], [sflag:$0x2], $0x800, $0x38;
	[tilespmem:$0xDD00] =	vst v63  }
0x284: {  	_ =	swait.ge [sflag:s6], $0x800  }
0x285: {  	[sflag:s6] =	ssyncset.done $0x0  }
0x286: {  	s4 =	rddreg [dreg:$0xd];
	[sflag:s6] =	ssyncadd.s32 $0xFFFFF800  }
0x287: {  	[hbm4b:s4+s2] =	stream.linear.scatter [tilespmem:s24], [sflag:$0x2], $0x800, $0x38;
	[tilespmem:$0xDD00] =	vst v63  }
0x288: {  	_ =	swait.ge [sflag:s6], $0x800  }
0x289: {  	[sflag:s6] =	ssyncset.done $0x0  }
0x28a: {  	s7 =	rddreg [dreg:$0xe];
	[sflag:s6] =	ssyncadd.s32 $0xFFFFF800  }
0x28b: {  	[hbm4b:s7+s2] =	stream.linear.scatter [tilespmem:s22], [sflag:$0x2], $0x800, $0x38;
	[tilespmem:$0xDD00] =	vst v63  }
0x28c: {  	_ =	swait.ge [sflag:s6], $0x800  }
0x28d: {  	[sflag:s6] =	ssyncset.done $0x0  }
0x28e: {  	s8 =	rddreg [dreg:$0xf];
	[sflag:s6] =	ssyncadd.s32 $0xFFFFF800  }
0x28f: {  	[hbm4b:s8+s2] =	stream.linear.scatter [tilespmem:s21], [sflag:$0x2], $0x800, $0x38;
	[tilespmem:$0xDD00] =	vst v63  }
0x290: {  	_ =	swait.ge [sflag:s6], $0x800  }
0x291: {  	[sflag:s6] =	ssyncset.done $0x0  }
0x292: {  	s9 =	rddreg [dreg:$0x10];
	[sflag:s6] =	ssyncadd.s32 $0xFFFFF800  }
0x293: {  	[hbm4b:s9+s2] =	stream.linear.scatter [tilespmem:s20], [sflag:$0x2], $0x800, $0x38;
	[tilespmem:$0xDD00] =	vst v63  }
0x294: {  	_ =	swait.ge [sflag:s6], $0x800  }
0x295: {  	[sflag:s6] =	ssyncset.done $0x0  }
0x296: {  	s10 =	rddreg [dreg:$0x11];
	[sflag:s6] =	ssyncadd.s32 $0xFFFFF800  }
0x297: {  	[hbm4b:s10+s2] =	stream.linear.scatter [tilespmem:s19], [sflag:$0x2], $0x800, $0x38;
	[tilespmem:$0xDD00] =	vst v63  }
0x298: {  	_ =	swait.ge [sflag:s6], $0x800  }
0x299: {  	[sflag:s6] =	ssyncset.done $0x0  }
0x29a: {  	s19 =	rddreg [dreg:$0x12];
	[sflag:s6] =	ssyncadd.s32 $0xFFFFF800  }
0x29b: {  	[hbm4b:s19+s2] =	stream.linear.scatter [tilespmem:s18], [sflag:$0x2], $0x800, $0x38;
	[tilespmem:$0xDD00] =	vst v63  }
0x29c: {  	_ =	swait.ge [sflag:s6], $0x800  }
0x29d: {  	[sflag:s6] =	ssyncset.done $0x0  }
0x29e: {  	s20 =	rddreg [dreg:$0x13];
	[sflag:s6] =	ssyncadd.s32 $0xFFFFF800  }
0x29f: {  	[hbm4b:s20+s2] =	stream.linear.scatter [tilespmem:s17], [sflag:$0x2], $0x800, $0x38;
	[tilespmem:$0xDD00] =	vst v63  }
0x2a0: {  	_ =	swait.ge [sflag:s6], $0x800  }
0x2a1: {  	[sflag:s6] =	ssyncset.done $0x0  }
0x2a2: {  	s21 =	rddreg [dreg:$0x14];
	[sflag:s6] =	ssyncadd.s32 $0xFFFFF800  }
0x2a3: {  	[hbm4b:s21+s2] =	stream.linear.scatter [tilespmem:s16], [sflag:$0x2], $0x800, $0x38;
	[tilespmem:$0xDD00] =	vst v63  }
0x2a4: {  	_ =	swait.ge [sflag:s6], $0x800  }
0x2a5: {  	[sflag:s6] =	ssyncset.done $0x0  }
0x2a6: {  	s22 =	rddreg [dreg:$0x15];
	[sflag:s6] =	ssyncadd.s32 $0xFFFFF800  }
0x2a7: {  	[hbm4b:s22+s2] =	stream.linear.scatter [tilespmem:s15], [sflag:$0x2], $0x800, $0x38;
	[tilespmem:$0xDD00] =	vst v63  }
0x2a8: {  	_ =	swait.ge [sflag:s6], $0x800  }
0x2a9: {  	[sflag:s6] =	ssyncset.done $0x0  }
0x2aa: {  	s23 =	rddreg [dreg:$0x16];
	[sflag:s6] =	ssyncadd.s32 $0xFFFFF800  }
0x2ab: {  	[hbm4b:s23+s2] =	stream.linear.scatter [tilespmem:s14], [sflag:$0x2], $0x800, $0x38;
	[tilespmem:$0xDD00] =	vst v63  }
0x2ac: {  	_ =	swait.ge [sflag:s6], $0x800  }
0x2ad: {  	[sflag:s6] =	ssyncset.done $0x0  }
0x2ae: {  	s24 =	rddreg [dreg:$0x17];
	[sflag:s6] =	ssyncadd.s32 $0xFFFFF800  }
0x2af: {  	[hbm4b:s24+s2] =	stream.linear.scatter [tilespmem:s13], [sflag:$0x2], $0x800, $0x38;
	[tilespmem:$0xDD00] =	vst v63  }
0x2b0: {  	_ =	swait.ge [sflag:s6], $0x800  }
0x2b1: {  	[sflag:s6] =	ssyncset.done $0x0  }
0x2b2: {  	s25 =	rddreg [dreg:$0x18];
	[sflag:s6] =	ssyncadd.s32 $0xFFFFF800  }
0x2b3: {  	[hbm4b:s25+s2] =	stream.linear.scatter [tilespmem:s12], [sflag:$0x2], $0x800, $0x38;
	[tilespmem:$0xDD00] =	vst v63  }
0x2b4: {  	_ =	swait.ge [sflag:s6], $0x800  }
0x2b5: {  	[sflag:s6] =	ssyncset.done $0x0  }
0x2b6: {  	s28 =	simm.s32 $0xC500;
	s26 =	rddreg [dreg:$0x19];
	[sflag:s6] =	ssyncadd.s32 $0xFFFFF800  }
0x2b7: {  	[hbm4b:s26+s2] =	stream.linear.scatter [tilespmem:s28], [sflag:$0x2], $0x800, $0x38;
	[tilespmem:$0xDD00] =	vst v63  }
0x2b8: {  	_ =	swait.ge [sflag:s6], $0x800  }
0x2b9: {  	[sflag:s6] =	ssyncset.done $0x0  }
0x2ba: {  	s11 =	simm.s32 $0xCD00;
	s29 =	rddreg [dreg:$0x1a];
	[sflag:s6] =	ssyncadd.s32 $0xFFFFF800  }
0x2bb: {  	[hbm4b:s29+s2] =	stream.linear.scatter [tilespmem:s11], [sflag:$0x2], $0x800, $0x38;
	[tilespmem:$0xDD00] =	vst v63  }
0x2bc: {  	_ =	swait.ge [sflag:s6], $0x800  }
0x2bd: {  	[sflag:s6] =	ssyncset.done $0x0  }
0x2be: {  	s30 =	rddreg [dreg:$0x1b];
	[sflag:s6] =	ssyncadd.s32 $0xFFFFF800  }
0x2bf: {  	[hbm4b:s30+s2] =	stream.linear.scatter [tilespmem:s5], [sflag:$0x2], $0x800, $0x38;
	[tilespmem:$0xDD00] =	vst v63  }
0x2c0: {  	_ =	swait.ge [sflag:s3], $0x800  }
0x2c1: {  	[sflag:s3] =	ssyncset.done $0x0  }
0x2c2: {  	[sflag:s3] =	ssyncadd.s32 $0xFFFFF800  }
0x2c3: {  	_ =	swait.ge [sflag:s3], $0x800  }
0x2c4: {  	[sflag:s3] =	ssyncset.done $0x0  }
0x2c5: {  	[sflag:s3] =	ssyncadd.s32 $0xFFFFF800  }
0x2c6: {  	_ =	swait.ge [sflag:s3], $0x800  }
0x2c7: {  	[sflag:s3] =	ssyncset.done $0x0  }
0x2c8: {  	[sflag:s3] =	ssyncadd.s32 $0xFFFFF800  }
0x2c9: {  	_ =	swait.ge [sflag:s3], $0x800  }
0x2ca: {  	[sflag:s3] =	ssyncset.done $0x0  }
0x2cb: {  	[sflag:s3] =	ssyncadd.s32 $0xFFFFF800  }
0x2cc: {  	_ =	swait.ge [sflag:s3], $0x800  }
0x2cd: {  	[sflag:s3] =	ssyncset.done $0x0  }
0x2ce: {  	[sflag:s3] =	ssyncadd.s32 $0xFFFFF800  }
0x2cf: {  	_ =	swait.ge [sflag:s3], $0x800  }
0x2d0: {  	[sflag:s3] =	ssyncset.done $0x0  }
0x2d1: {  	[sflag:s3] =	ssyncadd.s32 $0xFFFFF800  }
0x2d2: {  	_ =	swait.ge [sflag:s3], $0x800  }
0x2d3: {  	[sflag:s3] =	ssyncset.done $0x0  }
0x2d4: {  	[sflag:s3] =	ssyncadd.s32 $0xFFFFF800  }
0x2d5: {  	_ =	swait.ge [sflag:s3], $0x800  }
0x2d6: {  	[sflag:s3] =	ssyncset.done $0x0  }
0x2d7: {  	[sflag:s3] =	ssyncadd.s32 $0xFFFFF800  }
0x2d8: {  	_ =	swait.ge [sflag:s3], $0x800  }
0x2d9: {  	[sflag:s3] =	ssyncset.done $0x0  }
0x2da: {  	[sflag:s3] =	ssyncadd.s32 $0xFFFFF800  }
0x2db: {  	_ =	swait.ge [sflag:s3], $0x800  }
0x2dc: {  	[sflag:s3] =	ssyncset.done $0x0  }
0x2dd: {  	[sflag:s3] =	ssyncadd.s32 $0xFFFFF800  }
0x2de: {  	_ =	swait.ge [sflag:s3], $0x800  }
0x2df: {  	[sflag:s3] =	ssyncset.done $0x0  }
0x2e0: {  	[sflag:s3] =	ssyncadd.s32 $0xFFFFF800  }
0x2e1: {  	_ =	swait.ge [sflag:s3], $0x800  }
0x2e2: {  	[sflag:s3] =	ssyncset.done $0x0  }
0x2e3: {  	[sflag:s3] =	ssyncadd.s32 $0xFFFFF800  }
0x2e4: {  	_ =	swait.ge [sflag:s3], $0x800  }
0x2e5: {  	[sflag:s3] =	ssyncset.done $0x0  }
0x2e6: {  	[sflag:s3] =	ssyncadd.s32 $0xFFFFF800  }
0x2e7: {  	_ =	swait.ge [sflag:s3], $0x800  }
0x2e8: {  	[sflag:s3] =	ssyncset.done $0x0  }
0x2e9: {  	[sflag:s3] =	ssyncadd.s32 $0xFFFFF800  }
0x2ea: {  	_ =	swait.ge [sflag:s3], $0x800  }
0x2eb: {  	[sflag:s3] =	ssyncset.done $0x0  }
0x2ec: {  	[sflag:s3] =	ssyncadd.s32 $0xFFFFF800  }
0x2ed: {  	_ =	swait.ge [sflag:s3], $0x800  }
0x2ee: {  	[sflag:s3] =	ssyncset.done $0x0  }
0x2ef: {  	[sflag:s3] =	ssyncadd.s32 $0xFFFFF800  }
0x2f0: {  	_ =	swait.ge [sflag:s3], $0x800  }
0x2f1: {  	[sflag:s3] =	ssyncset.done $0x0  }
0x2f2: {  	[sflag:s3] =	ssyncadd.s32 $0xFFFFF800  }
0x2f3: {  	_ =	swait.ge [sflag:s3], $0x800  }
0x2f4: {  	[sflag:s3] =	ssyncset.done $0x0  }
0x2f5: {  	[sflag:s3] =	ssyncadd.s32 $0xFFFFF800  }
0x2f6: {  	_ =	swait.ge [sflag:s3], $0x800  }
0x2f7: {  	[sflag:s3] =	ssyncset.done $0x0  }
0x2f8: {  	[sflag:s3] =	ssyncadd.s32 $0xFFFFF800  }
0x2f9: {  	_ =	swait.ge [sflag:s3], $0x800  }
0x2fa: {  	[sflag:s3] =	ssyncset.done $0x0  }
0x2fb: {  	[sflag:s3] =	ssyncadd.s32 $0xFFFFF800  }
0x2fc: {  	_ =	swait.ge [sflag:s3], $0x800  }
0x2fd: {  	[sflag:s3] =	ssyncset.done $0x0  }
0x2fe: {  	[sflag:s3] =	ssyncadd.s32 $0xFFFFF800  }
0x2ff: {  	_ =	swait.ge [sflag:s3], $0x800  }
0x300: {  	[sflag:s3] =	ssyncset.done $0x0  }
0x301: {  	[sflag:s3] =	ssyncadd.s32 $0xFFFFF800  }
0x302: {  	_ =	swait.ge [sflag:s3], $0x800  }
0x303: {  	[sflag:s3] =	ssyncset.done $0x0  }
0x304: {  	[sflag:s3] =	ssyncadd.s32 $0xFFFFF800  }
0x305: {  	_ =	swait.ge [sflag:s3], $0x800  }
0x306: {  	[sflag:s3] =	ssyncset.done $0x0  }
0x307: {  	[sflag:s3] =	ssyncadd.s32 $0xFFFFF800  }
0x308: {  	_ =	swait.ge [sflag:s3], $0x800  }
0x309: {  	[sflag:s3] =	ssyncset.done $0x0  }
0x30a: {  	[sflag:s3] =	ssyncadd.s32 $0xFFFFF800  }
0x30b: {  	_ =	swait.ge [sflag:s3], $0x800  }
0x30c: {  	[sflag:s3] =	ssyncset.done $0x0  }
0x30d: {  	[sflag:s3] =	ssyncadd.s32 $0xFFFFF800  }
0x30e: {  	_ =	sfence.sel $0x180000  }
0x30f: {  	[bflag:$0x0] =	sbarrier.arrive $0xFFFF  }
0x310: {  	_ =	strace $0x90000047  }
0x311: {  	s31 =	stileid.u32;
	[bflag:$0x2] =	sbarrier.arrive $0xFFFF  }
0x312: {  	p0 =	sne.s32 s31, $0x0;
	s0 =	rddreg [dreg:$0x1]  }
0x313: {  	s0 =	sadd.s32 @!p0 $0x100000, s0  }
0x314: {  	[sflag:s0] =	ssyncadd.tile.s32 @!p0 $0x1;
	_ =	shalt  }
.LBB2_1:
.Ltmp3:
0x315: {  	(pc) =	sbr.rel .LBB2_6-.Ltmp3, $2  }
0x316: {  	_ =	sdelay $0x2  }
0x317: {  	s30 =	sld [smem:$0x7E9]  }
.LBB2_7:
.Ltmp4:
0x318: {  	(pc) =	sbr.rel .LBB2_6-.Ltmp4, $2  }
0x319: {  	_ =	sdelay $0x2  }
0x31a: {  	s30 =	sld [smem:$0x7E9];
	s7 =	simm.s32 $0xD00;
	s5 =	simm.s32 $0x3  }
.Lfunc_end2:
_tile_overlayer_lowered:
.L_overlay_start_2:
0x31b: {  	(tag) =	ssettag $0x2  }
0x31c: {  	s0 =	rddreg [dreg:$0x0];
	s2 =	stileid.u32  }
0x31d: {  	s1 =	rddreg [dreg:$0x1];
	p0 =	sne.s32 s2, $0x0  }
0x31e: {  	s3 =	rddreg [dreg:$0x2];
	[bflag:$0x3] =	sbarrier.arrive $0xFFFF;
	s2 =	simm.s32 @!p0 $0x1C03  }
0x31f: {  	[timem:s3], [sflag:s2] =	dma.local @!p0 [hbm:s0], s1  }
0x320: {  	s0 =	simm.s32 @!p0 $0x3  }
0x321: {  	_ =	swait.ge @!p0 [sflag:s0], s1  }
0x322: {  	s1 =	ssub.s32 @!p0 $0x0, s1;
	[sflag:s0] =	ssyncset.done @!p0 $0x0  }
0x323: {  	[sflag:s0] =	ssyncadd.s32 @!p0 s1  }
0x324: {  	[bflag:$0x3] =	sbarrier.arrive $0xFFFF  }
0x325: {  	_ =	shalt  }

</sc_bundles>
